<compile_context>
chip_gen: v7x
topology: tpu7x:2x2x1
jax: 0.10.2.dev20260603
libtpu: 0.0.44.dev20260713+nightly
codegen_flags: <defaults>
</compile_context>

<pallas_src>
import functools

import jax
import jax.numpy as jnp
from jax import lax
from jax.experimental import pallas as pl
from jax.experimental.pallas import tpu as pltpu
from jax.experimental.pallas import tpu_sc as plsc


@functools.lru_cache(maxsize=None)
def _make_gather(n_rows: int, n_tags: int, d: int, seq: int):
    info = plsc.get_sparse_core_info()
    nc, ns = info.num_cores, info.num_subcores
    nw = nc * ns
    per_w = n_rows // nw
    g = 128 // d
    sg = seq // g
    chunk = 128 * g
    sub = 128
    n_sub = chunk // sub
    assert per_w == sg * chunk and sg % 2 == 0

    mesh = plsc.VectorSubcoreMesh(core_axis_name="c", subcore_axis_name="s")

    @functools.partial(
        pl.kernel,
        mesh=mesh,
        out_type=jax.ShapeDtypeStruct((n_rows, d), jnp.float32),
        scratch_types=[
            pltpu.VMEM((per_w,), jnp.int32),
            pltpu.VMEM((per_w,), jnp.int32),
            pltpu.VMEM((chunk, d), jnp.float32),
            pltpu.VMEM((chunk, d), jnp.float32),
            pltpu.VMEM((chunk, d), jnp.float32),
            pltpu.VMEM((chunk, d), jnp.float32),
            pltpu.SemaphoreType.DMA,
            pltpu.SemaphoreType.DMA,
            pltpu.SemaphoreType.DMA,
            pltpu.SemaphoreType.DMA,
            pltpu.SemaphoreType.DMA,
            pltpu.SemaphoreType.DMA,
            pltpu.SemaphoreType.DMA,
            pltpu.SemaphoreType.DMA,
        ],
        compiler_params=pltpu.CompilerParams(
            use_tc_tiling_on_sc=False, needs_layout_passes=False),
    )
    def k(x_hbm, tab_hbm, out_hbm, xblk, idx_all, rows0, rows1, rows2, rows3,
          sg0, sg1, sg2, sg3, so0, so1, so2, so3):
        rows_v = (rows0, rows1, rows2, rows3)
        sem_gat = (sg0, sg1, sg2, sg3)
        sem_out = (so0, so1, so2, so3)

        wid = lax.axis_index("s") * nc + lax.axis_index("c")
        base_w = wid * per_w

        pltpu.sync_copy(x_hbm.at[pl.ds(base_w, per_w)], xblk)

        iota = lax.iota(jnp.int32, 16)
        base_off = (iota >> 2) * seq + (iota & (g - 1))

        def build_group(c):
            def bg(v, carry):
                off = base_off + v * (4 * seq) + c * g
                vals = plsc.load_gather(xblk, [off])
                idx_all[pl.ds(c * chunk + v * 16, 16)] = vals
                return carry

            lax.fori_loop(0, chunk // 16, bg, 0)

        def gather_copy(c, b, j):
            return pltpu.make_async_copy(
                tab_hbm.at[idx_all.at[pl.ds(c * chunk + j * sub, sub)]],
                rows_v[b].at[pl.ds(j * sub, sub)], sem_gat[b])

        def store_copy(c, b):
            return pltpu.make_async_copy(
                rows_v[b], out_hbm.at[pl.ds(base_w + c * chunk, chunk)],
                sem_out[b])

        def fire(c, b):
            for j in range(n_sub):
                gather_copy(c, b, j).start()

        def drain(c, b):
            for j in range(n_sub):
                gather_copy(c, b, j).wait()

        def step(c, b, static):
            if static:
                if c >= 2:
                    store_copy(c - 2, (b + 2) % 4).wait()
                if c + 2 < sg:
                    fire(c + 2, (b + 2) % 4)
                if c + 3 < sg:
                    build_group(c + 3)
            else:
                store_copy(c - 2, (b + 2) % 4).wait()

                @pl.when(c + 2 < sg)
                def _():
                    fire(c + 2, (b + 2) % 4)

                @pl.when(c + 3 < sg)
                def _():
                    build_group(c + 3)

            drain(c, b)
            store_copy(c, b).start()

        build_group(0)
        build_group(1)
        build_group(2)
        fire(0, 0)
        fire(1, 1)
        step(0, 0, True)
        step(1, 1, True)

        def body(kk, carry):
            for u in range(4):
                step(2 + 4 * kk + u, (2 + u) % 4, False)
            return carry

        lax.fori_loop(0, (sg - 2) // 4, body, 0)
        store_copy(sg - 2, (sg - 2) % 4).wait()
        store_copy(sg - 1, (sg - 1) % 4).wait()

    return k


@functools.lru_cache(maxsize=None)
def _make_transpose(batch: int, seq: int, d: int):
    g = 128 // d
    sg = seq // g
    tb = batch // 128
    te = d // 8

    def body(in_ref, out_ref):
        for gi in range(sg):
            m = in_ref[0, pl.ds(gi * 128, 128), :]
            mt = jnp.transpose(m, (1, 0))
            out_ref[pl.ds(g * gi, g), :, 0, :, :] = mt.reshape(g, te, 8, 128)

    return pl.pallas_call(
        body,
        grid=(tb,),
        in_specs=[pl.BlockSpec((1, sg * 128, 128), lambda i: (i, 0, 0))],
        out_specs=pl.BlockSpec((seq, te, 1, 8, 128), lambda i: (0, 0, i, 0, 0)),
        out_shape=jax.ShapeDtypeStruct((seq, te, tb, 8, 128), jnp.float32),
    )


def kernel(x, embed_weight):
    b, s = x.shape
    n_tags, d = embed_weight.shape
    g = 128 // d
    sg = s // g
    tb = b // 128
    flat = x.reshape(b * s).astype(jnp.int32)
    tab = embed_weight.astype(jnp.float32)
    p1 = _make_gather(b * s, n_tags, d, s)(flat, tab)
    p3 = p1.reshape(tb, sg * 128, 128)
    o5 = _make_transpose(b, s, d)(p3)
    return o5.transpose(2, 4, 0, 1, 3).reshape(b, s, d)

# --- scband reference (transcript-rebuilt; emitter-appended) ---
"""Pipeline reference for scband-token-encoder-24824910971375 (READ-ONLY COPY).

The authoritative reference and input builder live on the scoring server;
editing this copy changes nothing except your own understanding.
"""

import jax, jax.numpy as jnp
import numpy as np

NUM_TAGS = 100000
EMBED_SIZE = 32
BATCH = 4096
SEQ = 200

def setup_inputs(seed: int = 0) -> dict:
    key = jax.random.key(seed)
    k1, k2 = jax.random.split(key)
    x = jax.random.randint(k1, (BATCH, SEQ), 0, NUM_TAGS, dtype=jnp.int64) if jax.config.jax_enable_x64 else jax.random.randint(k1, (BATCH, SEQ), 0, NUM_TAGS, dtype=jnp.int32)
    # embedding table, initialized like nn.Embedding (N(0,1))
    embed_weight = jax.random.normal(k2, (NUM_TAGS, EMBED_SIZE), dtype=jnp.float32)
    return {"x": x, "embed_weight": embed_weight}

def reference(x, embed_weight):
    # embed_size > 0 branch: embedding lookup followed by dropout.
    # Module is evaluated in inference mode (training=False) and drop_prob=0.0,
    # so dropout is the identity.
    emb = jnp.take(embed_weight, x, axis=0)
    return emb

if __name__ == "__main__":
    import jax
    _d = setup_inputs()
    print(jax.jit(kernel)(*tuple(_d.values())))

</pallas_src>

<mosaic_0001>
#map = affine_map<(d0, d1) -> (0)>
#map1 = affine_map<(d0, d1) -> (0, 0)>
module attributes {stable_mosaic.version = 14 : i64} {
  func.func @k(%arg0: i32, %arg1: i32, %arg2: memref<819200xi32, #tpu.memory_space<hbm>>, %arg3: memref<100000x32xf32, #tpu.memory_space<hbm>>, %arg4: memref<819200x32xf32, #tpu.memory_space<hbm>>, %arg5: memref<25600xi32, #tpu.memory_space<vmem>>, %arg6: memref<25600xi32, #tpu.memory_space<vmem>>, %arg7: memref<512x32xf32, #tpu.memory_space<vmem>>, %arg8: memref<512x32xf32, #tpu.memory_space<vmem>>, %arg9: memref<512x32xf32, #tpu.memory_space<vmem>>, %arg10: memref<512x32xf32, #tpu.memory_space<vmem>>, %arg11: memref<!tpu.dma_semaphore, #tpu.memory_space<semaphore_mem>>, %arg12: memref<!tpu.dma_semaphore, #tpu.memory_space<semaphore_mem>>, %arg13: memref<!tpu.dma_semaphore, #tpu.memory_space<semaphore_mem>>, %arg14: memref<!tpu.dma_semaphore, #tpu.memory_space<semaphore_mem>>, %arg15: memref<!tpu.dma_semaphore, #tpu.memory_space<semaphore_mem>>, %arg16: memref<!tpu.dma_semaphore, #tpu.memory_space<semaphore_mem>>, %arg17: memref<!tpu.dma_semaphore, #tpu.memory_space<semaphore_mem>>, %arg18: memref<!tpu.dma_semaphore, #tpu.memory_space<semaphore_mem>>) attributes {dimension_semantics = [#tpu.dimension_semantics<core_parallel>, #tpu.dimension_semantics<subcore_parallel>], iteration_bounds = array<i64: 2, 16>, scalar_prefetch = 0 : i64, scratch_operands = 14 : i64, tpu.core_type = #tpu.core_type<sc_vector_subcore>, window_params = [{transform_indices = #map}, {transform_indices = #map1}, {transform_indices = #map1}]} {
    %mul3A = arith.constant 2 : i32
    %mul3A_0 = arith.muli %arg1, %mul3A : i32
    %add3A = arith.addi %mul3A_0, %arg0 : i32
    %mul3A_1 = arith.constant 25600 : i32
    %mul3A_2 = arith.muli %add3A, %mul3A_1 : i32
    "tpu.region"() ({
      %run_scoped3A = tpu.sem_alloc : memref<!tpu.dma_semaphore, #tpu.memory_space<semaphore_mem>>
      %dma_start3A_260 = tpu.memref_slice %arg2[%mul3A_2] : memref<819200xi32, #tpu.memory_space<hbm>> -> memref<25600xi32, #tpu.memory_space<hbm>>
      %dma_start3A_261 = tpu.memref_slice %arg2[%mul3A_2] : memref<819200xi32, #tpu.memory_space<hbm>> -> memref<25600xi32, #tpu.memory_space<hbm>>
      tpu.enqueue_dma source(%dma_start3A_261 : memref<25600xi32, #tpu.memory_space<hbm>>) target(%arg5 : memref<25600xi32, #tpu.memory_space<vmem>>) target_semaphore(%run_scoped3A : memref<!tpu.dma_semaphore, #tpu.memory_space<semaphore_mem>>)
      %dma_wait3A_262 = tpu.memref_slice %arg2[%mul3A_2] : memref<819200xi32, #tpu.memory_space<hbm>> -> memref<25600xi32, #tpu.memory_space<hbm>>
      %dma_wait3A_263 = tpu.memref_slice %arg2[%mul3A_2] : memref<819200xi32, #tpu.memory_space<hbm>> -> memref<25600xi32, #tpu.memory_space<hbm>>
      tpu.wait_dma2 semaphore(%run_scoped3A : memref<!tpu.dma_semaphore, #tpu.memory_space<semaphore_mem>>) src(%dma_wait3A_263 : memref<25600xi32, #tpu.memory_space<hbm>>) dst(%arg5 : memref<25600xi32, #tpu.memory_space<vmem>>)
      tpu.yield
    }) : () -> ()
    %iota3A = tpu.iota {dimensions = array<i32: 0>} : vector<16xi32>
    %shift_right_arithmetic3A = arith.constant 2 : i32
    %shift_right_arithmetic3A_3 = vector.broadcast %shift_right_arithmetic3A : i32 to vector<16xi32>
    %shift_right_arithmetic3A_4 = arith.shrsi %iota3A, %shift_right_arithmetic3A_3 : vector<16xi32>
    %mul3A_5 = arith.constant 200 : i32
    %mul3A_6 = vector.broadcast %mul3A_5 : i32 to vector<16xi32>
    %mul3A_7 = arith.muli %shift_right_arithmetic3A_4, %mul3A_6 : vector<16xi32>
    %and3A = arith.constant 3 : i32
    %and3A_8 = vector.broadcast %and3A : i32 to vector<16xi32>
    %and3A_9 = arith.andi %iota3A, %and3A_8 : vector<16xi32>
    %add3A_10 = arith.addi %mul3A_7, %and3A_9 : vector<16xi32>
    %scan3A = arith.constant 0 : i32
    %scan3A_11 = arith.constant 0 : i32
    %scan3A_12 = arith.constant 32 : i32
    %scan3A_13 = arith.addi %scan3A_11, %scan3A_12 : i32
    %scan3A_14 = arith.constant 1 : i32
    scf.for %scan3A_260 = %scan3A_11 to %scan3A_13 step %scan3A_14  : i32 {
      %mul3A_261 = arith.constant 800 : i32
      %mul3A_262 = arith.muli %scan3A_260, %mul3A_261 : i32
      %add3A_263 = vector.broadcast %mul3A_262 : i32 to vector<16xi32>
      %add3A_264 = arith.addi %add3A_10, %add3A_263 : vector<16xi32>
      %add3A_265 = arith.constant 0 : i32
      %add3A_266 = vector.broadcast %add3A_265 : i32 to vector<16xi32>
      %add3A_267 = arith.addi %add3A_264, %add3A_266 : vector<16xi32>
      %gather3A = tpu.vector_load_idx %arg5[%add3A_267] : memref<25600xi32, #tpu.memory_space<vmem>>[vector<16xi32>], vector<16xi32>,
      %mul3A_268 = arith.constant 16 : i32
      %mul3A_269 = arith.muli %scan3A_260, %mul3A_268 : i32
      %add3A_270 = arith.constant 0 : i32
      %add3A_271 = arith.addi %add3A_270, %mul3A_269 : i32
      %swap3A = arith.index_cast %add3A_271 : i32 to index
      %swap3A_272 = tpu.vector_load %arg6[%swap3A] {strides = array<i32>} : memref<25600xi32, #tpu.memory_space<vmem>>, vector<16xi32>,
      tpu.vector_store %arg6[%swap3A], %gather3A {strides = array<i32>} : memref<25600xi32, #tpu.memory_space<vmem>>, vector<16xi32>,
    }
    %scan3A_15 = arith.constant 32 : i32
    %scan3A_16 = arith.constant 0 : i32
    %scan3A_17 = arith.constant 0 : i32
    %scan3A_18 = arith.constant 32 : i32
    %scan3A_19 = arith.addi %scan3A_17, %scan3A_18 : i32
    %scan3A_20 = arith.constant 1 : i32
    scf.for %scan3A_260 = %scan3A_17 to %scan3A_19 step %scan3A_20  : i32 {
      %mul3A_261 = arith.constant 800 : i32
      %mul3A_262 = arith.muli %scan3A_260, %mul3A_261 : i32
      %add3A_263 = vector.broadcast %mul3A_262 : i32 to vector<16xi32>
      %add3A_264 = arith.addi %add3A_10, %add3A_263 : vector<16xi32>
      %add3A_265 = arith.constant 4 : i32
      %add3A_266 = vector.broadcast %add3A_265 : i32 to vector<16xi32>
      %add3A_267 = arith.addi %add3A_264, %add3A_266 : vector<16xi32>
      %gather3A = tpu.vector_load_idx %arg5[%add3A_267] : memref<25600xi32, #tpu.memory_space<vmem>>[vector<16xi32>], vector<16xi32>,
      %mul3A_268 = arith.constant 16 : i32
      %mul3A_269 = arith.muli %scan3A_260, %mul3A_268 : i32
      %add3A_270 = arith.constant 512 : i32
      %add3A_271 = arith.addi %add3A_270, %mul3A_269 : i32
      %swap3A = arith.index_cast %add3A_271 : i32 to index
      %swap3A_272 = tpu.vector_load %arg6[%swap3A] {strides = array<i32>} : memref<25600xi32, #tpu.memory_space<vmem>>, vector<16xi32>,
      tpu.vector_store %arg6[%swap3A], %gather3A {strides = array<i32>} : memref<25600xi32, #tpu.memory_space<vmem>>, vector<16xi32>,
    }
    %scan3A_21 = arith.constant 32 : i32
    %scan3A_22 = arith.constant 0 : i32
    %scan3A_23 = arith.constant 0 : i32
    %scan3A_24 = arith.constant 32 : i32
    %scan3A_25 = arith.addi %scan3A_23, %scan3A_24 : i32
    %scan3A_26 = arith.constant 1 : i32
    scf.for %scan3A_260 = %scan3A_23 to %scan3A_25 step %scan3A_26  : i32 {
      %mul3A_261 = arith.constant 800 : i32
      %mul3A_262 = arith.muli %scan3A_260, %mul3A_261 : i32
      %add3A_263 = vector.broadcast %mul3A_262 : i32 to vector<16xi32>
      %add3A_264 = arith.addi %add3A_10, %add3A_263 : vector<16xi32>
      %add3A_265 = arith.constant 8 : i32
      %add3A_266 = vector.broadcast %add3A_265 : i32 to vector<16xi32>
      %add3A_267 = arith.addi %add3A_264, %add3A_266 : vector<16xi32>
      %gather3A = tpu.vector_load_idx %arg5[%add3A_267] : memref<25600xi32, #tpu.memory_space<vmem>>[vector<16xi32>], vector<16xi32>,
      %mul3A_268 = arith.constant 16 : i32
      %mul3A_269 = arith.muli %scan3A_260, %mul3A_268 : i32
      %add3A_270 = arith.constant 1024 : i32
      %add3A_271 = arith.addi %add3A_270, %mul3A_269 : i32
      %swap3A = arith.index_cast %add3A_271 : i32 to index
      %swap3A_272 = tpu.vector_load %arg6[%swap3A] {strides = array<i32>} : memref<25600xi32, #tpu.memory_space<vmem>>, vector<16xi32>,
      tpu.vector_store %arg6[%swap3A], %gather3A {strides = array<i32>} : memref<25600xi32, #tpu.memory_space<vmem>>, vector<16xi32>,
    }
    %scan3A_27 = arith.constant 32 : i32
    %dma_start3A = arith.constant 0 : i32
    %dma_start3A_28 = arith.constant 0 : i32
    %dma_start3A_29 = tpu.memref_slice %arg7[%dma_start3A, %dma_start3A_28] : memref<512x32xf32, #tpu.memory_space<vmem>> -> memref<128x32xf32, #tpu.memory_space<vmem>>
    %dma_start3A_30 = arith.constant 0 : i32
    %dma_start3A_31 = tpu.memref_slice %arg6[%dma_start3A_30] : memref<25600xi32, #tpu.memory_space<vmem>> -> memref<128xi32, #tpu.memory_space<vmem>>
    %dma_start3A_32 = arith.constant 0 : i32
    %dma_start3A_33 = arith.constant 0 : i32
    %dma_start3A_34 = tpu.memref_slice %arg3[%dma_start3A_32, %dma_start3A_33] : memref<100000x32xf32, #tpu.memory_space<hbm>> -> memref<100000x32xf32, #tpu.memory_space<hbm>>
    tpu.enqueue_indirect_dma source(%dma_start3A_34 : memref<100000x32xf32, #tpu.memory_space<hbm>>) target(%dma_start3A_29 : memref<128x32xf32, #tpu.memory_space<vmem>>) offsets(%dma_start3A_31 : memref<128xi32, #tpu.memory_space<vmem>>) semaphore(%arg11 : memref<!tpu.dma_semaphore, #tpu.memory_space<semaphore_mem>>)
    %dma_start3A_35 = arith.constant 128 : i32
    %dma_start3A_36 = arith.constant 0 : i32
    %dma_start3A_37 = tpu.memref_slice %arg7[%dma_start3A_35, %dma_start3A_36] : memref<512x32xf32, #tpu.memory_space<vmem>> -> memref<128x32xf32, #tpu.memory_space<vmem>>
    %dma_start3A_38 = arith.constant 128 : i32
    %dma_start3A_39 = tpu.memref_slice %arg6[%dma_start3A_38] : memref<25600xi32, #tpu.memory_space<vmem>> -> memref<128xi32, #tpu.memory_space<vmem>>
    %dma_start3A_40 = arith.constant 0 : i32
    %dma_start3A_41 = arith.constant 0 : i32
    %dma_start3A_42 = tpu.memref_slice %arg3[%dma_start3A_40, %dma_start3A_41] : memref<100000x32xf32, #tpu.memory_space<hbm>> -> memref<100000x32xf32, #tpu.memory_space<hbm>>
    tpu.enqueue_indirect_dma source(%dma_start3A_42 : memref<100000x32xf32, #tpu.memory_space<hbm>>) target(%dma_start3A_37 : memref<128x32xf32, #tpu.memory_space<vmem>>) offsets(%dma_start3A_39 : memref<128xi32, #tpu.memory_space<vmem>>) semaphore(%arg11 : memref<!tpu.dma_semaphore, #tpu.memory_space<semaphore_mem>>)
    %dma_start3A_43 = arith.constant 256 : i32
    %dma_start3A_44 = arith.constant 0 : i32
    %dma_start3A_45 = tpu.memref_slice %arg7[%dma_start3A_43, %dma_start3A_44] : memref<512x32xf32, #tpu.memory_space<vmem>> -> memref<128x32xf32, #tpu.memory_space<vmem>>
    %dma_start3A_46 = arith.constant 256 : i32
    %dma_start3A_47 = tpu.memref_slice %arg6[%dma_start3A_46] : memref<25600xi32, #tpu.memory_space<vmem>> -> memref<128xi32, #tpu.memory_space<vmem>>
    %dma_start3A_48 = arith.constant 0 : i32
    %dma_start3A_49 = arith.constant 0 : i32
    %dma_start3A_50 = tpu.memref_slice %arg3[%dma_start3A_48, %dma_start3A_49] : memref<100000x32xf32, #tpu.memory_space<hbm>> -> memref<100000x32xf32, #tpu.memory_space<hbm>>
    tpu.enqueue_indirect_dma source(%dma_start3A_50 : memref<100000x32xf32, #tpu.memory_space<hbm>>) target(%dma_start3A_45 : memref<128x32xf32, #tpu.memory_space<vmem>>) offsets(%dma_start3A_47 : memref<128xi32, #tpu.memory_space<vmem>>) semaphore(%arg11 : memref<!tpu.dma_semaphore, #tpu.memory_space<semaphore_mem>>)
    %dma_start3A_51 = arith.constant 384 : i32
    %dma_start3A_52 = arith.constant 0 : i32
    %dma_start3A_53 = tpu.memref_slice %arg7[%dma_start3A_51, %dma_start3A_52] : memref<512x32xf32, #tpu.memory_space<vmem>> -> memref<128x32xf32, #tpu.memory_space<vmem>>
    %dma_start3A_54 = arith.constant 384 : i32
    %dma_start3A_55 = tpu.memref_slice %arg6[%dma_start3A_54] : memref<25600xi32, #tpu.memory_space<vmem>> -> memref<128xi32, #tpu.memory_space<vmem>>
    %dma_start3A_56 = arith.constant 0 : i32
    %dma_start3A_57 = arith.constant 0 : i32
    %dma_start3A_58 = tpu.memref_slice %arg3[%dma_start3A_56, %dma_start3A_57] : memref<100000x32xf32, #tpu.memory_space<hbm>> -> memref<100000x32xf32, #tpu.memory_space<hbm>>
    tpu.enqueue_indirect_dma source(%dma_start3A_58 : memref<100000x32xf32, #tpu.memory_space<hbm>>) target(%dma_start3A_53 : memref<128x32xf32, #tpu.memory_space<vmem>>) offsets(%dma_start3A_55 : memref<128xi32, #tpu.memory_space<vmem>>) semaphore(%arg11 : memref<!tpu.dma_semaphore, #tpu.memory_space<semaphore_mem>>)
    %dma_start3A_59 = arith.constant 0 : i32
    %dma_start3A_60 = arith.constant 0 : i32
    %dma_start3A_61 = tpu.memref_slice %arg8[%dma_start3A_59, %dma_start3A_60] : memref<512x32xf32, #tpu.memory_space<vmem>> -> memref<128x32xf32, #tpu.memory_space<vmem>>
    %dma_start3A_62 = arith.constant 512 : i32
    %dma_start3A_63 = tpu.memref_slice %arg6[%dma_start3A_62] : memref<25600xi32, #tpu.memory_space<vmem>> -> memref<128xi32, #tpu.memory_space<vmem>>
    %dma_start3A_64 = arith.constant 0 : i32
    %dma_start3A_65 = arith.constant 0 : i32
    %dma_start3A_66 = tpu.memref_slice %arg3[%dma_start3A_64, %dma_start3A_65] : memref<100000x32xf32, #tpu.memory_space<hbm>> -> memref<100000x32xf32, #tpu.memory_space<hbm>>
    tpu.enqueue_indirect_dma source(%dma_start3A_66 : memref<100000x32xf32, #tpu.memory_space<hbm>>) target(%dma_start3A_61 : memref<128x32xf32, #tpu.memory_space<vmem>>) offsets(%dma_start3A_63 : memref<128xi32, #tpu.memory_space<vmem>>) semaphore(%arg12 : memref<!tpu.dma_semaphore, #tpu.memory_space<semaphore_mem>>)
    %dma_start3A_67 = arith.constant 128 : i32
    %dma_start3A_68 = arith.constant 0 : i32
    %dma_start3A_69 = tpu.memref_slice %arg8[%dma_start3A_67, %dma_start3A_68] : memref<512x32xf32, #tpu.memory_space<vmem>> -> memref<128x32xf32, #tpu.memory_space<vmem>>
    %dma_start3A_70 = arith.constant 640 : i32
    %dma_start3A_71 = tpu.memref_slice %arg6[%dma_start3A_70] : memref<25600xi32, #tpu.memory_space<vmem>> -> memref<128xi32, #tpu.memory_space<vmem>>
    %dma_start3A_72 = arith.constant 0 : i32
    %dma_start3A_73 = arith.constant 0 : i32
    %dma_start3A_74 = tpu.memref_slice %arg3[%dma_start3A_72, %dma_start3A_73] : memref<100000x32xf32, #tpu.memory_space<hbm>> -> memref<100000x32xf32, #tpu.memory_space<hbm>>
    tpu.enqueue_indirect_dma source(%dma_start3A_74 : memref<100000x32xf32, #tpu.memory_space<hbm>>) target(%dma_start3A_69 : memref<128x32xf32, #tpu.memory_space<vmem>>) offsets(%dma_start3A_71 : memref<128xi32, #tpu.memory_space<vmem>>) semaphore(%arg12 : memref<!tpu.dma_semaphore, #tpu.memory_space<semaphore_mem>>)
    %dma_start3A_75 = arith.constant 256 : i32
    %dma_start3A_76 = arith.constant 0 : i32
    %dma_start3A_77 = tpu.memref_slice %arg8[%dma_start3A_75, %dma_start3A_76] : memref<512x32xf32, #tpu.memory_space<vmem>> -> memref<128x32xf32, #tpu.memory_space<vmem>>
    %dma_start3A_78 = arith.constant 768 : i32
    %dma_start3A_79 = tpu.memref_slice %arg6[%dma_start3A_78] : memref<25600xi32, #tpu.memory_space<vmem>> -> memref<128xi32, #tpu.memory_space<vmem>>
    %dma_start3A_80 = arith.constant 0 : i32
    %dma_start3A_81 = arith.constant 0 : i32
    %dma_start3A_82 = tpu.memref_slice %arg3[%dma_start3A_80, %dma_start3A_81] : memref<100000x32xf32, #tpu.memory_space<hbm>> -> memref<100000x32xf32, #tpu.memory_space<hbm>>
    tpu.enqueue_indirect_dma source(%dma_start3A_82 : memref<100000x32xf32, #tpu.memory_space<hbm>>) target(%dma_start3A_77 : memref<128x32xf32, #tpu.memory_space<vmem>>) offsets(%dma_start3A_79 : memref<128xi32, #tpu.memory_space<vmem>>) semaphore(%arg12 : memref<!tpu.dma_semaphore, #tpu.memory_space<semaphore_mem>>)
    %dma_start3A_83 = arith.constant 384 : i32
    %dma_start3A_84 = arith.constant 0 : i32
    %dma_start3A_85 = tpu.memref_slice %arg8[%dma_start3A_83, %dma_start3A_84] : memref<512x32xf32, #tpu.memory_space<vmem>> -> memref<128x32xf32, #tpu.memory_space<vmem>>
    %dma_start3A_86 = arith.constant 896 : i32
    %dma_start3A_87 = tpu.memref_slice %arg6[%dma_start3A_86] : memref<25600xi32, #tpu.memory_space<vmem>> -> memref<128xi32, #tpu.memory_space<vmem>>
    %dma_start3A_88 = arith.constant 0 : i32
    %dma_start3A_89 = arith.constant 0 : i32
    %dma_start3A_90 = tpu.memref_slice %arg3[%dma_start3A_88, %dma_start3A_89] : memref<100000x32xf32, #tpu.memory_space<hbm>> -> memref<100000x32xf32, #tpu.memory_space<hbm>>
    tpu.enqueue_indirect_dma source(%dma_start3A_90 : memref<100000x32xf32, #tpu.memory_space<hbm>>) target(%dma_start3A_85 : memref<128x32xf32, #tpu.memory_space<vmem>>) offsets(%dma_start3A_87 : memref<128xi32, #tpu.memory_space<vmem>>) semaphore(%arg12 : memref<!tpu.dma_semaphore, #tpu.memory_space<semaphore_mem>>)
    %dma_start3A_91 = arith.constant 0 : i32
    %dma_start3A_92 = arith.constant 0 : i32
    %dma_start3A_93 = tpu.memref_slice %arg9[%dma_start3A_91, %dma_start3A_92] : memref<512x32xf32, #tpu.memory_space<vmem>> -> memref<128x32xf32, #tpu.memory_space<vmem>>
    %dma_start3A_94 = arith.constant 1024 : i32
    %dma_start3A_95 = tpu.memref_slice %arg6[%dma_start3A_94] : memref<25600xi32, #tpu.memory_space<vmem>> -> memref<128xi32, #tpu.memory_space<vmem>>
    %dma_start3A_96 = arith.constant 0 : i32
    %dma_start3A_97 = arith.constant 0 : i32
    %dma_start3A_98 = tpu.memref_slice %arg3[%dma_start3A_96, %dma_start3A_97] : memref<100000x32xf32, #tpu.memory_space<hbm>> -> memref<100000x32xf32, #tpu.memory_space<hbm>>
    tpu.enqueue_indirect_dma source(%dma_start3A_98 : memref<100000x32xf32, #tpu.memory_space<hbm>>) target(%dma_start3A_93 : memref<128x32xf32, #tpu.memory_space<vmem>>) offsets(%dma_start3A_95 : memref<128xi32, #tpu.memory_space<vmem>>) semaphore(%arg13 : memref<!tpu.dma_semaphore, #tpu.memory_space<semaphore_mem>>)
    %dma_start3A_99 = arith.constant 128 : i32
    %dma_start3A_100 = arith.constant 0 : i32
    %dma_start3A_101 = tpu.memref_slice %arg9[%dma_start3A_99, %dma_start3A_100] : memref<512x32xf32, #tpu.memory_space<vmem>> -> memref<128x32xf32, #tpu.memory_space<vmem>>
    %dma_start3A_102 = arith.constant 1152 : i32
    %dma_start3A_103 = tpu.memref_slice %arg6[%dma_start3A_102] : memref<25600xi32, #tpu.memory_space<vmem>> -> memref<128xi32, #tpu.memory_space<vmem>>
    %dma_start3A_104 = arith.constant 0 : i32
    %dma_start3A_105 = arith.constant 0 : i32
    %dma_start3A_106 = tpu.memref_slice %arg3[%dma_start3A_104, %dma_start3A_105] : memref<100000x32xf32, #tpu.memory_space<hbm>> -> memref<100000x32xf32, #tpu.memory_space<hbm>>
    tpu.enqueue_indirect_dma source(%dma_start3A_106 : memref<100000x32xf32, #tpu.memory_space<hbm>>) target(%dma_start3A_101 : memref<128x32xf32, #tpu.memory_space<vmem>>) offsets(%dma_start3A_103 : memref<128xi32, #tpu.memory_space<vmem>>) semaphore(%arg13 : memref<!tpu.dma_semaphore, #tpu.memory_space<semaphore_mem>>)
    %dma_start3A_107 = arith.constant 256 : i32
    %dma_start3A_108 = arith.constant 0 : i32
    %dma_start3A_109 = tpu.memref_slice %arg9[%dma_start3A_107, %dma_start3A_108] : memref<512x32xf32, #tpu.memory_space<vmem>> -> memref<128x32xf32, #tpu.memory_space<vmem>>
    %dma_start3A_110 = arith.constant 1280 : i32
    %dma_start3A_111 = tpu.memref_slice %arg6[%dma_start3A_110] : memref<25600xi32, #tpu.memory_space<vmem>> -> memref<128xi32, #tpu.memory_space<vmem>>
    %dma_start3A_112 = arith.constant 0 : i32
    %dma_start3A_113 = arith.constant 0 : i32
    %dma_start3A_114 = tpu.memref_slice %arg3[%dma_start3A_112, %dma_start3A_113] : memref<100000x32xf32, #tpu.memory_space<hbm>> -> memref<100000x32xf32, #tpu.memory_space<hbm>>
    tpu.enqueue_indirect_dma source(%dma_start3A_114 : memref<100000x32xf32, #tpu.memory_space<hbm>>) target(%dma_start3A_109 : memref<128x32xf32, #tpu.memory_space<vmem>>) offsets(%dma_start3A_111 : memref<128xi32, #tpu.memory_space<vmem>>) semaphore(%arg13 : memref<!tpu.dma_semaphore, #tpu.memory_space<semaphore_mem>>)
    %dma_start3A_115 = arith.constant 384 : i32
    %dma_start3A_116 = arith.constant 0 : i32
    %dma_start3A_117 = tpu.memref_slice %arg9[%dma_start3A_115, %dma_start3A_116] : memref<512x32xf32, #tpu.memory_space<vmem>> -> memref<128x32xf32, #tpu.memory_space<vmem>>
    %dma_start3A_118 = arith.constant 1408 : i32
    %dma_start3A_119 = tpu.memref_slice %arg6[%dma_start3A_118] : memref<25600xi32, #tpu.memory_space<vmem>> -> memref<128xi32, #tpu.memory_space<vmem>>
    %dma_start3A_120 = arith.constant 0 : i32
    %dma_start3A_121 = arith.constant 0 : i32
    %dma_start3A_122 = tpu.memref_slice %arg3[%dma_start3A_120, %dma_start3A_121] : memref<100000x32xf32, #tpu.memory_space<hbm>> -> memref<100000x32xf32, #tpu.memory_space<hbm>>
    tpu.enqueue_indirect_dma source(%dma_start3A_122 : memref<100000x32xf32, #tpu.memory_space<hbm>>) target(%dma_start3A_117 : memref<128x32xf32, #tpu.memory_space<vmem>>) offsets(%dma_start3A_119 : memref<128xi32, #tpu.memory_space<vmem>>) semaphore(%arg13 : memref<!tpu.dma_semaphore, #tpu.memory_space<semaphore_mem>>)
    %scan3A_123 = arith.constant 0 : i32
    %scan3A_124 = arith.constant 0 : i32
    %scan3A_125 = arith.constant 32 : i32
    %scan3A_126 = arith.addi %scan3A_124, %scan3A_125 : i32
    %scan3A_127 = arith.constant 1 : i32
    scf.for %scan3A_260 = %scan3A_124 to %scan3A_126 step %scan3A_127  : i32 {
      %mul3A_261 = arith.constant 800 : i32
      %mul3A_262 = arith.muli %scan3A_260, %mul3A_261 : i32
      %add3A_263 = vector.broadcast %mul3A_262 : i32 to vector<16xi32>
      %add3A_264 = arith.addi %add3A_10, %add3A_263 : vector<16xi32>
      %add3A_265 = arith.constant 12 : i32
      %add3A_266 = vector.broadcast %add3A_265 : i32 to vector<16xi32>
      %add3A_267 = arith.addi %add3A_264, %add3A_266 : vector<16xi32>
      %gather3A = tpu.vector_load_idx %arg5[%add3A_267] : memref<25600xi32, #tpu.memory_space<vmem>>[vector<16xi32>], vector<16xi32>,
      %mul3A_268 = arith.constant 16 : i32
      %mul3A_269 = arith.muli %scan3A_260, %mul3A_268 : i32
      %add3A_270 = arith.constant 1536 : i32
      %add3A_271 = arith.addi %add3A_270, %mul3A_269 : i32
      %swap3A = arith.index_cast %add3A_271 : i32 to index
      %swap3A_272 = tpu.vector_load %arg6[%swap3A] {strides = array<i32>} : memref<25600xi32, #tpu.memory_space<vmem>>, vector<16xi32>,
      tpu.vector_store %arg6[%swap3A], %gather3A {strides = array<i32>} : memref<25600xi32, #tpu.memory_space<vmem>>, vector<16xi32>,
    }
    %scan3A_128 = arith.constant 32 : i32
    %dma_wait3A = arith.constant 0 : i32
    %dma_wait3A_129 = arith.constant 0 : i32
    %dma_wait3A_130 = tpu.memref_slice %arg7[%dma_wait3A, %dma_wait3A_129] : memref<512x32xf32, #tpu.memory_space<vmem>> -> memref<128x32xf32, #tpu.memory_space<vmem>>
    %dma_wait3A_131 = arith.constant 0 : i32
    %dma_wait3A_132 = tpu.memref_slice %arg6[%dma_wait3A_131] : memref<25600xi32, #tpu.memory_space<vmem>> -> memref<128xi32, #tpu.memory_space<vmem>>
    %dma_wait3A_133 = arith.constant 0 : i32
    %dma_wait3A_134 = arith.constant 0 : i32
    %dma_wait3A_135 = tpu.memref_slice %arg3[%dma_wait3A_133, %dma_wait3A_134] : memref<100000x32xf32, #tpu.memory_space<hbm>> -> memref<100000x32xf32, #tpu.memory_space<hbm>>
    tpu.wait_indirect_dma semaphore(%arg11 : memref<!tpu.dma_semaphore, #tpu.memory_space<semaphore_mem>>) src(%dma_wait3A_135 : memref<100000x32xf32, #tpu.memory_space<hbm>>) dst(%dma_wait3A_130 : memref<128x32xf32, #tpu.memory_space<vmem>>)
    %dma_wait3A_136 = arith.constant 128 : i32
    %dma_wait3A_137 = arith.constant 0 : i32
    %dma_wait3A_138 = tpu.memref_slice %arg7[%dma_wait3A_136, %dma_wait3A_137] : memref<512x32xf32, #tpu.memory_space<vmem>> -> memref<128x32xf32, #tpu.memory_space<vmem>>
    %dma_wait3A_139 = arith.constant 128 : i32
    %dma_wait3A_140 = tpu.memref_slice %arg6[%dma_wait3A_139] : memref<25600xi32, #tpu.memory_space<vmem>> -> memref<128xi32, #tpu.memory_space<vmem>>
    %dma_wait3A_141 = arith.constant 0 : i32
    %dma_wait3A_142 = arith.constant 0 : i32
    %dma_wait3A_143 = tpu.memref_slice %arg3[%dma_wait3A_141, %dma_wait3A_142] : memref<100000x32xf32, #tpu.memory_space<hbm>> -> memref<100000x32xf32, #tpu.memory_space<hbm>>
    tpu.wait_indirect_dma semaphore(%arg11 : memref<!tpu.dma_semaphore, #tpu.memory_space<semaphore_mem>>) src(%dma_wait3A_143 : memref<100000x32xf32, #tpu.memory_space<hbm>>) dst(%dma_wait3A_138 : memref<128x32xf32, #tpu.memory_space<vmem>>)
    %dma_wait3A_144 = arith.constant 256 : i32
    %dma_wait3A_145 = arith.constant 0 : i32
    %dma_wait3A_146 = tpu.memref_slice %arg7[%dma_wait3A_144, %dma_wait3A_145] : memref<512x32xf32, #tpu.memory_space<vmem>> -> memref<128x32xf32, #tpu.memory_space<vmem>>
    %dma_wait3A_147 = arith.constant 256 : i32
    %dma_wait3A_148 = tpu.memref_slice %arg6[%dma_wait3A_147] : memref<25600xi32, #tpu.memory_space<vmem>> -> memref<128xi32, #tpu.memory_space<vmem>>
    %dma_wait3A_149 = arith.constant 0 : i32
    %dma_wait3A_150 = arith.constant 0 : i32
    %dma_wait3A_151 = tpu.memref_slice %arg3[%dma_wait3A_149, %dma_wait3A_150] : memref<100000x32xf32, #tpu.memory_space<hbm>> -> memref<100000x32xf32, #tpu.memory_space<hbm>>
    tpu.wait_indirect_dma semaphore(%arg11 : memref<!tpu.dma_semaphore, #tpu.memory_space<semaphore_mem>>) src(%dma_wait3A_151 : memref<100000x32xf32, #tpu.memory_space<hbm>>) dst(%dma_wait3A_146 : memref<128x32xf32, #tpu.memory_space<vmem>>)
    %dma_wait3A_152 = arith.constant 384 : i32
    %dma_wait3A_153 = arith.constant 0 : i32
    %dma_wait3A_154 = tpu.memref_slice %arg7[%dma_wait3A_152, %dma_wait3A_153] : memref<512x32xf32, #tpu.memory_space<vmem>> -> memref<128x32xf32, #tpu.memory_space<vmem>>
    %dma_wait3A_155 = arith.constant 384 : i32
    %dma_wait3A_156 = tpu.memref_slice %arg6[%dma_wait3A_155] : memref<25600xi32, #tpu.memory_space<vmem>> -> memref<128xi32, #tpu.memory_space<vmem>>
    %dma_wait3A_157 = arith.constant 0 : i32
    %dma_wait3A_158 = arith.constant 0 : i32
    %dma_wait3A_159 = tpu.memref_slice %arg3[%dma_wait3A_157, %dma_wait3A_158] : memref<100000x32xf32, #tpu.memory_space<hbm>> -> memref<100000x32xf32, #tpu.memory_space<hbm>>
    tpu.wait_indirect_dma semaphore(%arg11 : memref<!tpu.dma_semaphore, #tpu.memory_space<semaphore_mem>>) src(%dma_wait3A_159 : memref<100000x32xf32, #tpu.memory_space<hbm>>) dst(%dma_wait3A_154 : memref<128x32xf32, #tpu.memory_space<vmem>>)
    %add3A_160 = arith.constant 0 : i32
    %add3A_161 = arith.addi %mul3A_2, %add3A_160 : i32
    %dma_start3A_162 = arith.constant 0 : i32
    %dma_start3A_163 = tpu.memref_slice %arg4[%add3A_161, %dma_start3A_162] : memref<819200x32xf32, #tpu.memory_space<hbm>> -> memref<512x32xf32, #tpu.memory_space<hbm>>
    %dma_start3A_164 = arith.constant 0 : i32
    %dma_start3A_165 = tpu.memref_slice %arg4[%add3A_161, %dma_start3A_164] : memref<819200x32xf32, #tpu.memory_space<hbm>> -> memref<512x32xf32, #tpu.memory_space<hbm>>
    tpu.enqueue_dma source(%arg7 : memref<512x32xf32, #tpu.memory_space<vmem>>) target(%dma_start3A_165 : memref<512x32xf32, #tpu.memory_space<hbm>>) target_semaphore(%arg15 : memref<!tpu.dma_semaphore, #tpu.memory_space<semaphore_mem>>)
    %dma_start3A_166 = arith.constant 0 : i32
    %dma_start3A_167 = arith.constant 0 : i32
    %dma_start3A_168 = tpu.memref_slice %arg10[%dma_start3A_166, %dma_start3A_167] : memref<512x32xf32, #tpu.memory_space<vmem>> -> memref<128x32xf32, #tpu.memory_space<vmem>>
    %dma_start3A_169 = arith.constant 1536 : i32
    %dma_start3A_170 = tpu.memref_slice %arg6[%dma_start3A_169] : memref<25600xi32, #tpu.memory_space<vmem>> -> memref<128xi32, #tpu.memory_space<vmem>>
    %dma_start3A_171 = arith.constant 0 : i32
    %dma_start3A_172 = arith.constant 0 : i32
    %dma_start3A_173 = tpu.memref_slice %arg3[%dma_start3A_171, %dma_start3A_172] : memref<100000x32xf32, #tpu.memory_space<hbm>> -> memref<100000x32xf32, #tpu.memory_space<hbm>>
    tpu.enqueue_indirect_dma source(%dma_start3A_173 : memref<100000x32xf32, #tpu.memory_space<hbm>>) target(%dma_start3A_168 : memref<128x32xf32, #tpu.memory_space<vmem>>) offsets(%dma_start3A_170 : memref<128xi32, #tpu.memory_space<vmem>>) semaphore(%arg14 : memref<!tpu.dma_semaphore, #tpu.memory_space<semaphore_mem>>)
    %dma_start3A_174 = arith.constant 128 : i32
    %dma_start3A_175 = arith.constant 0 : i32
    %dma_start3A_176 = tpu.memref_slice %arg10[%dma_start3A_174, %dma_start3A_175] : memref<512x32xf32, #tpu.memory_space<vmem>> -> memref<128x32xf32, #tpu.memory_space<vmem>>
    %dma_start3A_177 = arith.constant 1664 : i32
    %dma_start3A_178 = tpu.memref_slice %arg6[%dma_start3A_177] : memref<25600xi32, #tpu.memory_space<vmem>> -> memref<128xi32, #tpu.memory_space<vmem>>
    %dma_start3A_179 = arith.constant 0 : i32
    %dma_start3A_180 = arith.constant 0 : i32
    %dma_start3A_181 = tpu.memref_slice %arg3[%dma_start3A_179, %dma_start3A_180] : memref<100000x32xf32, #tpu.memory_space<hbm>> -> memref<100000x32xf32, #tpu.memory_space<hbm>>
    tpu.enqueue_indirect_dma source(%dma_start3A_181 : memref<100000x32xf32, #tpu.memory_space<hbm>>) target(%dma_start3A_176 : memref<128x32xf32, #tpu.memory_space<vmem>>) offsets(%dma_start3A_178 : memref<128xi32, #tpu.memory_space<vmem>>) semaphore(%arg14 : memref<!tpu.dma_semaphore, #tpu.memory_space<semaphore_mem>>)
    %dma_start3A_182 = arith.constant 256 : i32
    %dma_start3A_183 = arith.constant 0 : i32
    %dma_start3A_184 = tpu.memref_slice %arg10[%dma_start3A_182, %dma_start3A_183] : memref<512x32xf32, #tpu.memory_space<vmem>> -> memref<128x32xf32, #tpu.memory_space<vmem>>
    %dma_start3A_185 = arith.constant 1792 : i32
    %dma_start3A_186 = tpu.memref_slice %arg6[%dma_start3A_185] : memref<25600xi32, #tpu.memory_space<vmem>> -> memref<128xi32, #tpu.memory_space<vmem>>
    %dma_start3A_187 = arith.constant 0 : i32
    %dma_start3A_188 = arith.constant 0 : i32
    %dma_start3A_189 = tpu.memref_slice %arg3[%dma_start3A_187, %dma_start3A_188] : memref<100000x32xf32, #tpu.memory_space<hbm>> -> memref<100000x32xf32, #tpu.memory_space<hbm>>
    tpu.enqueue_indirect_dma source(%dma_start3A_189 : memref<100000x32xf32, #tpu.memory_space<hbm>>) target(%dma_start3A_184 : memref<128x32xf32, #tpu.memory_space<vmem>>) offsets(%dma_start3A_186 : memref<128xi32, #tpu.memory_space<vmem>>) semaphore(%arg14 : memref<!tpu.dma_semaphore, #tpu.memory_space<semaphore_mem>>)
    %dma_start3A_190 = arith.constant 384 : i32
    %dma_start3A_191 = arith.constant 0 : i32
    %dma_start3A_192 = tpu.memref_slice %arg10[%dma_start3A_190, %dma_start3A_191] : memref<512x32xf32, #tpu.memory_space<vmem>> -> memref<128x32xf32, #tpu.memory_space<vmem>>
    %dma_start3A_193 = arith.constant 1920 : i32
    %dma_start3A_194 = tpu.memref_slice %arg6[%dma_start3A_193] : memref<25600xi32, #tpu.memory_space<vmem>> -> memref<128xi32, #tpu.memory_space<vmem>>
    %dma_start3A_195 = arith.constant 0 : i32
    %dma_start3A_196 = arith.constant 0 : i32
    %dma_start3A_197 = tpu.memref_slice %arg3[%dma_start3A_195, %dma_start3A_196] : memref<100000x32xf32, #tpu.memory_space<hbm>> -> memref<100000x32xf32, #tpu.memory_space<hbm>>
    tpu.enqueue_indirect_dma source(%dma_start3A_197 : memref<100000x32xf32, #tpu.memory_space<hbm>>) target(%dma_start3A_192 : memref<128x32xf32, #tpu.memory_space<vmem>>) offsets(%dma_start3A_194 : memref<128xi32, #tpu.memory_space<vmem>>) semaphore(%arg14 : memref<!tpu.dma_semaphore, #tpu.memory_space<semaphore_mem>>)
    %scan3A_198 = arith.constant 0 : i32
    %scan3A_199 = arith.constant 0 : i32
    %scan3A_200 = arith.constant 32 : i32
    %scan3A_201 = arith.addi %scan3A_199, %scan3A_200 : i32
    %scan3A_202 = arith.constant 1 : i32
    scf.for %scan3A_260 = %scan3A_199 to %scan3A_201 step %scan3A_202  : i32 {
      %mul3A_261 = arith.constant 800 : i32
      %mul3A_262 = arith.muli %scan3A_260, %mul3A_261 : i32
      %add3A_263 = vector.broadcast %mul3A_262 : i32 to vector<16xi32>
      %add3A_264 = arith.addi %add3A_10, %add3A_263 : vector<16xi32>
      %add3A_265 = arith.constant 16 : i32
      %add3A_266 = vector.broadcast %add3A_265 : i32 to vector<16xi32>
      %add3A_267 = arith.addi %add3A_264, %add3A_266 : vector<16xi32>
      %gather3A = tpu.vector_load_idx %arg5[%add3A_267] : memref<25600xi32, #tpu.memory_space<vmem>>[vector<16xi32>], vector<16xi32>,
      %mul3A_268 = arith.constant 16 : i32
      %mul3A_269 = arith.muli %scan3A_260, %mul3A_268 : i32
      %add3A_270 = arith.constant 2048 : i32
      %add3A_271 = arith.addi %add3A_270, %mul3A_269 : i32
      %swap3A = arith.index_cast %add3A_271 : i32 to index
      %swap3A_272 = tpu.vector_load %arg6[%swap3A] {strides = array<i32>} : memref<25600xi32, #tpu.memory_space<vmem>>, vector<16xi32>,
      tpu.vector_store %arg6[%swap3A], %gather3A {strides = array<i32>} : memref<25600xi32, #tpu.memory_space<vmem>>, vector<16xi32>,
    }
    %scan3A_203 = arith.constant 32 : i32
    %dma_wait3A_204 = arith.constant 0 : i32
    %dma_wait3A_205 = arith.constant 0 : i32
    %dma_wait3A_206 = tpu.memref_slice %arg8[%dma_wait3A_204, %dma_wait3A_205] : memref<512x32xf32, #tpu.memory_space<vmem>> -> memref<128x32xf32, #tpu.memory_space<vmem>>
    %dma_wait3A_207 = arith.constant 512 : i32
    %dma_wait3A_208 = tpu.memref_slice %arg6[%dma_wait3A_207] : memref<25600xi32, #tpu.memory_space<vmem>> -> memref<128xi32, #tpu.memory_space<vmem>>
    %dma_wait3A_209 = arith.constant 0 : i32
    %dma_wait3A_210 = arith.constant 0 : i32
    %dma_wait3A_211 = tpu.memref_slice %arg3[%dma_wait3A_209, %dma_wait3A_210] : memref<100000x32xf32, #tpu.memory_space<hbm>> -> memref<100000x32xf32, #tpu.memory_space<hbm>>
    tpu.wait_indirect_dma semaphore(%arg12 : memref<!tpu.dma_semaphore, #tpu.memory_space<semaphore_mem>>) src(%dma_wait3A_211 : memref<100000x32xf32, #tpu.memory_space<hbm>>) dst(%dma_wait3A_206 : memref<128x32xf32, #tpu.memory_space<vmem>>)
    %dma_wait3A_212 = arith.constant 128 : i32
    %dma_wait3A_213 = arith.constant 0 : i32
    %dma_wait3A_214 = tpu.memref_slice %arg8[%dma_wait3A_212, %dma_wait3A_213] : memref<512x32xf32, #tpu.memory_space<vmem>> -> memref<128x32xf32, #tpu.memory_space<vmem>>
    %dma_wait3A_215 = arith.constant 640 : i32
    %dma_wait3A_216 = tpu.memref_slice %arg6[%dma_wait3A_215] : memref<25600xi32, #tpu.memory_space<vmem>> -> memref<128xi32, #tpu.memory_space<vmem>>
    %dma_wait3A_217 = arith.constant 0 : i32
    %dma_wait3A_218 = arith.constant 0 : i32
    %dma_wait3A_219 = tpu.memref_slice %arg3[%dma_wait3A_217, %dma_wait3A_218] : memref<100000x32xf32, #tpu.memory_space<hbm>> -> memref<100000x32xf32, #tpu.memory_space<hbm>>
    tpu.wait_indirect_dma semaphore(%arg12 : memref<!tpu.dma_semaphore, #tpu.memory_space<semaphore_mem>>) src(%dma_wait3A_219 : memref<100000x32xf32, #tpu.memory_space<hbm>>) dst(%dma_wait3A_214 : memref<128x32xf32, #tpu.memory_space<vmem>>)
    %dma_wait3A_220 = arith.constant 256 : i32
    %dma_wait3A_221 = arith.constant 0 : i32
    %dma_wait3A_222 = tpu.memref_slice %arg8[%dma_wait3A_220, %dma_wait3A_221] : memref<512x32xf32, #tpu.memory_space<vmem>> -> memref<128x32xf32, #tpu.memory_space<vmem>>
    %dma_wait3A_223 = arith.constant 768 : i32
    %dma_wait3A_224 = tpu.memref_slice %arg6[%dma_wait3A_223] : memref<25600xi32, #tpu.memory_space<vmem>> -> memref<128xi32, #tpu.memory_space<vmem>>
    %dma_wait3A_225 = arith.constant 0 : i32
    %dma_wait3A_226 = arith.constant 0 : i32
    %dma_wait3A_227 = tpu.memref_slice %arg3[%dma_wait3A_225, %dma_wait3A_226] : memref<100000x32xf32, #tpu.memory_space<hbm>> -> memref<100000x32xf32, #tpu.memory_space<hbm>>
    tpu.wait_indirect_dma semaphore(%arg12 : memref<!tpu.dma_semaphore, #tpu.memory_space<semaphore_mem>>) src(%dma_wait3A_227 : memref<100000x32xf32, #tpu.memory_space<hbm>>) dst(%dma_wait3A_222 : memref<128x32xf32, #tpu.memory_space<vmem>>)
    %dma_wait3A_228 = arith.constant 384 : i32
    %dma_wait3A_229 = arith.constant 0 : i32
    %dma_wait3A_230 = tpu.memref_slice %arg8[%dma_wait3A_228, %dma_wait3A_229] : memref<512x32xf32, #tpu.memory_space<vmem>> -> memref<128x32xf32, #tpu.memory_space<vmem>>
    %dma_wait3A_231 = arith.constant 896 : i32
    %dma_wait3A_232 = tpu.memref_slice %arg6[%dma_wait3A_231] : memref<25600xi32, #tpu.memory_space<vmem>> -> memref<128xi32, #tpu.memory_space<vmem>>
    %dma_wait3A_233 = arith.constant 0 : i32
    %dma_wait3A_234 = arith.constant 0 : i32
    %dma_wait3A_235 = tpu.memref_slice %arg3[%dma_wait3A_233, %dma_wait3A_234] : memref<100000x32xf32, #tpu.memory_space<hbm>> -> memref<100000x32xf32, #tpu.memory_space<hbm>>
    tpu.wait_indirect_dma semaphore(%arg12 : memref<!tpu.dma_semaphore, #tpu.memory_space<semaphore_mem>>) src(%dma_wait3A_235 : memref<100000x32xf32, #tpu.memory_space<hbm>>) dst(%dma_wait3A_230 : memref<128x32xf32, #tpu.memory_space<vmem>>)
    %add3A_236 = arith.constant 512 : i32
    %add3A_237 = arith.addi %mul3A_2, %add3A_236 : i32
    %dma_start3A_238 = arith.constant 0 : i32
    %dma_start3A_239 = tpu.memref_slice %arg4[%add3A_237, %dma_start3A_238] : memref<819200x32xf32, #tpu.memory_space<hbm>> -> memref<512x32xf32, #tpu.memory_space<hbm>>
    %dma_start3A_240 = arith.constant 0 : i32
    %dma_start3A_241 = tpu.memref_slice %arg4[%add3A_237, %dma_start3A_240] : memref<819200x32xf32, #tpu.memory_space<hbm>> -> memref<512x32xf32, #tpu.memory_space<hbm>>
    tpu.enqueue_dma source(%arg8 : memref<512x32xf32, #tpu.memory_space<vmem>>) target(%dma_start3A_241 : memref<512x32xf32, #tpu.memory_space<hbm>>) target_semaphore(%arg16 : memref<!tpu.dma_semaphore, #tpu.memory_space<semaphore_mem>>)
    %scan3A_242 = arith.constant 0 : i32
    %scan3A_243 = arith.constant 0 : i32
    %scan3A_244 = arith.constant 12 : i32
    %scan3A_245 = arith.addi %scan3A_243, %scan3A_244 : i32
    %scan3A_246 = arith.constant 1 : i32
    scf.for %scan3A_260 = %scan3A_243 to %scan3A_245 step %scan3A_246  : i32 {
      %mul3A_261 = arith.constant 4 : i32
      %mul3A_262 = arith.muli %mul3A_261, %scan3A_260 : i32
      %add3A_263 = arith.constant 2 : i32
      %add3A_264 = arith.addi %add3A_263, %mul3A_262 : i32
      %add3A_265 = arith.constant 0 : i32
      %add3A_266 = arith.addi %add3A_264, %add3A_265 : i32
      %sub3A = arith.constant 2 : i32
      %sub3A_267 = arith.subi %add3A_266, %sub3A : i32
      %mul3A_268 = arith.constant 512 : i32
      %mul3A_269 = arith.muli %sub3A_267, %mul3A_268 : i32
      %add3A_270 = arith.addi %mul3A_2, %mul3A_269 : i32
      %dma_wait3A_271 = arith.constant 0 : i32
      %dma_wait3A_272 = tpu.memref_slice %arg4[%add3A_270, %dma_wait3A_271] : memref<819200x32xf32, #tpu.memory_space<hbm>> -> memref<512x32xf32, #tpu.memory_space<hbm>>
      %dma_wait3A_273 = arith.constant 0 : i32
      %dma_wait3A_274 = tpu.memref_slice %arg4[%add3A_270, %dma_wait3A_273] : memref<819200x32xf32, #tpu.memory_space<hbm>> -> memref<512x32xf32, #tpu.memory_space<hbm>>
      tpu.wait_dma2 semaphore(%arg15 : memref<!tpu.dma_semaphore, #tpu.memory_space<semaphore_mem>>) src(%arg7 : memref<512x32xf32, #tpu.memory_space<vmem>>) dst(%dma_wait3A_274 : memref<512x32xf32, #tpu.memory_space<hbm>>)
      %add3A_275 = arith.constant 2 : i32
      %add3A_276 = arith.addi %add3A_266, %add3A_275 : i32
      %lt3A = arith.constant 50 : i32
      %lt3A_277 = arith.cmpi slt, %add3A_276, %lt3A : i32
      %convert_element_type3A = arith.extui %lt3A_277 : i1 to i32
      %cond3A = arith.constant 0 : i32
      %cond3A_278 = arith.cmpi ne, %convert_element_type3A, %cond3A : i32
      scf.if %cond3A_278 {
        %add3A_577 = arith.constant 2 : i32
        %add3A_578 = arith.addi %add3A_266, %add3A_577 : i32
        %mul3A_579 = arith.constant 512 : i32
        %mul3A_580 = arith.muli %add3A_578, %mul3A_579 : i32
        %add3A_581 = arith.constant 0 : i32
        %add3A_582 = arith.addi %mul3A_580, %add3A_581 : i32
        %dma_start3A_583 = arith.constant 0 : i32
        %dma_start3A_584 = arith.constant 0 : i32
        %dma_start3A_585 = tpu.memref_slice %arg7[%dma_start3A_583, %dma_start3A_584] : memref<512x32xf32, #tpu.memory_space<vmem>> -> memref<128x32xf32, #tpu.memory_space<vmem>>
        %dma_start3A_586 = tpu.memref_slice %arg6[%add3A_582] : memref<25600xi32, #tpu.memory_space<vmem>> -> memref<128xi32, #tpu.memory_space<vmem>>
        %dma_start3A_587 = arith.constant 0 : i32
        %dma_start3A_588 = arith.constant 0 : i32
        %dma_start3A_589 = tpu.memref_slice %arg3[%dma_start3A_587, %dma_start3A_588] : memref<100000x32xf32, #tpu.memory_space<hbm>> -> memref<100000x32xf32, #tpu.memory_space<hbm>>
        tpu.enqueue_indirect_dma source(%dma_start3A_589 : memref<100000x32xf32, #tpu.memory_space<hbm>>) target(%dma_start3A_585 : memref<128x32xf32, #tpu.memory_space<vmem>>) offsets(%dma_start3A_586 : memref<128xi32, #tpu.memory_space<vmem>>) semaphore(%arg11 : memref<!tpu.dma_semaphore, #tpu.memory_space<semaphore_mem>>)
        %mul3A_590 = arith.constant 512 : i32
        %mul3A_591 = arith.muli %add3A_578, %mul3A_590 : i32
        %add3A_592 = arith.constant 128 : i32
        %add3A_593 = arith.addi %mul3A_591, %add3A_592 : i32
        %dma_start3A_594 = arith.constant 128 : i32
        %dma_start3A_595 = arith.constant 0 : i32
        %dma_start3A_596 = tpu.memref_slice %arg7[%dma_start3A_594, %dma_start3A_595] : memref<512x32xf32, #tpu.memory_space<vmem>> -> memref<128x32xf32, #tpu.memory_space<vmem>>
        %dma_start3A_597 = tpu.memref_slice %arg6[%add3A_593] : memref<25600xi32, #tpu.memory_space<vmem>> -> memref<128xi32, #tpu.memory_space<vmem>>
        %dma_start3A_598 = arith.constant 0 : i32
        %dma_start3A_599 = arith.constant 0 : i32
        %dma_start3A_600 = tpu.memref_slice %arg3[%dma_start3A_598, %dma_start3A_599] : memref<100000x32xf32, #tpu.memory_space<hbm>> -> memref<100000x32xf32, #tpu.memory_space<hbm>>
        tpu.enqueue_indirect_dma source(%dma_start3A_600 : memref<100000x32xf32, #tpu.memory_space<hbm>>) target(%dma_start3A_596 : memref<128x32xf32, #tpu.memory_space<vmem>>) offsets(%dma_start3A_597 : memref<128xi32, #tpu.memory_space<vmem>>) semaphore(%arg11 : memref<!tpu.dma_semaphore, #tpu.memory_space<semaphore_mem>>)
        %mul3A_601 = arith.constant 512 : i32
        %mul3A_602 = arith.muli %add3A_578, %mul3A_601 : i32
        %add3A_603 = arith.constant 256 : i32
        %add3A_604 = arith.addi %mul3A_602, %add3A_603 : i32
        %dma_start3A_605 = arith.constant 256 : i32
        %dma_start3A_606 = arith.constant 0 : i32
        %dma_start3A_607 = tpu.memref_slice %arg7[%dma_start3A_605, %dma_start3A_606] : memref<512x32xf32, #tpu.memory_space<vmem>> -> memref<128x32xf32, #tpu.memory_space<vmem>>
        %dma_start3A_608 = tpu.memref_slice %arg6[%add3A_604] : memref<25600xi32, #tpu.memory_space<vmem>> -> memref<128xi32, #tpu.memory_space<vmem>>
        %dma_start3A_609 = arith.constant 0 : i32
        %dma_start3A_610 = arith.constant 0 : i32
        %dma_start3A_611 = tpu.memref_slice %arg3[%dma_start3A_609, %dma_start3A_610] : memref<100000x32xf32, #tpu.memory_space<hbm>> -> memref<100000x32xf32, #tpu.memory_space<hbm>>
        tpu.enqueue_indirect_dma source(%dma_start3A_611 : memref<100000x32xf32, #tpu.memory_space<hbm>>) target(%dma_start3A_607 : memref<128x32xf32, #tpu.memory_space<vmem>>) offsets(%dma_start3A_608 : memref<128xi32, #tpu.memory_space<vmem>>) semaphore(%arg11 : memref<!tpu.dma_semaphore, #tpu.memory_space<semaphore_mem>>)
        %mul3A_612 = arith.constant 512 : i32
        %mul3A_613 = arith.muli %add3A_578, %mul3A_612 : i32
        %add3A_614 = arith.constant 384 : i32
        %add3A_615 = arith.addi %mul3A_613, %add3A_614 : i32
        %dma_start3A_616 = arith.constant 384 : i32
        %dma_start3A_617 = arith.constant 0 : i32
        %dma_start3A_618 = tpu.memref_slice %arg7[%dma_start3A_616, %dma_start3A_617] : memref<512x32xf32, #tpu.memory_space<vmem>> -> memref<128x32xf32, #tpu.memory_space<vmem>>
        %dma_start3A_619 = tpu.memref_slice %arg6[%add3A_615] : memref<25600xi32, #tpu.memory_space<vmem>> -> memref<128xi32, #tpu.memory_space<vmem>>
        %dma_start3A_620 = arith.constant 0 : i32
        %dma_start3A_621 = arith.constant 0 : i32
        %dma_start3A_622 = tpu.memref_slice %arg3[%dma_start3A_620, %dma_start3A_621] : memref<100000x32xf32, #tpu.memory_space<hbm>> -> memref<100000x32xf32, #tpu.memory_space<hbm>>
        tpu.enqueue_indirect_dma source(%dma_start3A_622 : memref<100000x32xf32, #tpu.memory_space<hbm>>) target(%dma_start3A_618 : memref<128x32xf32, #tpu.memory_space<vmem>>) offsets(%dma_start3A_619 : memref<128xi32, #tpu.memory_space<vmem>>) semaphore(%arg11 : memref<!tpu.dma_semaphore, #tpu.memory_space<semaphore_mem>>)
      } else {
      }
      %add3A_279 = arith.constant 3 : i32
      %add3A_280 = arith.addi %add3A_266, %add3A_279 : i32
      %lt3A_281 = arith.constant 50 : i32
      %lt3A_282 = arith.cmpi slt, %add3A_280, %lt3A_281 : i32
      %convert_element_type3A_283 = arith.extui %lt3A_282 : i1 to i32
      %cond3A_284 = arith.constant 0 : i32
      %cond3A_285 = arith.cmpi ne, %convert_element_type3A_283, %cond3A_284 : i32
      scf.if %cond3A_285 {
        %add3A_577 = arith.constant 3 : i32
        %add3A_578 = arith.addi %add3A_266, %add3A_577 : i32
        %scan3A_579 = arith.constant 0 : i32
        %scan3A_580 = arith.constant 0 : i32
        %scan3A_581 = arith.constant 32 : i32
        %scan3A_582 = arith.addi %scan3A_580, %scan3A_581 : i32
        %scan3A_583 = arith.constant 1 : i32
        scf.for %scan3A_585 = %scan3A_580 to %scan3A_582 step %scan3A_583  : i32 {
          %mul3A_586 = arith.constant 800 : i32
          %mul3A_587 = arith.muli %scan3A_585, %mul3A_586 : i32
          %add3A_588 = vector.broadcast %mul3A_587 : i32 to vector<16xi32>
          %add3A_589 = arith.addi %add3A_10, %add3A_588 : vector<16xi32>
          %mul3A_590 = arith.constant 4 : i32
          %mul3A_591 = arith.muli %add3A_578, %mul3A_590 : i32
          %add3A_592 = vector.broadcast %mul3A_591 : i32 to vector<16xi32>
          %add3A_593 = arith.addi %add3A_589, %add3A_592 : vector<16xi32>
          %gather3A = tpu.vector_load_idx %arg5[%add3A_593] : memref<25600xi32, #tpu.memory_space<vmem>>[vector<16xi32>], vector<16xi32>,
          %mul3A_594 = arith.constant 512 : i32
          %mul3A_595 = arith.muli %add3A_578, %mul3A_594 : i32
          %mul3A_596 = arith.constant 16 : i32
          %mul3A_597 = arith.muli %scan3A_585, %mul3A_596 : i32
          %add3A_598 = arith.addi %mul3A_595, %mul3A_597 : i32
          %swap3A = arith.index_cast %add3A_598 : i32 to index
          %swap3A_599 = tpu.vector_load %arg6[%swap3A] {strides = array<i32>} : memref<25600xi32, #tpu.memory_space<vmem>>, vector<16xi32>,
          tpu.vector_store %arg6[%swap3A], %gather3A {strides = array<i32>} : memref<25600xi32, #tpu.memory_space<vmem>>, vector<16xi32>,
        }
        %scan3A_584 = arith.constant 32 : i32
      } else {
      }
      %mul3A_286 = arith.constant 512 : i32
      %mul3A_287 = arith.muli %add3A_266, %mul3A_286 : i32
      %add3A_288 = arith.constant 0 : i32
      %add3A_289 = arith.addi %mul3A_287, %add3A_288 : i32
      %dma_wait3A_290 = arith.constant 0 : i32
      %dma_wait3A_291 = arith.constant 0 : i32
      %dma_wait3A_292 = tpu.memref_slice %arg9[%dma_wait3A_290, %dma_wait3A_291] : memref<512x32xf32, #tpu.memory_space<vmem>> -> memref<128x32xf32, #tpu.memory_space<vmem>>
      %dma_wait3A_293 = tpu.memref_slice %arg6[%add3A_289] : memref<25600xi32, #tpu.memory_space<vmem>> -> memref<128xi32, #tpu.memory_space<vmem>>
      %dma_wait3A_294 = arith.constant 0 : i32
      %dma_wait3A_295 = arith.constant 0 : i32
      %dma_wait3A_296 = tpu.memref_slice %arg3[%dma_wait3A_294, %dma_wait3A_295] : memref<100000x32xf32, #tpu.memory_space<hbm>> -> memref<100000x32xf32, #tpu.memory_space<hbm>>
      tpu.wait_indirect_dma semaphore(%arg13 : memref<!tpu.dma_semaphore, #tpu.memory_space<semaphore_mem>>) src(%dma_wait3A_296 : memref<100000x32xf32, #tpu.memory_space<hbm>>) dst(%dma_wait3A_292 : memref<128x32xf32, #tpu.memory_space<vmem>>)
      %mul3A_297 = arith.constant 512 : i32
      %mul3A_298 = arith.muli %add3A_266, %mul3A_297 : i32
      %add3A_299 = arith.constant 128 : i32
      %add3A_300 = arith.addi %mul3A_298, %add3A_299 : i32
      %dma_wait3A_301 = arith.constant 128 : i32
      %dma_wait3A_302 = arith.constant 0 : i32
      %dma_wait3A_303 = tpu.memref_slice %arg9[%dma_wait3A_301, %dma_wait3A_302] : memref<512x32xf32, #tpu.memory_space<vmem>> -> memref<128x32xf32, #tpu.memory_space<vmem>>
      %dma_wait3A_304 = tpu.memref_slice %arg6[%add3A_300] : memref<25600xi32, #tpu.memory_space<vmem>> -> memref<128xi32, #tpu.memory_space<vmem>>
      %dma_wait3A_305 = arith.constant 0 : i32
      %dma_wait3A_306 = arith.constant 0 : i32
      %dma_wait3A_307 = tpu.memref_slice %arg3[%dma_wait3A_305, %dma_wait3A_306] : memref<100000x32xf32, #tpu.memory_space<hbm>> -> memref<100000x32xf32, #tpu.memory_space<hbm>>
      tpu.wait_indirect_dma semaphore(%arg13 : memref<!tpu.dma_semaphore, #tpu.memory_space<semaphore_mem>>) src(%dma_wait3A_307 : memref<100000x32xf32, #tpu.memory_space<hbm>>) dst(%dma_wait3A_303 : memref<128x32xf32, #tpu.memory_space<vmem>>)
      %mul3A_308 = arith.constant 512 : i32
      %mul3A_309 = arith.muli %add3A_266, %mul3A_308 : i32
      %add3A_310 = arith.constant 256 : i32
      %add3A_311 = arith.addi %mul3A_309, %add3A_310 : i32
      %dma_wait3A_312 = arith.constant 256 : i32
      %dma_wait3A_313 = arith.constant 0 : i32
      %dma_wait3A_314 = tpu.memref_slice %arg9[%dma_wait3A_312, %dma_wait3A_313] : memref<512x32xf32, #tpu.memory_space<vmem>> -> memref<128x32xf32, #tpu.memory_space<vmem>>
      %dma_wait3A_315 = tpu.memref_slice %arg6[%add3A_311] : memref<25600xi32, #tpu.memory_space<vmem>> -> memref<128xi32, #tpu.memory_space<vmem>>
      %dma_wait3A_316 = arith.constant 0 : i32
      %dma_wait3A_317 = arith.constant 0 : i32
      %dma_wait3A_318 = tpu.memref_slice %arg3[%dma_wait3A_316, %dma_wait3A_317] : memref<100000x32xf32, #tpu.memory_space<hbm>> -> memref<100000x32xf32, #tpu.memory_space<hbm>>
      tpu.wait_indirect_dma semaphore(%arg13 : memref<!tpu.dma_semaphore, #tpu.memory_space<semaphore_mem>>) src(%dma_wait3A_318 : memref<100000x32xf32, #tpu.memory_space<hbm>>) dst(%dma_wait3A_314 : memref<128x32xf32, #tpu.memory_space<vmem>>)
      %mul3A_319 = arith.constant 512 : i32
      %mul3A_320 = arith.muli %add3A_266, %mul3A_319 : i32
      %add3A_321 = arith.constant 384 : i32
      %add3A_322 = arith.addi %mul3A_320, %add3A_321 : i32
      %dma_wait3A_323 = arith.constant 384 : i32
      %dma_wait3A_324 = arith.constant 0 : i32
      %dma_wait3A_325 = tpu.memref_slice %arg9[%dma_wait3A_323, %dma_wait3A_324] : memref<512x32xf32, #tpu.memory_space<vmem>> -> memref<128x32xf32, #tpu.memory_space<vmem>>
      %dma_wait3A_326 = tpu.memref_slice %arg6[%add3A_322] : memref<25600xi32, #tpu.memory_space<vmem>> -> memref<128xi32, #tpu.memory_space<vmem>>
      %dma_wait3A_327 = arith.constant 0 : i32
      %dma_wait3A_328 = arith.constant 0 : i32
      %dma_wait3A_329 = tpu.memref_slice %arg3[%dma_wait3A_327, %dma_wait3A_328] : memref<100000x32xf32, #tpu.memory_space<hbm>> -> memref<100000x32xf32, #tpu.memory_space<hbm>>
      tpu.wait_indirect_dma semaphore(%arg13 : memref<!tpu.dma_semaphore, #tpu.memory_space<semaphore_mem>>) src(%dma_wait3A_329 : memref<100000x32xf32, #tpu.memory_space<hbm>>) dst(%dma_wait3A_325 : memref<128x32xf32, #tpu.memory_space<vmem>>)
      %mul3A_330 = arith.constant 512 : i32
      %mul3A_331 = arith.muli %add3A_266, %mul3A_330 : i32
      %add3A_332 = arith.addi %mul3A_2, %mul3A_331 : i32
      %dma_start3A_333 = arith.constant 0 : i32
      %dma_start3A_334 = tpu.memref_slice %arg4[%add3A_332, %dma_start3A_333] : memref<819200x32xf32, #tpu.memory_space<hbm>> -> memref<512x32xf32, #tpu.memory_space<hbm>>
      %dma_start3A_335 = arith.constant 0 : i32
      %dma_start3A_336 = tpu.memref_slice %arg4[%add3A_332, %dma_start3A_335] : memref<819200x32xf32, #tpu.memory_space<hbm>> -> memref<512x32xf32, #tpu.memory_space<hbm>>
      tpu.enqueue_dma source(%arg9 : memref<512x32xf32, #tpu.memory_space<vmem>>) target(%dma_start3A_336 : memref<512x32xf32, #tpu.memory_space<hbm>>) target_semaphore(%arg17 : memref<!tpu.dma_semaphore, #tpu.memory_space<semaphore_mem>>)
      %mul3A_337 = arith.constant 4 : i32
      %mul3A_338 = arith.muli %mul3A_337, %scan3A_260 : i32
      %add3A_339 = arith.constant 2 : i32
      %add3A_340 = arith.addi %add3A_339, %mul3A_338 : i32
      %add3A_341 = arith.constant 1 : i32
      %add3A_342 = arith.addi %add3A_340, %add3A_341 : i32
      %sub3A_343 = arith.constant 2 : i32
      %sub3A_344 = arith.subi %add3A_342, %sub3A_343 : i32
      %mul3A_345 = arith.constant 512 : i32
      %mul3A_346 = arith.muli %sub3A_344, %mul3A_345 : i32
      %add3A_347 = arith.addi %mul3A_2, %mul3A_346 : i32
      %dma_wait3A_348 = arith.constant 0 : i32
      %dma_wait3A_349 = tpu.memref_slice %arg4[%add3A_347, %dma_wait3A_348] : memref<819200x32xf32, #tpu.memory_space<hbm>> -> memref<512x32xf32, #tpu.memory_space<hbm>>
      %dma_wait3A_350 = arith.constant 0 : i32
      %dma_wait3A_351 = tpu.memref_slice %arg4[%add3A_347, %dma_wait3A_350] : memref<819200x32xf32, #tpu.memory_space<hbm>> -> memref<512x32xf32, #tpu.memory_space<hbm>>
      tpu.wait_dma2 semaphore(%arg16 : memref<!tpu.dma_semaphore, #tpu.memory_space<semaphore_mem>>) src(%arg8 : memref<512x32xf32, #tpu.memory_space<vmem>>) dst(%dma_wait3A_351 : memref<512x32xf32, #tpu.memory_space<hbm>>)
      %add3A_352 = arith.constant 2 : i32
      %add3A_353 = arith.addi %add3A_342, %add3A_352 : i32
      %lt3A_354 = arith.constant 50 : i32
      %lt3A_355 = arith.cmpi slt, %add3A_353, %lt3A_354 : i32
      %convert_element_type3A_356 = arith.extui %lt3A_355 : i1 to i32
      %cond3A_357 = arith.constant 0 : i32
      %cond3A_358 = arith.cmpi ne, %convert_element_type3A_356, %cond3A_357 : i32
      scf.if %cond3A_358 {
        %add3A_577 = arith.constant 2 : i32
        %add3A_578 = arith.addi %add3A_342, %add3A_577 : i32
        %mul3A_579 = arith.constant 512 : i32
        %mul3A_580 = arith.muli %add3A_578, %mul3A_579 : i32
        %add3A_581 = arith.constant 0 : i32
        %add3A_582 = arith.addi %mul3A_580, %add3A_581 : i32
        %dma_start3A_583 = arith.constant 0 : i32
        %dma_start3A_584 = arith.constant 0 : i32
        %dma_start3A_585 = tpu.memref_slice %arg8[%dma_start3A_583, %dma_start3A_584] : memref<512x32xf32, #tpu.memory_space<vmem>> -> memref<128x32xf32, #tpu.memory_space<vmem>>
        %dma_start3A_586 = tpu.memref_slice %arg6[%add3A_582] : memref<25600xi32, #tpu.memory_space<vmem>> -> memref<128xi32, #tpu.memory_space<vmem>>
        %dma_start3A_587 = arith.constant 0 : i32
        %dma_start3A_588 = arith.constant 0 : i32
        %dma_start3A_589 = tpu.memref_slice %arg3[%dma_start3A_587, %dma_start3A_588] : memref<100000x32xf32, #tpu.memory_space<hbm>> -> memref<100000x32xf32, #tpu.memory_space<hbm>>
        tpu.enqueue_indirect_dma source(%dma_start3A_589 : memref<100000x32xf32, #tpu.memory_space<hbm>>) target(%dma_start3A_585 : memref<128x32xf32, #tpu.memory_space<vmem>>) offsets(%dma_start3A_586 : memref<128xi32, #tpu.memory_space<vmem>>) semaphore(%arg12 : memref<!tpu.dma_semaphore, #tpu.memory_space<semaphore_mem>>)
        %mul3A_590 = arith.constant 512 : i32
        %mul3A_591 = arith.muli %add3A_578, %mul3A_590 : i32
        %add3A_592 = arith.constant 128 : i32
        %add3A_593 = arith.addi %mul3A_591, %add3A_592 : i32
        %dma_start3A_594 = arith.constant 128 : i32
        %dma_start3A_595 = arith.constant 0 : i32
        %dma_start3A_596 = tpu.memref_slice %arg8[%dma_start3A_594, %dma_start3A_595] : memref<512x32xf32, #tpu.memory_space<vmem>> -> memref<128x32xf32, #tpu.memory_space<vmem>>
        %dma_start3A_597 = tpu.memref_slice %arg6[%add3A_593] : memref<25600xi32, #tpu.memory_space<vmem>> -> memref<128xi32, #tpu.memory_space<vmem>>
        %dma_start3A_598 = arith.constant 0 : i32
        %dma_start3A_599 = arith.constant 0 : i32
        %dma_start3A_600 = tpu.memref_slice %arg3[%dma_start3A_598, %dma_start3A_599] : memref<100000x32xf32, #tpu.memory_space<hbm>> -> memref<100000x32xf32, #tpu.memory_space<hbm>>
        tpu.enqueue_indirect_dma source(%dma_start3A_600 : memref<100000x32xf32, #tpu.memory_space<hbm>>) target(%dma_start3A_596 : memref<128x32xf32, #tpu.memory_space<vmem>>) offsets(%dma_start3A_597 : memref<128xi32, #tpu.memory_space<vmem>>) semaphore(%arg12 : memref<!tpu.dma_semaphore, #tpu.memory_space<semaphore_mem>>)
        %mul3A_601 = arith.constant 512 : i32
        %mul3A_602 = arith.muli %add3A_578, %mul3A_601 : i32
        %add3A_603 = arith.constant 256 : i32
        %add3A_604 = arith.addi %mul3A_602, %add3A_603 : i32
        %dma_start3A_605 = arith.constant 256 : i32
        %dma_start3A_606 = arith.constant 0 : i32
        %dma_start3A_607 = tpu.memref_slice %arg8[%dma_start3A_605, %dma_start3A_606] : memref<512x32xf32, #tpu.memory_space<vmem>> -> memref<128x32xf32, #tpu.memory_space<vmem>>
        %dma_start3A_608 = tpu.memref_slice %arg6[%add3A_604] : memref<25600xi32, #tpu.memory_space<vmem>> -> memref<128xi32, #tpu.memory_space<vmem>>
        %dma_start3A_609 = arith.constant 0 : i32
        %dma_start3A_610 = arith.constant 0 : i32
        %dma_start3A_611 = tpu.memref_slice %arg3[%dma_start3A_609, %dma_start3A_610] : memref<100000x32xf32, #tpu.memory_space<hbm>> -> memref<100000x32xf32, #tpu.memory_space<hbm>>
        tpu.enqueue_indirect_dma source(%dma_start3A_611 : memref<100000x32xf32, #tpu.memory_space<hbm>>) target(%dma_start3A_607 : memref<128x32xf32, #tpu.memory_space<vmem>>) offsets(%dma_start3A_608 : memref<128xi32, #tpu.memory_space<vmem>>) semaphore(%arg12 : memref<!tpu.dma_semaphore, #tpu.memory_space<semaphore_mem>>)
        %mul3A_612 = arith.constant 512 : i32
        %mul3A_613 = arith.muli %add3A_578, %mul3A_612 : i32
        %add3A_614 = arith.constant 384 : i32
        %add3A_615 = arith.addi %mul3A_613, %add3A_614 : i32
        %dma_start3A_616 = arith.constant 384 : i32
        %dma_start3A_617 = arith.constant 0 : i32
        %dma_start3A_618 = tpu.memref_slice %arg8[%dma_start3A_616, %dma_start3A_617] : memref<512x32xf32, #tpu.memory_space<vmem>> -> memref<128x32xf32, #tpu.memory_space<vmem>>
        %dma_start3A_619 = tpu.memref_slice %arg6[%add3A_615] : memref<25600xi32, #tpu.memory_space<vmem>> -> memref<128xi32, #tpu.memory_space<vmem>>
        %dma_start3A_620 = arith.constant 0 : i32
        %dma_start3A_621 = arith.constant 0 : i32
        %dma_start3A_622 = tpu.memref_slice %arg3[%dma_start3A_620, %dma_start3A_621] : memref<100000x32xf32, #tpu.memory_space<hbm>> -> memref<100000x32xf32, #tpu.memory_space<hbm>>
        tpu.enqueue_indirect_dma source(%dma_start3A_622 : memref<100000x32xf32, #tpu.memory_space<hbm>>) target(%dma_start3A_618 : memref<128x32xf32, #tpu.memory_space<vmem>>) offsets(%dma_start3A_619 : memref<128xi32, #tpu.memory_space<vmem>>) semaphore(%arg12 : memref<!tpu.dma_semaphore, #tpu.memory_space<semaphore_mem>>)
      } else {
      }
      %add3A_359 = arith.constant 3 : i32
      %add3A_360 = arith.addi %add3A_342, %add3A_359 : i32
      %lt3A_361 = arith.constant 50 : i32
      %lt3A_362 = arith.cmpi slt, %add3A_360, %lt3A_361 : i32
      %convert_element_type3A_363 = arith.extui %lt3A_362 : i1 to i32
      %cond3A_364 = arith.constant 0 : i32
      %cond3A_365 = arith.cmpi ne, %convert_element_type3A_363, %cond3A_364 : i32
      scf.if %cond3A_365 {
        %add3A_577 = arith.constant 3 : i32
        %add3A_578 = arith.addi %add3A_342, %add3A_577 : i32
        %scan3A_579 = arith.constant 0 : i32
        %scan3A_580 = arith.constant 0 : i32
        %scan3A_581 = arith.constant 32 : i32
        %scan3A_582 = arith.addi %scan3A_580, %scan3A_581 : i32
        %scan3A_583 = arith.constant 1 : i32
        scf.for %scan3A_585 = %scan3A_580 to %scan3A_582 step %scan3A_583  : i32 {
          %mul3A_586 = arith.constant 800 : i32
          %mul3A_587 = arith.muli %scan3A_585, %mul3A_586 : i32
          %add3A_588 = vector.broadcast %mul3A_587 : i32 to vector<16xi32>
          %add3A_589 = arith.addi %add3A_10, %add3A_588 : vector<16xi32>
          %mul3A_590 = arith.constant 4 : i32
          %mul3A_591 = arith.muli %add3A_578, %mul3A_590 : i32
          %add3A_592 = vector.broadcast %mul3A_591 : i32 to vector<16xi32>
          %add3A_593 = arith.addi %add3A_589, %add3A_592 : vector<16xi32>
          %gather3A = tpu.vector_load_idx %arg5[%add3A_593] : memref<25600xi32, #tpu.memory_space<vmem>>[vector<16xi32>], vector<16xi32>,
          %mul3A_594 = arith.constant 512 : i32
          %mul3A_595 = arith.muli %add3A_578, %mul3A_594 : i32
          %mul3A_596 = arith.constant 16 : i32
          %mul3A_597 = arith.muli %scan3A_585, %mul3A_596 : i32
          %add3A_598 = arith.addi %mul3A_595, %mul3A_597 : i32
          %swap3A = arith.index_cast %add3A_598 : i32 to index
          %swap3A_599 = tpu.vector_load %arg6[%swap3A] {strides = array<i32>} : memref<25600xi32, #tpu.memory_space<vmem>>, vector<16xi32>,
          tpu.vector_store %arg6[%swap3A], %gather3A {strides = array<i32>} : memref<25600xi32, #tpu.memory_space<vmem>>, vector<16xi32>,
        }
        %scan3A_584 = arith.constant 32 : i32
      } else {
      }
      %mul3A_366 = arith.constant 512 : i32
      %mul3A_367 = arith.muli %add3A_342, %mul3A_366 : i32
      %add3A_368 = arith.constant 0 : i32
      %add3A_369 = arith.addi %mul3A_367, %add3A_368 : i32
      %dma_wait3A_370 = arith.constant 0 : i32
      %dma_wait3A_371 = arith.constant 0 : i32
      %dma_wait3A_372 = tpu.memref_slice %arg10[%dma_wait3A_370, %dma_wait3A_371] : memref<512x32xf32, #tpu.memory_space<vmem>> -> memref<128x32xf32, #tpu.memory_space<vmem>>
      %dma_wait3A_373 = tpu.memref_slice %arg6[%add3A_369] : memref<25600xi32, #tpu.memory_space<vmem>> -> memref<128xi32, #tpu.memory_space<vmem>>
      %dma_wait3A_374 = arith.constant 0 : i32
      %dma_wait3A_375 = arith.constant 0 : i32
      %dma_wait3A_376 = tpu.memref_slice %arg3[%dma_wait3A_374, %dma_wait3A_375] : memref<100000x32xf32, #tpu.memory_space<hbm>> -> memref<100000x32xf32, #tpu.memory_space<hbm>>
      tpu.wait_indirect_dma semaphore(%arg14 : memref<!tpu.dma_semaphore, #tpu.memory_space<semaphore_mem>>) src(%dma_wait3A_376 : memref<100000x32xf32, #tpu.memory_space<hbm>>) dst(%dma_wait3A_372 : memref<128x32xf32, #tpu.memory_space<vmem>>)
      %mul3A_377 = arith.constant 512 : i32
      %mul3A_378 = arith.muli %add3A_342, %mul3A_377 : i32
      %add3A_379 = arith.constant 128 : i32
      %add3A_380 = arith.addi %mul3A_378, %add3A_379 : i32
      %dma_wait3A_381 = arith.constant 128 : i32
      %dma_wait3A_382 = arith.constant 0 : i32
      %dma_wait3A_383 = tpu.memref_slice %arg10[%dma_wait3A_381, %dma_wait3A_382] : memref<512x32xf32, #tpu.memory_space<vmem>> -> memref<128x32xf32, #tpu.memory_space<vmem>>
      %dma_wait3A_384 = tpu.memref_slice %arg6[%add3A_380] : memref<25600xi32, #tpu.memory_space<vmem>> -> memref<128xi32, #tpu.memory_space<vmem>>
      %dma_wait3A_385 = arith.constant 0 : i32
      %dma_wait3A_386 = arith.constant 0 : i32
      %dma_wait3A_387 = tpu.memref_slice %arg3[%dma_wait3A_385, %dma_wait3A_386] : memref<100000x32xf32, #tpu.memory_space<hbm>> -> memref<100000x32xf32, #tpu.memory_space<hbm>>
      tpu.wait_indirect_dma semaphore(%arg14 : memref<!tpu.dma_semaphore, #tpu.memory_space<semaphore_mem>>) src(%dma_wait3A_387 : memref<100000x32xf32, #tpu.memory_space<hbm>>) dst(%dma_wait3A_383 : memref<128x32xf32, #tpu.memory_space<vmem>>)
      %mul3A_388 = arith.constant 512 : i32
      %mul3A_389 = arith.muli %add3A_342, %mul3A_388 : i32
      %add3A_390 = arith.constant 256 : i32
      %add3A_391 = arith.addi %mul3A_389, %add3A_390 : i32
      %dma_wait3A_392 = arith.constant 256 : i32
      %dma_wait3A_393 = arith.constant 0 : i32
      %dma_wait3A_394 = tpu.memref_slice %arg10[%dma_wait3A_392, %dma_wait3A_393] : memref<512x32xf32, #tpu.memory_space<vmem>> -> memref<128x32xf32, #tpu.memory_space<vmem>>
      %dma_wait3A_395 = tpu.memref_slice %arg6[%add3A_391] : memref<25600xi32, #tpu.memory_space<vmem>> -> memref<128xi32, #tpu.memory_space<vmem>>
      %dma_wait3A_396 = arith.constant 0 : i32
      %dma_wait3A_397 = arith.constant 0 : i32
      %dma_wait3A_398 = tpu.memref_slice %arg3[%dma_wait3A_396, %dma_wait3A_397] : memref<100000x32xf32, #tpu.memory_space<hbm>> -> memref<100000x32xf32, #tpu.memory_space<hbm>>
      tpu.wait_indirect_dma semaphore(%arg14 : memref<!tpu.dma_semaphore, #tpu.memory_space<semaphore_mem>>) src(%dma_wait3A_398 : memref<100000x32xf32, #tpu.memory_space<hbm>>) dst(%dma_wait3A_394 : memref<128x32xf32, #tpu.memory_space<vmem>>)
      %mul3A_399 = arith.constant 512 : i32
      %mul3A_400 = arith.muli %add3A_342, %mul3A_399 : i32
      %add3A_401 = arith.constant 384 : i32
      %add3A_402 = arith.addi %mul3A_400, %add3A_401 : i32
      %dma_wait3A_403 = arith.constant 384 : i32
      %dma_wait3A_404 = arith.constant 0 : i32
      %dma_wait3A_405 = tpu.memref_slice %arg10[%dma_wait3A_403, %dma_wait3A_404] : memref<512x32xf32, #tpu.memory_space<vmem>> -> memref<128x32xf32, #tpu.memory_space<vmem>>
      %dma_wait3A_406 = tpu.memref_slice %arg6[%add3A_402] : memref<25600xi32, #tpu.memory_space<vmem>> -> memref<128xi32, #tpu.memory_space<vmem>>
      %dma_wait3A_407 = arith.constant 0 : i32
      %dma_wait3A_408 = arith.constant 0 : i32
      %dma_wait3A_409 = tpu.memref_slice %arg3[%dma_wait3A_407, %dma_wait3A_408] : memref<100000x32xf32, #tpu.memory_space<hbm>> -> memref<100000x32xf32, #tpu.memory_space<hbm>>
      tpu.wait_indirect_dma semaphore(%arg14 : memref<!tpu.dma_semaphore, #tpu.memory_space<semaphore_mem>>) src(%dma_wait3A_409 : memref<100000x32xf32, #tpu.memory_space<hbm>>) dst(%dma_wait3A_405 : memref<128x32xf32, #tpu.memory_space<vmem>>)
      %mul3A_410 = arith.constant 512 : i32
      %mul3A_411 = arith.muli %add3A_342, %mul3A_410 : i32
      %add3A_412 = arith.addi %mul3A_2, %mul3A_411 : i32
      %dma_start3A_413 = arith.constant 0 : i32
      %dma_start3A_414 = tpu.memref_slice %arg4[%add3A_412, %dma_start3A_413] : memref<819200x32xf32, #tpu.memory_space<hbm>> -> memref<512x32xf32, #tpu.memory_space<hbm>>
      %dma_start3A_415 = arith.constant 0 : i32
      %dma_start3A_416 = tpu.memref_slice %arg4[%add3A_412, %dma_start3A_415] : memref<819200x32xf32, #tpu.memory_space<hbm>> -> memref<512x32xf32, #tpu.memory_space<hbm>>
      tpu.enqueue_dma source(%arg10 : memref<512x32xf32, #tpu.memory_space<vmem>>) target(%dma_start3A_416 : memref<512x32xf32, #tpu.memory_space<hbm>>) target_semaphore(%arg18 : memref<!tpu.dma_semaphore, #tpu.memory_space<semaphore_mem>>)
      %mul3A_417 = arith.constant 4 : i32
      %mul3A_418 = arith.muli %mul3A_417, %scan3A_260 : i32
      %add3A_419 = arith.constant 2 : i32
      %add3A_420 = arith.addi %add3A_419, %mul3A_418 : i32
      %add3A_421 = arith.constant 2 : i32
      %add3A_422 = arith.addi %add3A_420, %add3A_421 : i32
      %sub3A_423 = arith.constant 2 : i32
      %sub3A_424 = arith.subi %add3A_422, %sub3A_423 : i32
      %mul3A_425 = arith.constant 512 : i32
      %mul3A_426 = arith.muli %sub3A_424, %mul3A_425 : i32
      %add3A_427 = arith.addi %mul3A_2, %mul3A_426 : i32
      %dma_wait3A_428 = arith.constant 0 : i32
      %dma_wait3A_429 = tpu.memref_slice %arg4[%add3A_427, %dma_wait3A_428] : memref<819200x32xf32, #tpu.memory_space<hbm>> -> memref<512x32xf32, #tpu.memory_space<hbm>>
      %dma_wait3A_430 = arith.constant 0 : i32
      %dma_wait3A_431 = tpu.memref_slice %arg4[%add3A_427, %dma_wait3A_430] : memref<819200x32xf32, #tpu.memory_space<hbm>> -> memref<512x32xf32, #tpu.memory_space<hbm>>
      tpu.wait_dma2 semaphore(%arg17 : memref<!tpu.dma_semaphore, #tpu.memory_space<semaphore_mem>>) src(%arg9 : memref<512x32xf32, #tpu.memory_space<vmem>>) dst(%dma_wait3A_431 : memref<512x32xf32, #tpu.memory_space<hbm>>)
      %add3A_432 = arith.constant 2 : i32
      %add3A_433 = arith.addi %add3A_422, %add3A_432 : i32
      %lt3A_434 = arith.constant 50 : i32
      %lt3A_435 = arith.cmpi slt, %add3A_433, %lt3A_434 : i32
      %convert_element_type3A_436 = arith.extui %lt3A_435 : i1 to i32
      %cond3A_437 = arith.constant 0 : i32
      %cond3A_438 = arith.cmpi ne, %convert_element_type3A_436, %cond3A_437 : i32
      scf.if %cond3A_438 {
        %add3A_577 = arith.constant 2 : i32
        %add3A_578 = arith.addi %add3A_422, %add3A_577 : i32
        %mul3A_579 = arith.constant 512 : i32
        %mul3A_580 = arith.muli %add3A_578, %mul3A_579 : i32
        %add3A_581 = arith.constant 0 : i32
        %add3A_582 = arith.addi %mul3A_580, %add3A_581 : i32
        %dma_start3A_583 = arith.constant 0 : i32
        %dma_start3A_584 = arith.constant 0 : i32
        %dma_start3A_585 = tpu.memref_slice %arg9[%dma_start3A_583, %dma_start3A_584] : memref<512x32xf32, #tpu.memory_space<vmem>> -> memref<128x32xf32, #tpu.memory_space<vmem>>
        %dma_start3A_586 = tpu.memref_slice %arg6[%add3A_582] : memref<25600xi32, #tpu.memory_space<vmem>> -> memref<128xi32, #tpu.memory_space<vmem>>
        %dma_start3A_587 = arith.constant 0 : i32
        %dma_start3A_588 = arith.constant 0 : i32
        %dma_start3A_589 = tpu.memref_slice %arg3[%dma_start3A_587, %dma_start3A_588] : memref<100000x32xf32, #tpu.memory_space<hbm>> -> memref<100000x32xf32, #tpu.memory_space<hbm>>
        tpu.enqueue_indirect_dma source(%dma_start3A_589 : memref<100000x32xf32, #tpu.memory_space<hbm>>) target(%dma_start3A_585 : memref<128x32xf32, #tpu.memory_space<vmem>>) offsets(%dma_start3A_586 : memref<128xi32, #tpu.memory_space<vmem>>) semaphore(%arg13 : memref<!tpu.dma_semaphore, #tpu.memory_space<semaphore_mem>>)
        %mul3A_590 = arith.constant 512 : i32
        %mul3A_591 = arith.muli %add3A_578, %mul3A_590 : i32
        %add3A_592 = arith.constant 128 : i32
        %add3A_593 = arith.addi %mul3A_591, %add3A_592 : i32
        %dma_start3A_594 = arith.constant 128 : i32
        %dma_start3A_595 = arith.constant 0 : i32
        %dma_start3A_596 = tpu.memref_slice %arg9[%dma_start3A_594, %dma_start3A_595] : memref<512x32xf32, #tpu.memory_space<vmem>> -> memref<128x32xf32, #tpu.memory_space<vmem>>
        %dma_start3A_597 = tpu.memref_slice %arg6[%add3A_593] : memref<25600xi32, #tpu.memory_space<vmem>> -> memref<128xi32, #tpu.memory_space<vmem>>
        %dma_start3A_598 = arith.constant 0 : i32
        %dma_start3A_599 = arith.constant 0 : i32
        %dma_start3A_600 = tpu.memref_slice %arg3[%dma_start3A_598, %dma_start3A_599] : memref<100000x32xf32, #tpu.memory_space<hbm>> -> memref<100000x32xf32, #tpu.memory_space<hbm>>
        tpu.enqueue_indirect_dma source(%dma_start3A_600 : memref<100000x32xf32, #tpu.memory_space<hbm>>) target(%dma_start3A_596 : memref<128x32xf32, #tpu.memory_space<vmem>>) offsets(%dma_start3A_597 : memref<128xi32, #tpu.memory_space<vmem>>) semaphore(%arg13 : memref<!tpu.dma_semaphore, #tpu.memory_space<semaphore_mem>>)
        %mul3A_601 = arith.constant 512 : i32
        %mul3A_602 = arith.muli %add3A_578, %mul3A_601 : i32
        %add3A_603 = arith.constant 256 : i32
        %add3A_604 = arith.addi %mul3A_602, %add3A_603 : i32
        %dma_start3A_605 = arith.constant 256 : i32
        %dma_start3A_606 = arith.constant 0 : i32
        %dma_start3A_607 = tpu.memref_slice %arg9[%dma_start3A_605, %dma_start3A_606] : memref<512x32xf32, #tpu.memory_space<vmem>> -> memref<128x32xf32, #tpu.memory_space<vmem>>
        %dma_start3A_608 = tpu.memref_slice %arg6[%add3A_604] : memref<25600xi32, #tpu.memory_space<vmem>> -> memref<128xi32, #tpu.memory_space<vmem>>
        %dma_start3A_609 = arith.constant 0 : i32
        %dma_start3A_610 = arith.constant 0 : i32
        %dma_start3A_611 = tpu.memref_slice %arg3[%dma_start3A_609, %dma_start3A_610] : memref<100000x32xf32, #tpu.memory_space<hbm>> -> memref<100000x32xf32, #tpu.memory_space<hbm>>
        tpu.enqueue_indirect_dma source(%dma_start3A_611 : memref<100000x32xf32, #tpu.memory_space<hbm>>) target(%dma_start3A_607 : memref<128x32xf32, #tpu.memory_space<vmem>>) offsets(%dma_start3A_608 : memref<128xi32, #tpu.memory_space<vmem>>) semaphore(%arg13 : memref<!tpu.dma_semaphore, #tpu.memory_space<semaphore_mem>>)
        %mul3A_612 = arith.constant 512 : i32
        %mul3A_613 = arith.muli %add3A_578, %mul3A_612 : i32
        %add3A_614 = arith.constant 384 : i32
        %add3A_615 = arith.addi %mul3A_613, %add3A_614 : i32
        %dma_start3A_616 = arith.constant 384 : i32
        %dma_start3A_617 = arith.constant 0 : i32
        %dma_start3A_618 = tpu.memref_slice %arg9[%dma_start3A_616, %dma_start3A_617] : memref<512x32xf32, #tpu.memory_space<vmem>> -> memref<128x32xf32, #tpu.memory_space<vmem>>
        %dma_start3A_619 = tpu.memref_slice %arg6[%add3A_615] : memref<25600xi32, #tpu.memory_space<vmem>> -> memref<128xi32, #tpu.memory_space<vmem>>
        %dma_start3A_620 = arith.constant 0 : i32
        %dma_start3A_621 = arith.constant 0 : i32
        %dma_start3A_622 = tpu.memref_slice %arg3[%dma_start3A_620, %dma_start3A_621] : memref<100000x32xf32, #tpu.memory_space<hbm>> -> memref<100000x32xf32, #tpu.memory_space<hbm>>
        tpu.enqueue_indirect_dma source(%dma_start3A_622 : memref<100000x32xf32, #tpu.memory_space<hbm>>) target(%dma_start3A_618 : memref<128x32xf32, #tpu.memory_space<vmem>>) offsets(%dma_start3A_619 : memref<128xi32, #tpu.memory_space<vmem>>) semaphore(%arg13 : memref<!tpu.dma_semaphore, #tpu.memory_space<semaphore_mem>>)
      } else {
      }
      %add3A_439 = arith.constant 3 : i32
      %add3A_440 = arith.addi %add3A_422, %add3A_439 : i32
      %lt3A_441 = arith.constant 50 : i32
      %lt3A_442 = arith.cmpi slt, %add3A_440, %lt3A_441 : i32
      %convert_element_type3A_443 = arith.extui %lt3A_442 : i1 to i32
      %cond3A_444 = arith.constant 0 : i32
      %cond3A_445 = arith.cmpi ne, %convert_element_type3A_443, %cond3A_444 : i32
      scf.if %cond3A_445 {
        %add3A_577 = arith.constant 3 : i32
        %add3A_578 = arith.addi %add3A_422, %add3A_577 : i32
        %scan3A_579 = arith.constant 0 : i32
        %scan3A_580 = arith.constant 0 : i32
        %scan3A_581 = arith.constant 32 : i32
        %scan3A_582 = arith.addi %scan3A_580, %scan3A_581 : i32
        %scan3A_583 = arith.constant 1 : i32
        scf.for %scan3A_585 = %scan3A_580 to %scan3A_582 step %scan3A_583  : i32 {
          %mul3A_586 = arith.constant 800 : i32
          %mul3A_587 = arith.muli %scan3A_585, %mul3A_586 : i32
          %add3A_588 = vector.broadcast %mul3A_587 : i32 to vector<16xi32>
          %add3A_589 = arith.addi %add3A_10, %add3A_588 : vector<16xi32>
          %mul3A_590 = arith.constant 4 : i32
          %mul3A_591 = arith.muli %add3A_578, %mul3A_590 : i32
          %add3A_592 = vector.broadcast %mul3A_591 : i32 to vector<16xi32>
          %add3A_593 = arith.addi %add3A_589, %add3A_592 : vector<16xi32>
          %gather3A = tpu.vector_load_idx %arg5[%add3A_593] : memref<25600xi32, #tpu.memory_space<vmem>>[vector<16xi32>], vector<16xi32>,
          %mul3A_594 = arith.constant 512 : i32
          %mul3A_595 = arith.muli %add3A_578, %mul3A_594 : i32
          %mul3A_596 = arith.constant 16 : i32
          %mul3A_597 = arith.muli %scan3A_585, %mul3A_596 : i32
          %add3A_598 = arith.addi %mul3A_595, %mul3A_597 : i32
          %swap3A = arith.index_cast %add3A_598 : i32 to index
          %swap3A_599 = tpu.vector_load %arg6[%swap3A] {strides = array<i32>} : memref<25600xi32, #tpu.memory_space<vmem>>, vector<16xi32>,
          tpu.vector_store %arg6[%swap3A], %gather3A {strides = array<i32>} : memref<25600xi32, #tpu.memory_space<vmem>>, vector<16xi32>,
        }
        %scan3A_584 = arith.constant 32 : i32
      } else {
      }
      %mul3A_446 = arith.constant 512 : i32
      %mul3A_447 = arith.muli %add3A_422, %mul3A_446 : i32
      %add3A_448 = arith.constant 0 : i32
      %add3A_449 = arith.addi %mul3A_447, %add3A_448 : i32
      %dma_wait3A_450 = arith.constant 0 : i32
      %dma_wait3A_451 = arith.constant 0 : i32
      %dma_wait3A_452 = tpu.memref_slice %arg7[%dma_wait3A_450, %dma_wait3A_451] : memref<512x32xf32, #tpu.memory_space<vmem>> -> memref<128x32xf32, #tpu.memory_space<vmem>>
      %dma_wait3A_453 = tpu.memref_slice %arg6[%add3A_449] : memref<25600xi32, #tpu.memory_space<vmem>> -> memref<128xi32, #tpu.memory_space<vmem>>
      %dma_wait3A_454 = arith.constant 0 : i32
      %dma_wait3A_455 = arith.constant 0 : i32
      %dma_wait3A_456 = tpu.memref_slice %arg3[%dma_wait3A_454, %dma_wait3A_455] : memref<100000x32xf32, #tpu.memory_space<hbm>> -> memref<100000x32xf32, #tpu.memory_space<hbm>>
      tpu.wait_indirect_dma semaphore(%arg11 : memref<!tpu.dma_semaphore, #tpu.memory_space<semaphore_mem>>) src(%dma_wait3A_456 : memref<100000x32xf32, #tpu.memory_space<hbm>>) dst(%dma_wait3A_452 : memref<128x32xf32, #tpu.memory_space<vmem>>)
      %mul3A_457 = arith.constant 512 : i32
      %mul3A_458 = arith.muli %add3A_422, %mul3A_457 : i32
      %add3A_459 = arith.constant 128 : i32
      %add3A_460 = arith.addi %mul3A_458, %add3A_459 : i32
      %dma_wait3A_461 = arith.constant 128 : i32
      %dma_wait3A_462 = arith.constant 0 : i32
      %dma_wait3A_463 = tpu.memref_slice %arg7[%dma_wait3A_461, %dma_wait3A_462] : memref<512x32xf32, #tpu.memory_space<vmem>> -> memref<128x32xf32, #tpu.memory_space<vmem>>
      %dma_wait3A_464 = tpu.memref_slice %arg6[%add3A_460] : memref<25600xi32, #tpu.memory_space<vmem>> -> memref<128xi32, #tpu.memory_space<vmem>>
      %dma_wait3A_465 = arith.constant 0 : i32
      %dma_wait3A_466 = arith.constant 0 : i32
      %dma_wait3A_467 = tpu.memref_slice %arg3[%dma_wait3A_465, %dma_wait3A_466] : memref<100000x32xf32, #tpu.memory_space<hbm>> -> memref<100000x32xf32, #tpu.memory_space<hbm>>
      tpu.wait_indirect_dma semaphore(%arg11 : memref<!tpu.dma_semaphore, #tpu.memory_space<semaphore_mem>>) src(%dma_wait3A_467 : memref<100000x32xf32, #tpu.memory_space<hbm>>) dst(%dma_wait3A_463 : memref<128x32xf32, #tpu.memory_space<vmem>>)
      %mul3A_468 = arith.constant 512 : i32
      %mul3A_469 = arith.muli %add3A_422, %mul3A_468 : i32
      %add3A_470 = arith.constant 256 : i32
      %add3A_471 = arith.addi %mul3A_469, %add3A_470 : i32
      %dma_wait3A_472 = arith.constant 256 : i32
      %dma_wait3A_473 = arith.constant 0 : i32
      %dma_wait3A_474 = tpu.memref_slice %arg7[%dma_wait3A_472, %dma_wait3A_473] : memref<512x32xf32, #tpu.memory_space<vmem>> -> memref<128x32xf32, #tpu.memory_space<vmem>>
      %dma_wait3A_475 = tpu.memref_slice %arg6[%add3A_471] : memref<25600xi32, #tpu.memory_space<vmem>> -> memref<128xi32, #tpu.memory_space<vmem>>
      %dma_wait3A_476 = arith.constant 0 : i32
      %dma_wait3A_477 = arith.constant 0 : i32
      %dma_wait3A_478 = tpu.memref_slice %arg3[%dma_wait3A_476, %dma_wait3A_477] : memref<100000x32xf32, #tpu.memory_space<hbm>> -> memref<100000x32xf32, #tpu.memory_space<hbm>>
      tpu.wait_indirect_dma semaphore(%arg11 : memref<!tpu.dma_semaphore, #tpu.memory_space<semaphore_mem>>) src(%dma_wait3A_478 : memref<100000x32xf32, #tpu.memory_space<hbm>>) dst(%dma_wait3A_474 : memref<128x32xf32, #tpu.memory_space<vmem>>)
      %mul3A_479 = arith.constant 512 : i32
      %mul3A_480 = arith.muli %add3A_422, %mul3A_479 : i32
      %add3A_481 = arith.constant 384 : i32
      %add3A_482 = arith.addi %mul3A_480, %add3A_481 : i32
      %dma_wait3A_483 = arith.constant 384 : i32
      %dma_wait3A_484 = arith.constant 0 : i32
      %dma_wait3A_485 = tpu.memref_slice %arg7[%dma_wait3A_483, %dma_wait3A_484] : memref<512x32xf32, #tpu.memory_space<vmem>> -> memref<128x32xf32, #tpu.memory_space<vmem>>
      %dma_wait3A_486 = tpu.memref_slice %arg6[%add3A_482] : memref<25600xi32, #tpu.memory_space<vmem>> -> memref<128xi32, #tpu.memory_space<vmem>>
      %dma_wait3A_487 = arith.constant 0 : i32
      %dma_wait3A_488 = arith.constant 0 : i32
      %dma_wait3A_489 = tpu.memref_slice %arg3[%dma_wait3A_487, %dma_wait3A_488] : memref<100000x32xf32, #tpu.memory_space<hbm>> -> memref<100000x32xf32, #tpu.memory_space<hbm>>
      tpu.wait_indirect_dma semaphore(%arg11 : memref<!tpu.dma_semaphore, #tpu.memory_space<semaphore_mem>>) src(%dma_wait3A_489 : memref<100000x32xf32, #tpu.memory_space<hbm>>) dst(%dma_wait3A_485 : memref<128x32xf32, #tpu.memory_space<vmem>>)
      %mul3A_490 = arith.constant 512 : i32
      %mul3A_491 = arith.muli %add3A_422, %mul3A_490 : i32
      %add3A_492 = arith.addi %mul3A_2, %mul3A_491 : i32
      %dma_start3A_493 = arith.constant 0 : i32
      %dma_start3A_494 = tpu.memref_slice %arg4[%add3A_492, %dma_start3A_493] : memref<819200x32xf32, #tpu.memory_space<hbm>> -> memref<512x32xf32, #tpu.memory_space<hbm>>
      %dma_start3A_495 = arith.constant 0 : i32
      %dma_start3A_496 = tpu.memref_slice %arg4[%add3A_492, %dma_start3A_495] : memref<819200x32xf32, #tpu.memory_space<hbm>> -> memref<512x32xf32, #tpu.memory_space<hbm>>
      tpu.enqueue_dma source(%arg7 : memref<512x32xf32, #tpu.memory_space<vmem>>) target(%dma_start3A_496 : memref<512x32xf32, #tpu.memory_space<hbm>>) target_semaphore(%arg15 : memref<!tpu.dma_semaphore, #tpu.memory_space<semaphore_mem>>)
      %mul3A_497 = arith.constant 4 : i32
      %mul3A_498 = arith.muli %mul3A_497, %scan3A_260 : i32
      %add3A_499 = arith.constant 2 : i32
      %add3A_500 = arith.addi %add3A_499, %mul3A_498 : i32
      %add3A_501 = arith.constant 3 : i32
      %add3A_502 = arith.addi %add3A_500, %add3A_501 : i32
      %sub3A_503 = arith.constant 2 : i32
      %sub3A_504 = arith.subi %add3A_502, %sub3A_503 : i32
      %mul3A_505 = arith.constant 512 : i32
      %mul3A_506 = arith.muli %sub3A_504, %mul3A_505 : i32
      %add3A_507 = arith.addi %mul3A_2, %mul3A_506 : i32
      %dma_wait3A_508 = arith.constant 0 : i32
      %dma_wait3A_509 = tpu.memref_slice %arg4[%add3A_507, %dma_wait3A_508] : memref<819200x32xf32, #tpu.memory_space<hbm>> -> memref<512x32xf32, #tpu.memory_space<hbm>>
      %dma_wait3A_510 = arith.constant 0 : i32
      %dma_wait3A_511 = tpu.memref_slice %arg4[%add3A_507, %dma_wait3A_510] : memref<819200x32xf32, #tpu.memory_space<hbm>> -> memref<512x32xf32, #tpu.memory_space<hbm>>
      tpu.wait_dma2 semaphore(%arg18 : memref<!tpu.dma_semaphore, #tpu.memory_space<semaphore_mem>>) src(%arg10 : memref<512x32xf32, #tpu.memory_space<vmem>>) dst(%dma_wait3A_511 : memref<512x32xf32, #tpu.memory_space<hbm>>)
      %add3A_512 = arith.constant 2 : i32
      %add3A_513 = arith.addi %add3A_502, %add3A_512 : i32
      %lt3A_514 = arith.constant 50 : i32
      %lt3A_515 = arith.cmpi slt, %add3A_513, %lt3A_514 : i32
      %convert_element_type3A_516 = arith.extui %lt3A_515 : i1 to i32
      %cond3A_517 = arith.constant 0 : i32
      %cond3A_518 = arith.cmpi ne, %convert_element_type3A_516, %cond3A_517 : i32
      scf.if %cond3A_518 {
        %add3A_577 = arith.constant 2 : i32
        %add3A_578 = arith.addi %add3A_502, %add3A_577 : i32
        %mul3A_579 = arith.constant 512 : i32
        %mul3A_580 = arith.muli %add3A_578, %mul3A_579 : i32
        %add3A_581 = arith.constant 0 : i32
        %add3A_582 = arith.addi %mul3A_580, %add3A_581 : i32
        %dma_start3A_583 = arith.constant 0 : i32
        %dma_start3A_584 = arith.constant 0 : i32
        %dma_start3A_585 = tpu.memref_slice %arg10[%dma_start3A_583, %dma_start3A_584] : memref<512x32xf32, #tpu.memory_space<vmem>> -> memref<128x32xf32, #tpu.memory_space<vmem>>
        %dma_start3A_586 = tpu.memref_slice %arg6[%add3A_582] : memref<25600xi32, #tpu.memory_space<vmem>> -> memref<128xi32, #tpu.memory_space<vmem>>
        %dma_start3A_587 = arith.constant 0 : i32
        %dma_start3A_588 = arith.constant 0 : i32
        %dma_start3A_589 = tpu.memref_slice %arg3[%dma_start3A_587, %dma_start3A_588] : memref<100000x32xf32, #tpu.memory_space<hbm>> -> memref<100000x32xf32, #tpu.memory_space<hbm>>
        tpu.enqueue_indirect_dma source(%dma_start3A_589 : memref<100000x32xf32, #tpu.memory_space<hbm>>) target(%dma_start3A_585 : memref<128x32xf32, #tpu.memory_space<vmem>>) offsets(%dma_start3A_586 : memref<128xi32, #tpu.memory_space<vmem>>) semaphore(%arg14 : memref<!tpu.dma_semaphore, #tpu.memory_space<semaphore_mem>>)
        %mul3A_590 = arith.constant 512 : i32
        %mul3A_591 = arith.muli %add3A_578, %mul3A_590 : i32
        %add3A_592 = arith.constant 128 : i32
        %add3A_593 = arith.addi %mul3A_591, %add3A_592 : i32
        %dma_start3A_594 = arith.constant 128 : i32
        %dma_start3A_595 = arith.constant 0 : i32
        %dma_start3A_596 = tpu.memref_slice %arg10[%dma_start3A_594, %dma_start3A_595] : memref<512x32xf32, #tpu.memory_space<vmem>> -> memref<128x32xf32, #tpu.memory_space<vmem>>
        %dma_start3A_597 = tpu.memref_slice %arg6[%add3A_593] : memref<25600xi32, #tpu.memory_space<vmem>> -> memref<128xi32, #tpu.memory_space<vmem>>
        %dma_start3A_598 = arith.constant 0 : i32
        %dma_start3A_599 = arith.constant 0 : i32
        %dma_start3A_600 = tpu.memref_slice %arg3[%dma_start3A_598, %dma_start3A_599] : memref<100000x32xf32, #tpu.memory_space<hbm>> -> memref<100000x32xf32, #tpu.memory_space<hbm>>
        tpu.enqueue_indirect_dma source(%dma_start3A_600 : memref<100000x32xf32, #tpu.memory_space<hbm>>) target(%dma_start3A_596 : memref<128x32xf32, #tpu.memory_space<vmem>>) offsets(%dma_start3A_597 : memref<128xi32, #tpu.memory_space<vmem>>) semaphore(%arg14 : memref<!tpu.dma_semaphore, #tpu.memory_space<semaphore_mem>>)
        %mul3A_601 = arith.constant 512 : i32
        %mul3A_602 = arith.muli %add3A_578, %mul3A_601 : i32
        %add3A_603 = arith.constant 256 : i32
        %add3A_604 = arith.addi %mul3A_602, %add3A_603 : i32
        %dma_start3A_605 = arith.constant 256 : i32
        %dma_start3A_606 = arith.constant 0 : i32
        %dma_start3A_607 = tpu.memref_slice %arg10[%dma_start3A_605, %dma_start3A_606] : memref<512x32xf32, #tpu.memory_space<vmem>> -> memref<128x32xf32, #tpu.memory_space<vmem>>
        %dma_start3A_608 = tpu.memref_slice %arg6[%add3A_604] : memref<25600xi32, #tpu.memory_space<vmem>> -> memref<128xi32, #tpu.memory_space<vmem>>
        %dma_start3A_609 = arith.constant 0 : i32
        %dma_start3A_610 = arith.constant 0 : i32
        %dma_start3A_611 = tpu.memref_slice %arg3[%dma_start3A_609, %dma_start3A_610] : memref<100000x32xf32, #tpu.memory_space<hbm>> -> memref<100000x32xf32, #tpu.memory_space<hbm>>
        tpu.enqueue_indirect_dma source(%dma_start3A_611 : memref<100000x32xf32, #tpu.memory_space<hbm>>) target(%dma_start3A_607 : memref<128x32xf32, #tpu.memory_space<vmem>>) offsets(%dma_start3A_608 : memref<128xi32, #tpu.memory_space<vmem>>) semaphore(%arg14 : memref<!tpu.dma_semaphore, #tpu.memory_space<semaphore_mem>>)
        %mul3A_612 = arith.constant 512 : i32
        %mul3A_613 = arith.muli %add3A_578, %mul3A_612 : i32
        %add3A_614 = arith.constant 384 : i32
        %add3A_615 = arith.addi %mul3A_613, %add3A_614 : i32
        %dma_start3A_616 = arith.constant 384 : i32
        %dma_start3A_617 = arith.constant 0 : i32
        %dma_start3A_618 = tpu.memref_slice %arg10[%dma_start3A_616, %dma_start3A_617] : memref<512x32xf32, #tpu.memory_space<vmem>> -> memref<128x32xf32, #tpu.memory_space<vmem>>
        %dma_start3A_619 = tpu.memref_slice %arg6[%add3A_615] : memref<25600xi32, #tpu.memory_space<vmem>> -> memref<128xi32, #tpu.memory_space<vmem>>
        %dma_start3A_620 = arith.constant 0 : i32
        %dma_start3A_621 = arith.constant 0 : i32
        %dma_start3A_622 = tpu.memref_slice %arg3[%dma_start3A_620, %dma_start3A_621] : memref<100000x32xf32, #tpu.memory_space<hbm>> -> memref<100000x32xf32, #tpu.memory_space<hbm>>
        tpu.enqueue_indirect_dma source(%dma_start3A_622 : memref<100000x32xf32, #tpu.memory_space<hbm>>) target(%dma_start3A_618 : memref<128x32xf32, #tpu.memory_space<vmem>>) offsets(%dma_start3A_619 : memref<128xi32, #tpu.memory_space<vmem>>) semaphore(%arg14 : memref<!tpu.dma_semaphore, #tpu.memory_space<semaphore_mem>>)
      } else {
      }
      %add3A_519 = arith.constant 3 : i32
      %add3A_520 = arith.addi %add3A_502, %add3A_519 : i32
      %lt3A_521 = arith.constant 50 : i32
      %lt3A_522 = arith.cmpi slt, %add3A_520, %lt3A_521 : i32
      %convert_element_type3A_523 = arith.extui %lt3A_522 : i1 to i32
      %cond3A_524 = arith.constant 0 : i32
      %cond3A_525 = arith.cmpi ne, %convert_element_type3A_523, %cond3A_524 : i32
      scf.if %cond3A_525 {
        %add3A_577 = arith.constant 3 : i32
        %add3A_578 = arith.addi %add3A_502, %add3A_577 : i32
        %scan3A_579 = arith.constant 0 : i32
        %scan3A_580 = arith.constant 0 : i32
        %scan3A_581 = arith.constant 32 : i32
        %scan3A_582 = arith.addi %scan3A_580, %scan3A_581 : i32
        %scan3A_583 = arith.constant 1 : i32
        scf.for %scan3A_585 = %scan3A_580 to %scan3A_582 step %scan3A_583  : i32 {
          %mul3A_586 = arith.constant 800 : i32
          %mul3A_587 = arith.muli %scan3A_585, %mul3A_586 : i32
          %add3A_588 = vector.broadcast %mul3A_587 : i32 to vector<16xi32>
          %add3A_589 = arith.addi %add3A_10, %add3A_588 : vector<16xi32>
          %mul3A_590 = arith.constant 4 : i32
          %mul3A_591 = arith.muli %add3A_578, %mul3A_590 : i32
          %add3A_592 = vector.broadcast %mul3A_591 : i32 to vector<16xi32>
          %add3A_593 = arith.addi %add3A_589, %add3A_592 : vector<16xi32>
          %gather3A = tpu.vector_load_idx %arg5[%add3A_593] : memref<25600xi32, #tpu.memory_space<vmem>>[vector<16xi32>], vector<16xi32>,
          %mul3A_594 = arith.constant 512 : i32
          %mul3A_595 = arith.muli %add3A_578, %mul3A_594 : i32
          %mul3A_596 = arith.constant 16 : i32
          %mul3A_597 = arith.muli %scan3A_585, %mul3A_596 : i32
          %add3A_598 = arith.addi %mul3A_595, %mul3A_597 : i32
          %swap3A = arith.index_cast %add3A_598 : i32 to index
          %swap3A_599 = tpu.vector_load %arg6[%swap3A] {strides = array<i32>} : memref<25600xi32, #tpu.memory_space<vmem>>, vector<16xi32>,
          tpu.vector_store %arg6[%swap3A], %gather3A {strides = array<i32>} : memref<25600xi32, #tpu.memory_space<vmem>>, vector<16xi32>,
        }
        %scan3A_584 = arith.constant 32 : i32
      } else {
      }
      %mul3A_526 = arith.constant 512 : i32
      %mul3A_527 = arith.muli %add3A_502, %mul3A_526 : i32
      %add3A_528 = arith.constant 0 : i32
      %add3A_529 = arith.addi %mul3A_527, %add3A_528 : i32
      %dma_wait3A_530 = arith.constant 0 : i32
      %dma_wait3A_531 = arith.constant 0 : i32
      %dma_wait3A_532 = tpu.memref_slice %arg8[%dma_wait3A_530, %dma_wait3A_531] : memref<512x32xf32, #tpu.memory_space<vmem>> -> memref<128x32xf32, #tpu.memory_space<vmem>>
      %dma_wait3A_533 = tpu.memref_slice %arg6[%add3A_529] : memref<25600xi32, #tpu.memory_space<vmem>> -> memref<128xi32, #tpu.memory_space<vmem>>
      %dma_wait3A_534 = arith.constant 0 : i32
      %dma_wait3A_535 = arith.constant 0 : i32
      %dma_wait3A_536 = tpu.memref_slice %arg3[%dma_wait3A_534, %dma_wait3A_535] : memref<100000x32xf32, #tpu.memory_space<hbm>> -> memref<100000x32xf32, #tpu.memory_space<hbm>>
      tpu.wait_indirect_dma semaphore(%arg12 : memref<!tpu.dma_semaphore, #tpu.memory_space<semaphore_mem>>) src(%dma_wait3A_536 : memref<100000x32xf32, #tpu.memory_space<hbm>>) dst(%dma_wait3A_532 : memref<128x32xf32, #tpu.memory_space<vmem>>)
      %mul3A_537 = arith.constant 512 : i32
      %mul3A_538 = arith.muli %add3A_502, %mul3A_537 : i32
      %add3A_539 = arith.constant 128 : i32
      %add3A_540 = arith.addi %mul3A_538, %add3A_539 : i32
      %dma_wait3A_541 = arith.constant 128 : i32
      %dma_wait3A_542 = arith.constant 0 : i32
      %dma_wait3A_543 = tpu.memref_slice %arg8[%dma_wait3A_541, %dma_wait3A_542] : memref<512x32xf32, #tpu.memory_space<vmem>> -> memref<128x32xf32, #tpu.memory_space<vmem>>
      %dma_wait3A_544 = tpu.memref_slice %arg6[%add3A_540] : memref<25600xi32, #tpu.memory_space<vmem>> -> memref<128xi32, #tpu.memory_space<vmem>>
      %dma_wait3A_545 = arith.constant 0 : i32
      %dma_wait3A_546 = arith.constant 0 : i32
      %dma_wait3A_547 = tpu.memref_slice %arg3[%dma_wait3A_545, %dma_wait3A_546] : memref<100000x32xf32, #tpu.memory_space<hbm>> -> memref<100000x32xf32, #tpu.memory_space<hbm>>
      tpu.wait_indirect_dma semaphore(%arg12 : memref<!tpu.dma_semaphore, #tpu.memory_space<semaphore_mem>>) src(%dma_wait3A_547 : memref<100000x32xf32, #tpu.memory_space<hbm>>) dst(%dma_wait3A_543 : memref<128x32xf32, #tpu.memory_space<vmem>>)
      %mul3A_548 = arith.constant 512 : i32
      %mul3A_549 = arith.muli %add3A_502, %mul3A_548 : i32
      %add3A_550 = arith.constant 256 : i32
      %add3A_551 = arith.addi %mul3A_549, %add3A_550 : i32
      %dma_wait3A_552 = arith.constant 256 : i32
      %dma_wait3A_553 = arith.constant 0 : i32
      %dma_wait3A_554 = tpu.memref_slice %arg8[%dma_wait3A_552, %dma_wait3A_553] : memref<512x32xf32, #tpu.memory_space<vmem>> -> memref<128x32xf32, #tpu.memory_space<vmem>>
      %dma_wait3A_555 = tpu.memref_slice %arg6[%add3A_551] : memref<25600xi32, #tpu.memory_space<vmem>> -> memref<128xi32, #tpu.memory_space<vmem>>
      %dma_wait3A_556 = arith.constant 0 : i32
      %dma_wait3A_557 = arith.constant 0 : i32
      %dma_wait3A_558 = tpu.memref_slice %arg3[%dma_wait3A_556, %dma_wait3A_557] : memref<100000x32xf32, #tpu.memory_space<hbm>> -> memref<100000x32xf32, #tpu.memory_space<hbm>>
      tpu.wait_indirect_dma semaphore(%arg12 : memref<!tpu.dma_semaphore, #tpu.memory_space<semaphore_mem>>) src(%dma_wait3A_558 : memref<100000x32xf32, #tpu.memory_space<hbm>>) dst(%dma_wait3A_554 : memref<128x32xf32, #tpu.memory_space<vmem>>)
      %mul3A_559 = arith.constant 512 : i32
      %mul3A_560 = arith.muli %add3A_502, %mul3A_559 : i32
      %add3A_561 = arith.constant 384 : i32
      %add3A_562 = arith.addi %mul3A_560, %add3A_561 : i32
      %dma_wait3A_563 = arith.constant 384 : i32
      %dma_wait3A_564 = arith.constant 0 : i32
      %dma_wait3A_565 = tpu.memref_slice %arg8[%dma_wait3A_563, %dma_wait3A_564] : memref<512x32xf32, #tpu.memory_space<vmem>> -> memref<128x32xf32, #tpu.memory_space<vmem>>
      %dma_wait3A_566 = tpu.memref_slice %arg6[%add3A_562] : memref<25600xi32, #tpu.memory_space<vmem>> -> memref<128xi32, #tpu.memory_space<vmem>>
      %dma_wait3A_567 = arith.constant 0 : i32
      %dma_wait3A_568 = arith.constant 0 : i32
      %dma_wait3A_569 = tpu.memref_slice %arg3[%dma_wait3A_567, %dma_wait3A_568] : memref<100000x32xf32, #tpu.memory_space<hbm>> -> memref<100000x32xf32, #tpu.memory_space<hbm>>
      tpu.wait_indirect_dma semaphore(%arg12 : memref<!tpu.dma_semaphore, #tpu.memory_space<semaphore_mem>>) src(%dma_wait3A_569 : memref<100000x32xf32, #tpu.memory_space<hbm>>) dst(%dma_wait3A_565 : memref<128x32xf32, #tpu.memory_space<vmem>>)
      %mul3A_570 = arith.constant 512 : i32
      %mul3A_571 = arith.muli %add3A_502, %mul3A_570 : i32
      %add3A_572 = arith.addi %mul3A_2, %mul3A_571 : i32
      %dma_start3A_573 = arith.constant 0 : i32
      %dma_start3A_574 = tpu.memref_slice %arg4[%add3A_572, %dma_start3A_573] : memref<819200x32xf32, #tpu.memory_space<hbm>> -> memref<512x32xf32, #tpu.memory_space<hbm>>
      %dma_start3A_575 = arith.constant 0 : i32
      %dma_start3A_576 = tpu.memref_slice %arg4[%add3A_572, %dma_start3A_575] : memref<819200x32xf32, #tpu.memory_space<hbm>> -> memref<512x32xf32, #tpu.memory_space<hbm>>
      tpu.enqueue_dma source(%arg8 : memref<512x32xf32, #tpu.memory_space<vmem>>) target(%dma_start3A_576 : memref<512x32xf32, #tpu.memory_space<hbm>>) target_semaphore(%arg16 : memref<!tpu.dma_semaphore, #tpu.memory_space<semaphore_mem>>)
    }
    %scan3A_247 = arith.constant 12 : i32
    %add3A_248 = arith.constant 24576 : i32
    %add3A_249 = arith.addi %mul3A_2, %add3A_248 : i32
    %dma_wait3A_250 = arith.constant 0 : i32
    %dma_wait3A_251 = tpu.memref_slice %arg4[%add3A_249, %dma_wait3A_250] : memref<819200x32xf32, #tpu.memory_space<hbm>> -> memref<512x32xf32, #tpu.memory_space<hbm>>
    %dma_wait3A_252 = arith.constant 0 : i32
    %dma_wait3A_253 = tpu.memref_slice %arg4[%add3A_249, %dma_wait3A_252] : memref<819200x32xf32, #tpu.memory_space<hbm>> -> memref<512x32xf32, #tpu.memory_space<hbm>>
    tpu.wait_dma2 semaphore(%arg15 : memref<!tpu.dma_semaphore, #tpu.memory_space<semaphore_mem>>) src(%arg7 : memref<512x32xf32, #tpu.memory_space<vmem>>) dst(%dma_wait3A_253 : memref<512x32xf32, #tpu.memory_space<hbm>>)
    %add3A_254 = arith.constant 25088 : i32
    %add3A_255 = arith.addi %mul3A_2, %add3A_254 : i32
    %dma_wait3A_256 = arith.constant 0 : i32
    %dma_wait3A_257 = tpu.memref_slice %arg4[%add3A_255, %dma_wait3A_256] : memref<819200x32xf32, #tpu.memory_space<hbm>> -> memref<512x32xf32, #tpu.memory_space<hbm>>
    %dma_wait3A_258 = arith.constant 0 : i32
    %dma_wait3A_259 = tpu.memref_slice %arg4[%add3A_255, %dma_wait3A_258] : memref<819200x32xf32, #tpu.memory_space<hbm>> -> memref<512x32xf32, #tpu.memory_space<hbm>>
    tpu.wait_dma2 semaphore(%arg16 : memref<!tpu.dma_semaphore, #tpu.memory_space<semaphore_mem>>) src(%arg8 : memref<512x32xf32, #tpu.memory_space<vmem>>) dst(%dma_wait3A_259 : memref<512x32xf32, #tpu.memory_space<hbm>>)
    return
  }
}

module attributes {stable_mosaic.version = 14 : i64} {
  func.func @body(%arg0: i32, %arg1: memref<1x6400x128xf32, #tpu.memory_space<vmem>>, %arg2: memref<200x4x1x8x128xf32, #tpu.memory_space<vmem>>) attributes {dimension_semantics = [#tpu.dimension_semantics<arbitrary>], iteration_bounds = array<i64: 32>, scalar_prefetch = 0 : i64, scratch_operands = 0 : i64, tpu.core_type = #tpu.core_type<tc>, window_params = [{transform_indices = @transform_0, window_bounds = array<i64: 1, 6400, 128>}, {transform_indices = @transform_1, window_bounds = array<i64: 200, 4, 1, 8, 128>}]} {
    %get3A = arith.constant 0 : index
    %get3A_0 = arith.constant 0 : index
    %get3A_1 = arith.constant 0 : index
    %get3A_2 = vector.load %arg1[%get3A, %get3A_0, %get3A_1] : memref<1x6400x128xf32, #tpu.memory_space<vmem>>, vector<1x128x128xf32>
    %get3A_3 = vector.shape_cast %get3A_2 : vector<1x128x128xf32> to vector<128x128xf32>
    %transpose3A = tpu.transpose %get3A_3, [1, 0] : vector<128x128xf32> -> vector<128x128xf32>
    %reshape3A = vector.shape_cast %transpose3A : vector<128x128xf32> to vector<4x4x8x128xf32>
    %swap3A = arith.constant 0 : index
    %swap3A_4 = arith.constant 0 : index
    %swap3A_5 = arith.constant 0 : index
    %swap3A_6 = arith.constant 0 : index
    %swap3A_7 = arith.constant 0 : index
    %swap3A_8 = vector.load %arg2[%swap3A, %swap3A_4, %swap3A_5, %swap3A_6, %swap3A_7] : memref<200x4x1x8x128xf32, #tpu.memory_space<vmem>>, vector<4x4x1x8x128xf32>
    %swap3A_9 = vector.shape_cast %swap3A_8 : vector<4x4x1x8x128xf32> to vector<4x4x8x128xf32>
    %swap3A_10 = vector.shape_cast %reshape3A : vector<4x4x8x128xf32> to vector<4x4x1x8x128xf32>
    tpu.vector_store %arg2[%swap3A, %swap3A_4, %swap3A_5, %swap3A_6, %swap3A_7], %swap3A_10 {strides = array<i32>} : memref<200x4x1x8x128xf32, #tpu.memory_space<vmem>>, vector<4x4x1x8x128xf32>,
    %get3A_11 = arith.constant 0 : index
    %get3A_12 = arith.constant 128 : index
    %get3A_13 = arith.constant 0 : index
    %get3A_14 = vector.load %arg1[%get3A_11, %get3A_12, %get3A_13] : memref<1x6400x128xf32, #tpu.memory_space<vmem>>, vector<1x128x128xf32>
    %get3A_15 = vector.shape_cast %get3A_14 : vector<1x128x128xf32> to vector<128x128xf32>
    %transpose3A_16 = tpu.transpose %get3A_15, [1, 0] : vector<128x128xf32> -> vector<128x128xf32>
    %reshape3A_17 = vector.shape_cast %transpose3A_16 : vector<128x128xf32> to vector<4x4x8x128xf32>
    %swap3A_18 = arith.constant 4 : index
    %swap3A_19 = arith.constant 0 : index
    %swap3A_20 = arith.constant 0 : index
    %swap3A_21 = arith.constant 0 : index
    %swap3A_22 = arith.constant 0 : index
    %swap3A_23 = vector.load %arg2[%swap3A_18, %swap3A_19, %swap3A_20, %swap3A_21, %swap3A_22] : memref<200x4x1x8x128xf32, #tpu.memory_space<vmem>>, vector<4x4x1x8x128xf32>
    %swap3A_24 = vector.shape_cast %swap3A_23 : vector<4x4x1x8x128xf32> to vector<4x4x8x128xf32>
    %swap3A_25 = vector.shape_cast %reshape3A_17 : vector<4x4x8x128xf32> to vector<4x4x1x8x128xf32>
    tpu.vector_store %arg2[%swap3A_18, %swap3A_19, %swap3A_20, %swap3A_21, %swap3A_22], %swap3A_25 {strides = array<i32>} : memref<200x4x1x8x128xf32, #tpu.memory_space<vmem>>, vector<4x4x1x8x128xf32>,
    %get3A_26 = arith.constant 0 : index
    %get3A_27 = arith.constant 256 : index
    %get3A_28 = arith.constant 0 : index
    %get3A_29 = vector.load %arg1[%get3A_26, %get3A_27, %get3A_28] : memref<1x6400x128xf32, #tpu.memory_space<vmem>>, vector<1x128x128xf32>
    %get3A_30 = vector.shape_cast %get3A_29 : vector<1x128x128xf32> to vector<128x128xf32>
    %transpose3A_31 = tpu.transpose %get3A_30, [1, 0] : vector<128x128xf32> -> vector<128x128xf32>
    %reshape3A_32 = vector.shape_cast %transpose3A_31 : vector<128x128xf32> to vector<4x4x8x128xf32>
    %swap3A_33 = arith.constant 8 : index
    %swap3A_34 = arith.constant 0 : index
    %swap3A_35 = arith.constant 0 : index
    %swap3A_36 = arith.constant 0 : index
    %swap3A_37 = arith.constant 0 : index
    %swap3A_38 = vector.load %arg2[%swap3A_33, %swap3A_34, %swap3A_35, %swap3A_36, %swap3A_37] : memref<200x4x1x8x128xf32, #tpu.memory_space<vmem>>, vector<4x4x1x8x128xf32>
    %swap3A_39 = vector.shape_cast %swap3A_38 : vector<4x4x1x8x128xf32> to vector<4x4x8x128xf32>
    %swap3A_40 = vector.shape_cast %reshape3A_32 : vector<4x4x8x128xf32> to vector<4x4x1x8x128xf32>
    tpu.vector_store %arg2[%swap3A_33, %swap3A_34, %swap3A_35, %swap3A_36, %swap3A_37], %swap3A_40 {strides = array<i32>} : memref<200x4x1x8x128xf32, #tpu.memory_space<vmem>>, vector<4x4x1x8x128xf32>,
    %get3A_41 = arith.constant 0 : index
    %get3A_42 = arith.constant 384 : index
    %get3A_43 = arith.constant 0 : index
    %get3A_44 = vector.load %arg1[%get3A_41, %get3A_42, %get3A_43] : memref<1x6400x128xf32, #tpu.memory_space<vmem>>, vector<1x128x128xf32>
    %get3A_45 = vector.shape_cast %get3A_44 : vector<1x128x128xf32> to vector<128x128xf32>
    %transpose3A_46 = tpu.transpose %get3A_45, [1, 0] : vector<128x128xf32> -> vector<128x128xf32>
    %reshape3A_47 = vector.shape_cast %transpose3A_46 : vector<128x128xf32> to vector<4x4x8x128xf32>
    %swap3A_48 = arith.constant 12 : index
    %swap3A_49 = arith.constant 0 : index
    %swap3A_50 = arith.constant 0 : index
    %swap3A_51 = arith.constant 0 : index
    %swap3A_52 = arith.constant 0 : index
    %swap3A_53 = vector.load %arg2[%swap3A_48, %swap3A_49, %swap3A_50, %swap3A_51, %swap3A_52] : memref<200x4x1x8x128xf32, #tpu.memory_space<vmem>>, vector<4x4x1x8x128xf32>
    %swap3A_54 = vector.shape_cast %swap3A_53 : vector<4x4x1x8x128xf32> to vector<4x4x8x128xf32>
    %swap3A_55 = vector.shape_cast %reshape3A_47 : vector<4x4x8x128xf32> to vector<4x4x1x8x128xf32>
    tpu.vector_store %arg2[%swap3A_48, %swap3A_49, %swap3A_50, %swap3A_51, %swap3A_52], %swap3A_55 {strides = array<i32>} : memref<200x4x1x8x128xf32, #tpu.memory_space<vmem>>, vector<4x4x1x8x128xf32>,
    %get3A_56 = arith.constant 0 : index
    %get3A_57 = arith.constant 512 : index
    %get3A_58 = arith.constant 0 : index
    %get3A_59 = vector.load %arg1[%get3A_56, %get3A_57, %get3A_58] : memref<1x6400x128xf32, #tpu.memory_space<vmem>>, vector<1x128x128xf32>
    %get3A_60 = vector.shape_cast %get3A_59 : vector<1x128x128xf32> to vector<128x128xf32>
    %transpose3A_61 = tpu.transpose %get3A_60, [1, 0] : vector<128x128xf32> -> vector<128x128xf32>
    %reshape3A_62 = vector.shape_cast %transpose3A_61 : vector<128x128xf32> to vector<4x4x8x128xf32>
    %swap3A_63 = arith.constant 16 : index
    %swap3A_64 = arith.constant 0 : index
    %swap3A_65 = arith.constant 0 : index
    %swap3A_66 = arith.constant 0 : index
    %swap3A_67 = arith.constant 0 : index
    %swap3A_68 = vector.load %arg2[%swap3A_63, %swap3A_64, %swap3A_65, %swap3A_66, %swap3A_67] : memref<200x4x1x8x128xf32, #tpu.memory_space<vmem>>, vector<4x4x1x8x128xf32>
    %swap3A_69 = vector.shape_cast %swap3A_68 : vector<4x4x1x8x128xf32> to vector<4x4x8x128xf32>
    %swap3A_70 = vector.shape_cast %reshape3A_62 : vector<4x4x8x128xf32> to vector<4x4x1x8x128xf32>
    tpu.vector_store %arg2[%swap3A_63, %swap3A_64, %swap3A_65, %swap3A_66, %swap3A_67], %swap3A_70 {strides = array<i32>} : memref<200x4x1x8x128xf32, #tpu.memory_space<vmem>>, vector<4x4x1x8x128xf32>,
    %get3A_71 = arith.constant 0 : index
    %get3A_72 = arith.constant 640 : index
    %get3A_73 = arith.constant 0 : index
    %get3A_74 = vector.load %arg1[%get3A_71, %get3A_72, %get3A_73] : memref<1x6400x128xf32, #tpu.memory_space<vmem>>, vector<1x128x128xf32>
    %get3A_75 = vector.shape_cast %get3A_74 : vector<1x128x128xf32> to vector<128x128xf32>
    %transpose3A_76 = tpu.transpose %get3A_75, [1, 0] : vector<128x128xf32> -> vector<128x128xf32>
    %reshape3A_77 = vector.shape_cast %transpose3A_76 : vector<128x128xf32> to vector<4x4x8x128xf32>
    %swap3A_78 = arith.constant 20 : index
    %swap3A_79 = arith.constant 0 : index
    %swap3A_80 = arith.constant 0 : index
    %swap3A_81 = arith.constant 0 : index
    %swap3A_82 = arith.constant 0 : index
    %swap3A_83 = vector.load %arg2[%swap3A_78, %swap3A_79, %swap3A_80, %swap3A_81, %swap3A_82] : memref<200x4x1x8x128xf32, #tpu.memory_space<vmem>>, vector<4x4x1x8x128xf32>
    %swap3A_84 = vector.shape_cast %swap3A_83 : vector<4x4x1x8x128xf32> to vector<4x4x8x128xf32>
    %swap3A_85 = vector.shape_cast %reshape3A_77 : vector<4x4x8x128xf32> to vector<4x4x1x8x128xf32>
    tpu.vector_store %arg2[%swap3A_78, %swap3A_79, %swap3A_80, %swap3A_81, %swap3A_82], %swap3A_85 {strides = array<i32>} : memref<200x4x1x8x128xf32, #tpu.memory_space<vmem>>, vector<4x4x1x8x128xf32>,
    %get3A_86 = arith.constant 0 : index
    %get3A_87 = arith.constant 768 : index
    %get3A_88 = arith.constant 0 : index
    %get3A_89 = vector.load %arg1[%get3A_86, %get3A_87, %get3A_88] : memref<1x6400x128xf32, #tpu.memory_space<vmem>>, vector<1x128x128xf32>
    %get3A_90 = vector.shape_cast %get3A_89 : vector<1x128x128xf32> to vector<128x128xf32>
    %transpose3A_91 = tpu.transpose %get3A_90, [1, 0] : vector<128x128xf32> -> vector<128x128xf32>
    %reshape3A_92 = vector.shape_cast %transpose3A_91 : vector<128x128xf32> to vector<4x4x8x128xf32>
    %swap3A_93 = arith.constant 24 : index
    %swap3A_94 = arith.constant 0 : index
    %swap3A_95 = arith.constant 0 : index
    %swap3A_96 = arith.constant 0 : index
    %swap3A_97 = arith.constant 0 : index
    %swap3A_98 = vector.load %arg2[%swap3A_93, %swap3A_94, %swap3A_95, %swap3A_96, %swap3A_97] : memref<200x4x1x8x128xf32, #tpu.memory_space<vmem>>, vector<4x4x1x8x128xf32>
    %swap3A_99 = vector.shape_cast %swap3A_98 : vector<4x4x1x8x128xf32> to vector<4x4x8x128xf32>
    %swap3A_100 = vector.shape_cast %reshape3A_92 : vector<4x4x8x128xf32> to vector<4x4x1x8x128xf32>
    tpu.vector_store %arg2[%swap3A_93, %swap3A_94, %swap3A_95, %swap3A_96, %swap3A_97], %swap3A_100 {strides = array<i32>} : memref<200x4x1x8x128xf32, #tpu.memory_space<vmem>>, vector<4x4x1x8x128xf32>,
    %get3A_101 = arith.constant 0 : index
    %get3A_102 = arith.constant 896 : index
    %get3A_103 = arith.constant 0 : index
    %get3A_104 = vector.load %arg1[%get3A_101, %get3A_102, %get3A_103] : memref<1x6400x128xf32, #tpu.memory_space<vmem>>, vector<1x128x128xf32>
    %get3A_105 = vector.shape_cast %get3A_104 : vector<1x128x128xf32> to vector<128x128xf32>
    %transpose3A_106 = tpu.transpose %get3A_105, [1, 0] : vector<128x128xf32> -> vector<128x128xf32>
    %reshape3A_107 = vector.shape_cast %transpose3A_106 : vector<128x128xf32> to vector<4x4x8x128xf32>
    %swap3A_108 = arith.constant 28 : index
    %swap3A_109 = arith.constant 0 : index
    %swap3A_110 = arith.constant 0 : index
    %swap3A_111 = arith.constant 0 : index
    %swap3A_112 = arith.constant 0 : index
    %swap3A_113 = vector.load %arg2[%swap3A_108, %swap3A_109, %swap3A_110, %swap3A_111, %swap3A_112] : memref<200x4x1x8x128xf32, #tpu.memory_space<vmem>>, vector<4x4x1x8x128xf32>
    %swap3A_114 = vector.shape_cast %swap3A_113 : vector<4x4x1x8x128xf32> to vector<4x4x8x128xf32>
    %swap3A_115 = vector.shape_cast %reshape3A_107 : vector<4x4x8x128xf32> to vector<4x4x1x8x128xf32>
    tpu.vector_store %arg2[%swap3A_108, %swap3A_109, %swap3A_110, %swap3A_111, %swap3A_112], %swap3A_115 {strides = array<i32>} : memref<200x4x1x8x128xf32, #tpu.memory_space<vmem>>, vector<4x4x1x8x128xf32>,
    %get3A_116 = arith.constant 0 : index
    %get3A_117 = arith.constant 1024 : index
    %get3A_118 = arith.constant 0 : index
    %get3A_119 = vector.load %arg1[%get3A_116, %get3A_117, %get3A_118] : memref<1x6400x128xf32, #tpu.memory_space<vmem>>, vector<1x128x128xf32>
    %get3A_120 = vector.shape_cast %get3A_119 : vector<1x128x128xf32> to vector<128x128xf32>
    %transpose3A_121 = tpu.transpose %get3A_120, [1, 0] : vector<128x128xf32> -> vector<128x128xf32>
    %reshape3A_122 = vector.shape_cast %transpose3A_121 : vector<128x128xf32> to vector<4x4x8x128xf32>
    %swap3A_123 = arith.constant 32 : index
    %swap3A_124 = arith.constant 0 : index
    %swap3A_125 = arith.constant 0 : index
    %swap3A_126 = arith.constant 0 : index
    %swap3A_127 = arith.constant 0 : index
    %swap3A_128 = vector.load %arg2[%swap3A_123, %swap3A_124, %swap3A_125, %swap3A_126, %swap3A_127] : memref<200x4x1x8x128xf32, #tpu.memory_space<vmem>>, vector<4x4x1x8x128xf32>
    %swap3A_129 = vector.shape_cast %swap3A_128 : vector<4x4x1x8x128xf32> to vector<4x4x8x128xf32>
    %swap3A_130 = vector.shape_cast %reshape3A_122 : vector<4x4x8x128xf32> to vector<4x4x1x8x128xf32>
    tpu.vector_store %arg2[%swap3A_123, %swap3A_124, %swap3A_125, %swap3A_126, %swap3A_127], %swap3A_130 {strides = array<i32>} : memref<200x4x1x8x128xf32, #tpu.memory_space<vmem>>, vector<4x4x1x8x128xf32>,
    %get3A_131 = arith.constant 0 : index
    %get3A_132 = arith.constant 1152 : index
    %get3A_133 = arith.constant 0 : index
    %get3A_134 = vector.load %arg1[%get3A_131, %get3A_132, %get3A_133] : memref<1x6400x128xf32, #tpu.memory_space<vmem>>, vector<1x128x128xf32>
    %get3A_135 = vector.shape_cast %get3A_134 : vector<1x128x128xf32> to vector<128x128xf32>
    %transpose3A_136 = tpu.transpose %get3A_135, [1, 0] : vector<128x128xf32> -> vector<128x128xf32>
    %reshape3A_137 = vector.shape_cast %transpose3A_136 : vector<128x128xf32> to vector<4x4x8x128xf32>
    %swap3A_138 = arith.constant 36 : index
    %swap3A_139 = arith.constant 0 : index
    %swap3A_140 = arith.constant 0 : index
    %swap3A_141 = arith.constant 0 : index
    %swap3A_142 = arith.constant 0 : index
    %swap3A_143 = vector.load %arg2[%swap3A_138, %swap3A_139, %swap3A_140, %swap3A_141, %swap3A_142] : memref<200x4x1x8x128xf32, #tpu.memory_space<vmem>>, vector<4x4x1x8x128xf32>
    %swap3A_144 = vector.shape_cast %swap3A_143 : vector<4x4x1x8x128xf32> to vector<4x4x8x128xf32>
    %swap3A_145 = vector.shape_cast %reshape3A_137 : vector<4x4x8x128xf32> to vector<4x4x1x8x128xf32>
    tpu.vector_store %arg2[%swap3A_138, %swap3A_139, %swap3A_140, %swap3A_141, %swap3A_142], %swap3A_145 {strides = array<i32>} : memref<200x4x1x8x128xf32, #tpu.memory_space<vmem>>, vector<4x4x1x8x128xf32>,
    %get3A_146 = arith.constant 0 : index
    %get3A_147 = arith.constant 1280 : index
    %get3A_148 = arith.constant 0 : index
    %get3A_149 = vector.load %arg1[%get3A_146, %get3A_147, %get3A_148] : memref<1x6400x128xf32, #tpu.memory_space<vmem>>, vector<1x128x128xf32>
    %get3A_150 = vector.shape_cast %get3A_149 : vector<1x128x128xf32> to vector<128x128xf32>
    %transpose3A_151 = tpu.transpose %get3A_150, [1, 0] : vector<128x128xf32> -> vector<128x128xf32>
    %reshape3A_152 = vector.shape_cast %transpose3A_151 : vector<128x128xf32> to vector<4x4x8x128xf32>
    %swap3A_153 = arith.constant 40 : index
    %swap3A_154 = arith.constant 0 : index
    %swap3A_155 = arith.constant 0 : index
    %swap3A_156 = arith.constant 0 : index
    %swap3A_157 = arith.constant 0 : index
    %swap3A_158 = vector.load %arg2[%swap3A_153, %swap3A_154, %swap3A_155, %swap3A_156, %swap3A_157] : memref<200x4x1x8x128xf32, #tpu.memory_space<vmem>>, vector<4x4x1x8x128xf32>
    %swap3A_159 = vector.shape_cast %swap3A_158 : vector<4x4x1x8x128xf32> to vector<4x4x8x128xf32>
    %swap3A_160 = vector.shape_cast %reshape3A_152 : vector<4x4x8x128xf32> to vector<4x4x1x8x128xf32>
    tpu.vector_store %arg2[%swap3A_153, %swap3A_154, %swap3A_155, %swap3A_156, %swap3A_157], %swap3A_160 {strides = array<i32>} : memref<200x4x1x8x128xf32, #tpu.memory_space<vmem>>, vector<4x4x1x8x128xf32>,
    %get3A_161 = arith.constant 0 : index
    %get3A_162 = arith.constant 1408 : index
    %get3A_163 = arith.constant 0 : index
    %get3A_164 = vector.load %arg1[%get3A_161, %get3A_162, %get3A_163] : memref<1x6400x128xf32, #tpu.memory_space<vmem>>, vector<1x128x128xf32>
    %get3A_165 = vector.shape_cast %get3A_164 : vector<1x128x128xf32> to vector<128x128xf32>
    %transpose3A_166 = tpu.transpose %get3A_165, [1, 0] : vector<128x128xf32> -> vector<128x128xf32>
    %reshape3A_167 = vector.shape_cast %transpose3A_166 : vector<128x128xf32> to vector<4x4x8x128xf32>
    %swap3A_168 = arith.constant 44 : index
    %swap3A_169 = arith.constant 0 : index
    %swap3A_170 = arith.constant 0 : index
    %swap3A_171 = arith.constant 0 : index
    %swap3A_172 = arith.constant 0 : index
    %swap3A_173 = vector.load %arg2[%swap3A_168, %swap3A_169, %swap3A_170, %swap3A_171, %swap3A_172] : memref<200x4x1x8x128xf32, #tpu.memory_space<vmem>>, vector<4x4x1x8x128xf32>
    %swap3A_174 = vector.shape_cast %swap3A_173 : vector<4x4x1x8x128xf32> to vector<4x4x8x128xf32>
    %swap3A_175 = vector.shape_cast %reshape3A_167 : vector<4x4x8x128xf32> to vector<4x4x1x8x128xf32>
    tpu.vector_store %arg2[%swap3A_168, %swap3A_169, %swap3A_170, %swap3A_171, %swap3A_172], %swap3A_175 {strides = array<i32>} : memref<200x4x1x8x128xf32, #tpu.memory_space<vmem>>, vector<4x4x1x8x128xf32>,
    %get3A_176 = arith.constant 0 : index
    %get3A_177 = arith.constant 1536 : index
    %get3A_178 = arith.constant 0 : index
    %get3A_179 = vector.load %arg1[%get3A_176, %get3A_177, %get3A_178] : memref<1x6400x128xf32, #tpu.memory_space<vmem>>, vector<1x128x128xf32>
    %get3A_180 = vector.shape_cast %get3A_179 : vector<1x128x128xf32> to vector<128x128xf32>
    %transpose3A_181 = tpu.transpose %get3A_180, [1, 0] : vector<128x128xf32> -> vector<128x128xf32>
    %reshape3A_182 = vector.shape_cast %transpose3A_181 : vector<128x128xf32> to vector<4x4x8x128xf32>
    %swap3A_183 = arith.constant 48 : index
    %swap3A_184 = arith.constant 0 : index
    %swap3A_185 = arith.constant 0 : index
    %swap3A_186 = arith.constant 0 : index
    %swap3A_187 = arith.constant 0 : index
    %swap3A_188 = vector.load %arg2[%swap3A_183, %swap3A_184, %swap3A_185, %swap3A_186, %swap3A_187] : memref<200x4x1x8x128xf32, #tpu.memory_space<vmem>>, vector<4x4x1x8x128xf32>
    %swap3A_189 = vector.shape_cast %swap3A_188 : vector<4x4x1x8x128xf32> to vector<4x4x8x128xf32>
    %swap3A_190 = vector.shape_cast %reshape3A_182 : vector<4x4x8x128xf32> to vector<4x4x1x8x128xf32>
    tpu.vector_store %arg2[%swap3A_183, %swap3A_184, %swap3A_185, %swap3A_186, %swap3A_187], %swap3A_190 {strides = array<i32>} : memref<200x4x1x8x128xf32, #tpu.memory_space<vmem>>, vector<4x4x1x8x128xf32>,
    %get3A_191 = arith.constant 0 : index
    %get3A_192 = arith.constant 1664 : index
    %get3A_193 = arith.constant 0 : index
    %get3A_194 = vector.load %arg1[%get3A_191, %get3A_192, %get3A_193] : memref<1x6400x128xf32, #tpu.memory_space<vmem>>, vector<1x128x128xf32>
    %get3A_195 = vector.shape_cast %get3A_194 : vector<1x128x128xf32> to vector<128x128xf32>
    %transpose3A_196 = tpu.transpose %get3A_195, [1, 0] : vector<128x128xf32> -> vector<128x128xf32>
    %reshape3A_197 = vector.shape_cast %transpose3A_196 : vector<128x128xf32> to vector<4x4x8x128xf32>
    %swap3A_198 = arith.constant 52 : index
    %swap3A_199 = arith.constant 0 : index
    %swap3A_200 = arith.constant 0 : index
    %swap3A_201 = arith.constant 0 : index
    %swap3A_202 = arith.constant 0 : index
    %swap3A_203 = vector.load %arg2[%swap3A_198, %swap3A_199, %swap3A_200, %swap3A_201, %swap3A_202] : memref<200x4x1x8x128xf32, #tpu.memory_space<vmem>>, vector<4x4x1x8x128xf32>
    %swap3A_204 = vector.shape_cast %swap3A_203 : vector<4x4x1x8x128xf32> to vector<4x4x8x128xf32>
    %swap3A_205 = vector.shape_cast %reshape3A_197 : vector<4x4x8x128xf32> to vector<4x4x1x8x128xf32>
    tpu.vector_store %arg2[%swap3A_198, %swap3A_199, %swap3A_200, %swap3A_201, %swap3A_202], %swap3A_205 {strides = array<i32>} : memref<200x4x1x8x128xf32, #tpu.memory_space<vmem>>, vector<4x4x1x8x128xf32>,
    %get3A_206 = arith.constant 0 : index
    %get3A_207 = arith.constant 1792 : index
    %get3A_208 = arith.constant 0 : index
    %get3A_209 = vector.load %arg1[%get3A_206, %get3A_207, %get3A_208] : memref<1x6400x128xf32, #tpu.memory_space<vmem>>, vector<1x128x128xf32>
    %get3A_210 = vector.shape_cast %get3A_209 : vector<1x128x128xf32> to vector<128x128xf32>
    %transpose3A_211 = tpu.transpose %get3A_210, [1, 0] : vector<128x128xf32> -> vector<128x128xf32>
    %reshape3A_212 = vector.shape_cast %transpose3A_211 : vector<128x128xf32> to vector<4x4x8x128xf32>
    %swap3A_213 = arith.constant 56 : index
    %swap3A_214 = arith.constant 0 : index
    %swap3A_215 = arith.constant 0 : index
    %swap3A_216 = arith.constant 0 : index
    %swap3A_217 = arith.constant 0 : index
    %swap3A_218 = vector.load %arg2[%swap3A_213, %swap3A_214, %swap3A_215, %swap3A_216, %swap3A_217] : memref<200x4x1x8x128xf32, #tpu.memory_space<vmem>>, vector<4x4x1x8x128xf32>
    %swap3A_219 = vector.shape_cast %swap3A_218 : vector<4x4x1x8x128xf32> to vector<4x4x8x128xf32>
    %swap3A_220 = vector.shape_cast %reshape3A_212 : vector<4x4x8x128xf32> to vector<4x4x1x8x128xf32>
    tpu.vector_store %arg2[%swap3A_213, %swap3A_214, %swap3A_215, %swap3A_216, %swap3A_217], %swap3A_220 {strides = array<i32>} : memref<200x4x1x8x128xf32, #tpu.memory_space<vmem>>, vector<4x4x1x8x128xf32>,
    %get3A_221 = arith.constant 0 : index
    %get3A_222 = arith.constant 1920 : index
    %get3A_223 = arith.constant 0 : index
    %get3A_224 = vector.load %arg1[%get3A_221, %get3A_222, %get3A_223] : memref<1x6400x128xf32, #tpu.memory_space<vmem>>, vector<1x128x128xf32>
    %get3A_225 = vector.shape_cast %get3A_224 : vector<1x128x128xf32> to vector<128x128xf32>
    %transpose3A_226 = tpu.transpose %get3A_225, [1, 0] : vector<128x128xf32> -> vector<128x128xf32>
    %reshape3A_227 = vector.shape_cast %transpose3A_226 : vector<128x128xf32> to vector<4x4x8x128xf32>
    %swap3A_228 = arith.constant 60 : index
    %swap3A_229 = arith.constant 0 : index
    %swap3A_230 = arith.constant 0 : index
    %swap3A_231 = arith.constant 0 : index
    %swap3A_232 = arith.constant 0 : index
    %swap3A_233 = vector.load %arg2[%swap3A_228, %swap3A_229, %swap3A_230, %swap3A_231, %swap3A_232] : memref<200x4x1x8x128xf32, #tpu.memory_space<vmem>>, vector<4x4x1x8x128xf32>
    %swap3A_234 = vector.shape_cast %swap3A_233 : vector<4x4x1x8x128xf32> to vector<4x4x8x128xf32>
    %swap3A_235 = vector.shape_cast %reshape3A_227 : vector<4x4x8x128xf32> to vector<4x4x1x8x128xf32>
    tpu.vector_store %arg2[%swap3A_228, %swap3A_229, %swap3A_230, %swap3A_231, %swap3A_232], %swap3A_235 {strides = array<i32>} : memref<200x4x1x8x128xf32, #tpu.memory_space<vmem>>, vector<4x4x1x8x128xf32>,
    %get3A_236 = arith.constant 0 : index
    %get3A_237 = arith.constant 2048 : index
    %get3A_238 = arith.constant 0 : index
    %get3A_239 = vector.load %arg1[%get3A_236, %get3A_237, %get3A_238] : memref<1x6400x128xf32, #tpu.memory_space<vmem>>, vector<1x128x128xf32>
    %get3A_240 = vector.shape_cast %get3A_239 : vector<1x128x128xf32> to vector<128x128xf32>
    %transpose3A_241 = tpu.transpose %get3A_240, [1, 0] : vector<128x128xf32> -> vector<128x128xf32>
    %reshape3A_242 = vector.shape_cast %transpose3A_241 : vector<128x128xf32> to vector<4x4x8x128xf32>
    %swap3A_243 = arith.constant 64 : index
    %swap3A_244 = arith.constant 0 : index
    %swap3A_245 = arith.constant 0 : index
    %swap3A_246 = arith.constant 0 : index
    %swap3A_247 = arith.constant 0 : index
    %swap3A_248 = vector.load %arg2[%swap3A_243, %swap3A_244, %swap3A_245, %swap3A_246, %swap3A_247] : memref<200x4x1x8x128xf32, #tpu.memory_space<vmem>>, vector<4x4x1x8x128xf32>
    %swap3A_249 = vector.shape_cast %swap3A_248 : vector<4x4x1x8x128xf32> to vector<4x4x8x128xf32>
    %swap3A_250 = vector.shape_cast %reshape3A_242 : vector<4x4x8x128xf32> to vector<4x4x1x8x128xf32>
    tpu.vector_store %arg2[%swap3A_243, %swap3A_244, %swap3A_245, %swap3A_246, %swap3A_247], %swap3A_250 {strides = array<i32>} : memref<200x4x1x8x128xf32, #tpu.memory_space<vmem>>, vector<4x4x1x8x128xf32>,
    %get3A_251 = arith.constant 0 : index
    %get3A_252 = arith.constant 2176 : index
    %get3A_253 = arith.constant 0 : index
    %get3A_254 = vector.load %arg1[%get3A_251, %get3A_252, %get3A_253] : memref<1x6400x128xf32, #tpu.memory_space<vmem>>, vector<1x128x128xf32>
    %get3A_255 = vector.shape_cast %get3A_254 : vector<1x128x128xf32> to vector<128x128xf32>
    %transpose3A_256 = tpu.transpose %get3A_255, [1, 0] : vector<128x128xf32> -> vector<128x128xf32>
    %reshape3A_257 = vector.shape_cast %transpose3A_256 : vector<128x128xf32> to vector<4x4x8x128xf32>
    %swap3A_258 = arith.constant 68 : index
    %swap3A_259 = arith.constant 0 : index
    %swap3A_260 = arith.constant 0 : index
    %swap3A_261 = arith.constant 0 : index
    %swap3A_262 = arith.constant 0 : index
    %swap3A_263 = vector.load %arg2[%swap3A_258, %swap3A_259, %swap3A_260, %swap3A_261, %swap3A_262] : memref<200x4x1x8x128xf32, #tpu.memory_space<vmem>>, vector<4x4x1x8x128xf32>
    %swap3A_264 = vector.shape_cast %swap3A_263 : vector<4x4x1x8x128xf32> to vector<4x4x8x128xf32>
    %swap3A_265 = vector.shape_cast %reshape3A_257 : vector<4x4x8x128xf32> to vector<4x4x1x8x128xf32>
    tpu.vector_store %arg2[%swap3A_258, %swap3A_259, %swap3A_260, %swap3A_261, %swap3A_262], %swap3A_265 {strides = array<i32>} : memref<200x4x1x8x128xf32, #tpu.memory_space<vmem>>, vector<4x4x1x8x128xf32>,
    %get3A_266 = arith.constant 0 : index
    %get3A_267 = arith.constant 2304 : index
    %get3A_268 = arith.constant 0 : index
    %get3A_269 = vector.load %arg1[%get3A_266, %get3A_267, %get3A_268] : memref<1x6400x128xf32, #tpu.memory_space<vmem>>, vector<1x128x128xf32>
    %get3A_270 = vector.shape_cast %get3A_269 : vector<1x128x128xf32> to vector<128x128xf32>
    %transpose3A_271 = tpu.transpose %get3A_270, [1, 0] : vector<128x128xf32> -> vector<128x128xf32>
    %reshape3A_272 = vector.shape_cast %transpose3A_271 : vector<128x128xf32> to vector<4x4x8x128xf32>
    %swap3A_273 = arith.constant 72 : index
    %swap3A_274 = arith.constant 0 : index
    %swap3A_275 = arith.constant 0 : index
    %swap3A_276 = arith.constant 0 : index
    %swap3A_277 = arith.constant 0 : index
    %swap3A_278 = vector.load %arg2[%swap3A_273, %swap3A_274, %swap3A_275, %swap3A_276, %swap3A_277] : memref<200x4x1x8x128xf32, #tpu.memory_space<vmem>>, vector<4x4x1x8x128xf32>
    %swap3A_279 = vector.shape_cast %swap3A_278 : vector<4x4x1x8x128xf32> to vector<4x4x8x128xf32>
    %swap3A_280 = vector.shape_cast %reshape3A_272 : vector<4x4x8x128xf32> to vector<4x4x1x8x128xf32>
    tpu.vector_store %arg2[%swap3A_273, %swap3A_274, %swap3A_275, %swap3A_276, %swap3A_277], %swap3A_280 {strides = array<i32>} : memref<200x4x1x8x128xf32, #tpu.memory_space<vmem>>, vector<4x4x1x8x128xf32>,
    %get3A_281 = arith.constant 0 : index
    %get3A_282 = arith.constant 2432 : index
    %get3A_283 = arith.constant 0 : index
    %get3A_284 = vector.load %arg1[%get3A_281, %get3A_282, %get3A_283] : memref<1x6400x128xf32, #tpu.memory_space<vmem>>, vector<1x128x128xf32>
    %get3A_285 = vector.shape_cast %get3A_284 : vector<1x128x128xf32> to vector<128x128xf32>
    %transpose3A_286 = tpu.transpose %get3A_285, [1, 0] : vector<128x128xf32> -> vector<128x128xf32>
    %reshape3A_287 = vector.shape_cast %transpose3A_286 : vector<128x128xf32> to vector<4x4x8x128xf32>
    %swap3A_288 = arith.constant 76 : index
    %swap3A_289 = arith.constant 0 : index
    %swap3A_290 = arith.constant 0 : index
    %swap3A_291 = arith.constant 0 : index
    %swap3A_292 = arith.constant 0 : index
    %swap3A_293 = vector.load %arg2[%swap3A_288, %swap3A_289, %swap3A_290, %swap3A_291, %swap3A_292] : memref<200x4x1x8x128xf32, #tpu.memory_space<vmem>>, vector<4x4x1x8x128xf32>
    %swap3A_294 = vector.shape_cast %swap3A_293 : vector<4x4x1x8x128xf32> to vector<4x4x8x128xf32>
    %swap3A_295 = vector.shape_cast %reshape3A_287 : vector<4x4x8x128xf32> to vector<4x4x1x8x128xf32>
    tpu.vector_store %arg2[%swap3A_288, %swap3A_289, %swap3A_290, %swap3A_291, %swap3A_292], %swap3A_295 {strides = array<i32>} : memref<200x4x1x8x128xf32, #tpu.memory_space<vmem>>, vector<4x4x1x8x128xf32>,
    %get3A_296 = arith.constant 0 : index
    %get3A_297 = arith.constant 2560 : index
    %get3A_298 = arith.constant 0 : index
    %get3A_299 = vector.load %arg1[%get3A_296, %get3A_297, %get3A_298] : memref<1x6400x128xf32, #tpu.memory_space<vmem>>, vector<1x128x128xf32>
    %get3A_300 = vector.shape_cast %get3A_299 : vector<1x128x128xf32> to vector<128x128xf32>
    %transpose3A_301 = tpu.transpose %get3A_300, [1, 0] : vector<128x128xf32> -> vector<128x128xf32>
    %reshape3A_302 = vector.shape_cast %transpose3A_301 : vector<128x128xf32> to vector<4x4x8x128xf32>
    %swap3A_303 = arith.constant 80 : index
    %swap3A_304 = arith.constant 0 : index
    %swap3A_305 = arith.constant 0 : index
    %swap3A_306 = arith.constant 0 : index
    %swap3A_307 = arith.constant 0 : index
    %swap3A_308 = vector.load %arg2[%swap3A_303, %swap3A_304, %swap3A_305, %swap3A_306, %swap3A_307] : memref<200x4x1x8x128xf32, #tpu.memory_space<vmem>>, vector<4x4x1x8x128xf32>
    %swap3A_309 = vector.shape_cast %swap3A_308 : vector<4x4x1x8x128xf32> to vector<4x4x8x128xf32>
    %swap3A_310 = vector.shape_cast %reshape3A_302 : vector<4x4x8x128xf32> to vector<4x4x1x8x128xf32>
    tpu.vector_store %arg2[%swap3A_303, %swap3A_304, %swap3A_305, %swap3A_306, %swap3A_307], %swap3A_310 {strides = array<i32>} : memref<200x4x1x8x128xf32, #tpu.memory_space<vmem>>, vector<4x4x1x8x128xf32>,
    %get3A_311 = arith.constant 0 : index
    %get3A_312 = arith.constant 2688 : index
    %get3A_313 = arith.constant 0 : index
    %get3A_314 = vector.load %arg1[%get3A_311, %get3A_312, %get3A_313] : memref<1x6400x128xf32, #tpu.memory_space<vmem>>, vector<1x128x128xf32>
    %get3A_315 = vector.shape_cast %get3A_314 : vector<1x128x128xf32> to vector<128x128xf32>
    %transpose3A_316 = tpu.transpose %get3A_315, [1, 0] : vector<128x128xf32> -> vector<128x128xf32>
    %reshape3A_317 = vector.shape_cast %transpose3A_316 : vector<128x128xf32> to vector<4x4x8x128xf32>
    %swap3A_318 = arith.constant 84 : index
    %swap3A_319 = arith.constant 0 : index
    %swap3A_320 = arith.constant 0 : index
    %swap3A_321 = arith.constant 0 : index
    %swap3A_322 = arith.constant 0 : index
    %swap3A_323 = vector.load %arg2[%swap3A_318, %swap3A_319, %swap3A_320, %swap3A_321, %swap3A_322] : memref<200x4x1x8x128xf32, #tpu.memory_space<vmem>>, vector<4x4x1x8x128xf32>
    %swap3A_324 = vector.shape_cast %swap3A_323 : vector<4x4x1x8x128xf32> to vector<4x4x8x128xf32>
    %swap3A_325 = vector.shape_cast %reshape3A_317 : vector<4x4x8x128xf32> to vector<4x4x1x8x128xf32>
    tpu.vector_store %arg2[%swap3A_318, %swap3A_319, %swap3A_320, %swap3A_321, %swap3A_322], %swap3A_325 {strides = array<i32>} : memref<200x4x1x8x128xf32, #tpu.memory_space<vmem>>, vector<4x4x1x8x128xf32>,
    %get3A_326 = arith.constant 0 : index
    %get3A_327 = arith.constant 2816 : index
    %get3A_328 = arith.constant 0 : index
    %get3A_329 = vector.load %arg1[%get3A_326, %get3A_327, %get3A_328] : memref<1x6400x128xf32, #tpu.memory_space<vmem>>, vector<1x128x128xf32>
    %get3A_330 = vector.shape_cast %get3A_329 : vector<1x128x128xf32> to vector<128x128xf32>
    %transpose3A_331 = tpu.transpose %get3A_330, [1, 0] : vector<128x128xf32> -> vector<128x128xf32>
    %reshape3A_332 = vector.shape_cast %transpose3A_331 : vector<128x128xf32> to vector<4x4x8x128xf32>
    %swap3A_333 = arith.constant 88 : index
    %swap3A_334 = arith.constant 0 : index
    %swap3A_335 = arith.constant 0 : index
    %swap3A_336 = arith.constant 0 : index
    %swap3A_337 = arith.constant 0 : index
    %swap3A_338 = vector.load %arg2[%swap3A_333, %swap3A_334, %swap3A_335, %swap3A_336, %swap3A_337] : memref<200x4x1x8x128xf32, #tpu.memory_space<vmem>>, vector<4x4x1x8x128xf32>
    %swap3A_339 = vector.shape_cast %swap3A_338 : vector<4x4x1x8x128xf32> to vector<4x4x8x128xf32>
    %swap3A_340 = vector.shape_cast %reshape3A_332 : vector<4x4x8x128xf32> to vector<4x4x1x8x128xf32>
    tpu.vector_store %arg2[%swap3A_333, %swap3A_334, %swap3A_335, %swap3A_336, %swap3A_337], %swap3A_340 {strides = array<i32>} : memref<200x4x1x8x128xf32, #tpu.memory_space<vmem>>, vector<4x4x1x8x128xf32>,
    %get3A_341 = arith.constant 0 : index
    %get3A_342 = arith.constant 2944 : index
    %get3A_343 = arith.constant 0 : index
    %get3A_344 = vector.load %arg1[%get3A_341, %get3A_342, %get3A_343] : memref<1x6400x128xf32, #tpu.memory_space<vmem>>, vector<1x128x128xf32>
    %get3A_345 = vector.shape_cast %get3A_344 : vector<1x128x128xf32> to vector<128x128xf32>
    %transpose3A_346 = tpu.transpose %get3A_345, [1, 0] : vector<128x128xf32> -> vector<128x128xf32>
    %reshape3A_347 = vector.shape_cast %transpose3A_346 : vector<128x128xf32> to vector<4x4x8x128xf32>
    %swap3A_348 = arith.constant 92 : index
    %swap3A_349 = arith.constant 0 : index
    %swap3A_350 = arith.constant 0 : index
    %swap3A_351 = arith.constant 0 : index
    %swap3A_352 = arith.constant 0 : index
    %swap3A_353 = vector.load %arg2[%swap3A_348, %swap3A_349, %swap3A_350, %swap3A_351, %swap3A_352] : memref<200x4x1x8x128xf32, #tpu.memory_space<vmem>>, vector<4x4x1x8x128xf32>
    %swap3A_354 = vector.shape_cast %swap3A_353 : vector<4x4x1x8x128xf32> to vector<4x4x8x128xf32>
    %swap3A_355 = vector.shape_cast %reshape3A_347 : vector<4x4x8x128xf32> to vector<4x4x1x8x128xf32>
    tpu.vector_store %arg2[%swap3A_348, %swap3A_349, %swap3A_350, %swap3A_351, %swap3A_352], %swap3A_355 {strides = array<i32>} : memref<200x4x1x8x128xf32, #tpu.memory_space<vmem>>, vector<4x4x1x8x128xf32>,
    %get3A_356 = arith.constant 0 : index
    %get3A_357 = arith.constant 3072 : index
    %get3A_358 = arith.constant 0 : index
    %get3A_359 = vector.load %arg1[%get3A_356, %get3A_357, %get3A_358] : memref<1x6400x128xf32, #tpu.memory_space<vmem>>, vector<1x128x128xf32>
    %get3A_360 = vector.shape_cast %get3A_359 : vector<1x128x128xf32> to vector<128x128xf32>
    %transpose3A_361 = tpu.transpose %get3A_360, [1, 0] : vector<128x128xf32> -> vector<128x128xf32>
    %reshape3A_362 = vector.shape_cast %transpose3A_361 : vector<128x128xf32> to vector<4x4x8x128xf32>
    %swap3A_363 = arith.constant 96 : index
    %swap3A_364 = arith.constant 0 : index
    %swap3A_365 = arith.constant 0 : index
    %swap3A_366 = arith.constant 0 : index
    %swap3A_367 = arith.constant 0 : index
    %swap3A_368 = vector.load %arg2[%swap3A_363, %swap3A_364, %swap3A_365, %swap3A_366, %swap3A_367] : memref<200x4x1x8x128xf32, #tpu.memory_space<vmem>>, vector<4x4x1x8x128xf32>
    %swap3A_369 = vector.shape_cast %swap3A_368 : vector<4x4x1x8x128xf32> to vector<4x4x8x128xf32>
    %swap3A_370 = vector.shape_cast %reshape3A_362 : vector<4x4x8x128xf32> to vector<4x4x1x8x128xf32>
    tpu.vector_store %arg2[%swap3A_363, %swap3A_364, %swap3A_365, %swap3A_366, %swap3A_367], %swap3A_370 {strides = array<i32>} : memref<200x4x1x8x128xf32, #tpu.memory_space<vmem>>, vector<4x4x1x8x128xf32>,
    %get3A_371 = arith.constant 0 : index
    %get3A_372 = arith.constant 3200 : index
    %get3A_373 = arith.constant 0 : index
    %get3A_374 = vector.load %arg1[%get3A_371, %get3A_372, %get3A_373] : memref<1x6400x128xf32, #tpu.memory_space<vmem>>, vector<1x128x128xf32>
    %get3A_375 = vector.shape_cast %get3A_374 : vector<1x128x128xf32> to vector<128x128xf32>
    %transpose3A_376 = tpu.transpose %get3A_375, [1, 0] : vector<128x128xf32> -> vector<128x128xf32>
    %reshape3A_377 = vector.shape_cast %transpose3A_376 : vector<128x128xf32> to vector<4x4x8x128xf32>
    %swap3A_378 = arith.constant 100 : index
    %swap3A_379 = arith.constant 0 : index
    %swap3A_380 = arith.constant 0 : index
    %swap3A_381 = arith.constant 0 : index
    %swap3A_382 = arith.constant 0 : index
    %swap3A_383 = vector.load %arg2[%swap3A_378, %swap3A_379, %swap3A_380, %swap3A_381, %swap3A_382] : memref<200x4x1x8x128xf32, #tpu.memory_space<vmem>>, vector<4x4x1x8x128xf32>
    %swap3A_384 = vector.shape_cast %swap3A_383 : vector<4x4x1x8x128xf32> to vector<4x4x8x128xf32>
    %swap3A_385 = vector.shape_cast %reshape3A_377 : vector<4x4x8x128xf32> to vector<4x4x1x8x128xf32>
    tpu.vector_store %arg2[%swap3A_378, %swap3A_379, %swap3A_380, %swap3A_381, %swap3A_382], %swap3A_385 {strides = array<i32>} : memref<200x4x1x8x128xf32, #tpu.memory_space<vmem>>, vector<4x4x1x8x128xf32>,
    %get3A_386 = arith.constant 0 : index
    %get3A_387 = arith.constant 3328 : index
    %get3A_388 = arith.constant 0 : index
    %get3A_389 = vector.load %arg1[%get3A_386, %get3A_387, %get3A_388] : memref<1x6400x128xf32, #tpu.memory_space<vmem>>, vector<1x128x128xf32>
    %get3A_390 = vector.shape_cast %get3A_389 : vector<1x128x128xf32> to vector<128x128xf32>
    %transpose3A_391 = tpu.transpose %get3A_390, [1, 0] : vector<128x128xf32> -> vector<128x128xf32>
    %reshape3A_392 = vector.shape_cast %transpose3A_391 : vector<128x128xf32> to vector<4x4x8x128xf32>
    %swap3A_393 = arith.constant 104 : index
    %swap3A_394 = arith.constant 0 : index
    %swap3A_395 = arith.constant 0 : index
    %swap3A_396 = arith.constant 0 : index
    %swap3A_397 = arith.constant 0 : index
    %swap3A_398 = vector.load %arg2[%swap3A_393, %swap3A_394, %swap3A_395, %swap3A_396, %swap3A_397] : memref<200x4x1x8x128xf32, #tpu.memory_space<vmem>>, vector<4x4x1x8x128xf32>
    %swap3A_399 = vector.shape_cast %swap3A_398 : vector<4x4x1x8x128xf32> to vector<4x4x8x128xf32>
    %swap3A_400 = vector.shape_cast %reshape3A_392 : vector<4x4x8x128xf32> to vector<4x4x1x8x128xf32>
    tpu.vector_store %arg2[%swap3A_393, %swap3A_394, %swap3A_395, %swap3A_396, %swap3A_397], %swap3A_400 {strides = array<i32>} : memref<200x4x1x8x128xf32, #tpu.memory_space<vmem>>, vector<4x4x1x8x128xf32>,
    %get3A_401 = arith.constant 0 : index
    %get3A_402 = arith.constant 3456 : index
    %get3A_403 = arith.constant 0 : index
    %get3A_404 = vector.load %arg1[%get3A_401, %get3A_402, %get3A_403] : memref<1x6400x128xf32, #tpu.memory_space<vmem>>, vector<1x128x128xf32>
    %get3A_405 = vector.shape_cast %get3A_404 : vector<1x128x128xf32> to vector<128x128xf32>
    %transpose3A_406 = tpu.transpose %get3A_405, [1, 0] : vector<128x128xf32> -> vector<128x128xf32>
    %reshape3A_407 = vector.shape_cast %transpose3A_406 : vector<128x128xf32> to vector<4x4x8x128xf32>
    %swap3A_408 = arith.constant 108 : index
    %swap3A_409 = arith.constant 0 : index
    %swap3A_410 = arith.constant 0 : index
    %swap3A_411 = arith.constant 0 : index
    %swap3A_412 = arith.constant 0 : index
    %swap3A_413 = vector.load %arg2[%swap3A_408, %swap3A_409, %swap3A_410, %swap3A_411, %swap3A_412] : memref<200x4x1x8x128xf32, #tpu.memory_space<vmem>>, vector<4x4x1x8x128xf32>
    %swap3A_414 = vector.shape_cast %swap3A_413 : vector<4x4x1x8x128xf32> to vector<4x4x8x128xf32>
    %swap3A_415 = vector.shape_cast %reshape3A_407 : vector<4x4x8x128xf32> to vector<4x4x1x8x128xf32>
    tpu.vector_store %arg2[%swap3A_408, %swap3A_409, %swap3A_410, %swap3A_411, %swap3A_412], %swap3A_415 {strides = array<i32>} : memref<200x4x1x8x128xf32, #tpu.memory_space<vmem>>, vector<4x4x1x8x128xf32>,
    %get3A_416 = arith.constant 0 : index
    %get3A_417 = arith.constant 3584 : index
    %get3A_418 = arith.constant 0 : index
    %get3A_419 = vector.load %arg1[%get3A_416, %get3A_417, %get3A_418] : memref<1x6400x128xf32, #tpu.memory_space<vmem>>, vector<1x128x128xf32>
    %get3A_420 = vector.shape_cast %get3A_419 : vector<1x128x128xf32> to vector<128x128xf32>
    %transpose3A_421 = tpu.transpose %get3A_420, [1, 0] : vector<128x128xf32> -> vector<128x128xf32>
    %reshape3A_422 = vector.shape_cast %transpose3A_421 : vector<128x128xf32> to vector<4x4x8x128xf32>
    %swap3A_423 = arith.constant 112 : index
    %swap3A_424 = arith.constant 0 : index
    %swap3A_425 = arith.constant 0 : index
    %swap3A_426 = arith.constant 0 : index
    %swap3A_427 = arith.constant 0 : index
    %swap3A_428 = vector.load %arg2[%swap3A_423, %swap3A_424, %swap3A_425, %swap3A_426, %swap3A_427] : memref<200x4x1x8x128xf32, #tpu.memory_space<vmem>>, vector<4x4x1x8x128xf32>
    %swap3A_429 = vector.shape_cast %swap3A_428 : vector<4x4x1x8x128xf32> to vector<4x4x8x128xf32>
    %swap3A_430 = vector.shape_cast %reshape3A_422 : vector<4x4x8x128xf32> to vector<4x4x1x8x128xf32>
    tpu.vector_store %arg2[%swap3A_423, %swap3A_424, %swap3A_425, %swap3A_426, %swap3A_427], %swap3A_430 {strides = array<i32>} : memref<200x4x1x8x128xf32, #tpu.memory_space<vmem>>, vector<4x4x1x8x128xf32>,
    %get3A_431 = arith.constant 0 : index
    %get3A_432 = arith.constant 3712 : index
    %get3A_433 = arith.constant 0 : index
    %get3A_434 = vector.load %arg1[%get3A_431, %get3A_432, %get3A_433] : memref<1x6400x128xf32, #tpu.memory_space<vmem>>, vector<1x128x128xf32>
    %get3A_435 = vector.shape_cast %get3A_434 : vector<1x128x128xf32> to vector<128x128xf32>
    %transpose3A_436 = tpu.transpose %get3A_435, [1, 0] : vector<128x128xf32> -> vector<128x128xf32>
    %reshape3A_437 = vector.shape_cast %transpose3A_436 : vector<128x128xf32> to vector<4x4x8x128xf32>
    %swap3A_438 = arith.constant 116 : index
    %swap3A_439 = arith.constant 0 : index
    %swap3A_440 = arith.constant 0 : index
    %swap3A_441 = arith.constant 0 : index
    %swap3A_442 = arith.constant 0 : index
    %swap3A_443 = vector.load %arg2[%swap3A_438, %swap3A_439, %swap3A_440, %swap3A_441, %swap3A_442] : memref<200x4x1x8x128xf32, #tpu.memory_space<vmem>>, vector<4x4x1x8x128xf32>
    %swap3A_444 = vector.shape_cast %swap3A_443 : vector<4x4x1x8x128xf32> to vector<4x4x8x128xf32>
    %swap3A_445 = vector.shape_cast %reshape3A_437 : vector<4x4x8x128xf32> to vector<4x4x1x8x128xf32>
    tpu.vector_store %arg2[%swap3A_438, %swap3A_439, %swap3A_440, %swap3A_441, %swap3A_442], %swap3A_445 {strides = array<i32>} : memref<200x4x1x8x128xf32, #tpu.memory_space<vmem>>, vector<4x4x1x8x128xf32>,
    %get3A_446 = arith.constant 0 : index
    %get3A_447 = arith.constant 3840 : index
    %get3A_448 = arith.constant 0 : index
    %get3A_449 = vector.load %arg1[%get3A_446, %get3A_447, %get3A_448] : memref<1x6400x128xf32, #tpu.memory_space<vmem>>, vector<1x128x128xf32>
    %get3A_450 = vector.shape_cast %get3A_449 : vector<1x128x128xf32> to vector<128x128xf32>
    %transpose3A_451 = tpu.transpose %get3A_450, [1, 0] : vector<128x128xf32> -> vector<128x128xf32>
    %reshape3A_452 = vector.shape_cast %transpose3A_451 : vector<128x128xf32> to vector<4x4x8x128xf32>
    %swap3A_453 = arith.constant 120 : index
    %swap3A_454 = arith.constant 0 : index
    %swap3A_455 = arith.constant 0 : index
    %swap3A_456 = arith.constant 0 : index
    %swap3A_457 = arith.constant 0 : index
    %swap3A_458 = vector.load %arg2[%swap3A_453, %swap3A_454, %swap3A_455, %swap3A_456, %swap3A_457] : memref<200x4x1x8x128xf32, #tpu.memory_space<vmem>>, vector<4x4x1x8x128xf32>
    %swap3A_459 = vector.shape_cast %swap3A_458 : vector<4x4x1x8x128xf32> to vector<4x4x8x128xf32>
    %swap3A_460 = vector.shape_cast %reshape3A_452 : vector<4x4x8x128xf32> to vector<4x4x1x8x128xf32>
    tpu.vector_store %arg2[%swap3A_453, %swap3A_454, %swap3A_455, %swap3A_456, %swap3A_457], %swap3A_460 {strides = array<i32>} : memref<200x4x1x8x128xf32, #tpu.memory_space<vmem>>, vector<4x4x1x8x128xf32>,
    %get3A_461 = arith.constant 0 : index
    %get3A_462 = arith.constant 3968 : index
    %get3A_463 = arith.constant 0 : index
    %get3A_464 = vector.load %arg1[%get3A_461, %get3A_462, %get3A_463] : memref<1x6400x128xf32, #tpu.memory_space<vmem>>, vector<1x128x128xf32>
    %get3A_465 = vector.shape_cast %get3A_464 : vector<1x128x128xf32> to vector<128x128xf32>
    %transpose3A_466 = tpu.transpose %get3A_465, [1, 0] : vector<128x128xf32> -> vector<128x128xf32>
    %reshape3A_467 = vector.shape_cast %transpose3A_466 : vector<128x128xf32> to vector<4x4x8x128xf32>
    %swap3A_468 = arith.constant 124 : index
    %swap3A_469 = arith.constant 0 : index
    %swap3A_470 = arith.constant 0 : index
    %swap3A_471 = arith.constant 0 : index
    %swap3A_472 = arith.constant 0 : index
    %swap3A_473 = vector.load %arg2[%swap3A_468, %swap3A_469, %swap3A_470, %swap3A_471, %swap3A_472] : memref<200x4x1x8x128xf32, #tpu.memory_space<vmem>>, vector<4x4x1x8x128xf32>
    %swap3A_474 = vector.shape_cast %swap3A_473 : vector<4x4x1x8x128xf32> to vector<4x4x8x128xf32>
    %swap3A_475 = vector.shape_cast %reshape3A_467 : vector<4x4x8x128xf32> to vector<4x4x1x8x128xf32>
    tpu.vector_store %arg2[%swap3A_468, %swap3A_469, %swap3A_470, %swap3A_471, %swap3A_472], %swap3A_475 {strides = array<i32>} : memref<200x4x1x8x128xf32, #tpu.memory_space<vmem>>, vector<4x4x1x8x128xf32>,
    %get3A_476 = arith.constant 0 : index
    %get3A_477 = arith.constant 4096 : index
    %get3A_478 = arith.constant 0 : index
    %get3A_479 = vector.load %arg1[%get3A_476, %get3A_477, %get3A_478] : memref<1x6400x128xf32, #tpu.memory_space<vmem>>, vector<1x128x128xf32>
    %get3A_480 = vector.shape_cast %get3A_479 : vector<1x128x128xf32> to vector<128x128xf32>
    %transpose3A_481 = tpu.transpose %get3A_480, [1, 0] : vector<128x128xf32> -> vector<128x128xf32>
    %reshape3A_482 = vector.shape_cast %transpose3A_481 : vector<128x128xf32> to vector<4x4x8x128xf32>
    %swap3A_483 = arith.constant 128 : index
    %swap3A_484 = arith.constant 0 : index
    %swap3A_485 = arith.constant 0 : index
    %swap3A_486 = arith.constant 0 : index
    %swap3A_487 = arith.constant 0 : index
    %swap3A_488 = vector.load %arg2[%swap3A_483, %swap3A_484, %swap3A_485, %swap3A_486, %swap3A_487] : memref<200x4x1x8x128xf32, #tpu.memory_space<vmem>>, vector<4x4x1x8x128xf32>
    %swap3A_489 = vector.shape_cast %swap3A_488 : vector<4x4x1x8x128xf32> to vector<4x4x8x128xf32>
    %swap3A_490 = vector.shape_cast %reshape3A_482 : vector<4x4x8x128xf32> to vector<4x4x1x8x128xf32>
    tpu.vector_store %arg2[%swap3A_483, %swap3A_484, %swap3A_485, %swap3A_486, %swap3A_487], %swap3A_490 {strides = array<i32>} : memref<200x4x1x8x128xf32, #tpu.memory_space<vmem>>, vector<4x4x1x8x128xf32>,
    %get3A_491 = arith.constant 0 : index
    %get3A_492 = arith.constant 4224 : index
    %get3A_493 = arith.constant 0 : index
    %get3A_494 = vector.load %arg1[%get3A_491, %get3A_492, %get3A_493] : memref<1x6400x128xf32, #tpu.memory_space<vmem>>, vector<1x128x128xf32>
    %get3A_495 = vector.shape_cast %get3A_494 : vector<1x128x128xf32> to vector<128x128xf32>
    %transpose3A_496 = tpu.transpose %get3A_495, [1, 0] : vector<128x128xf32> -> vector<128x128xf32>
    %reshape3A_497 = vector.shape_cast %transpose3A_496 : vector<128x128xf32> to vector<4x4x8x128xf32>
    %swap3A_498 = arith.constant 132 : index
    %swap3A_499 = arith.constant 0 : index
    %swap3A_500 = arith.constant 0 : index
    %swap3A_501 = arith.constant 0 : index
    %swap3A_502 = arith.constant 0 : index
    %swap3A_503 = vector.load %arg2[%swap3A_498, %swap3A_499, %swap3A_500, %swap3A_501, %swap3A_502] : memref<200x4x1x8x128xf32, #tpu.memory_space<vmem>>, vector<4x4x1x8x128xf32>
    %swap3A_504 = vector.shape_cast %swap3A_503 : vector<4x4x1x8x128xf32> to vector<4x4x8x128xf32>
    %swap3A_505 = vector.shape_cast %reshape3A_497 : vector<4x4x8x128xf32> to vector<4x4x1x8x128xf32>
    tpu.vector_store %arg2[%swap3A_498, %swap3A_499, %swap3A_500, %swap3A_501, %swap3A_502], %swap3A_505 {strides = array<i32>} : memref<200x4x1x8x128xf32, #tpu.memory_space<vmem>>, vector<4x4x1x8x128xf32>,
    %get3A_506 = arith.constant 0 : index
    %get3A_507 = arith.constant 4352 : index
    %get3A_508 = arith.constant 0 : index
    %get3A_509 = vector.load %arg1[%get3A_506, %get3A_507, %get3A_508] : memref<1x6400x128xf32, #tpu.memory_space<vmem>>, vector<1x128x128xf32>
    %get3A_510 = vector.shape_cast %get3A_509 : vector<1x128x128xf32> to vector<128x128xf32>
    %transpose3A_511 = tpu.transpose %get3A_510, [1, 0] : vector<128x128xf32> -> vector<128x128xf32>
    %reshape3A_512 = vector.shape_cast %transpose3A_511 : vector<128x128xf32> to vector<4x4x8x128xf32>
    %swap3A_513 = arith.constant 136 : index
    %swap3A_514 = arith.constant 0 : index
    %swap3A_515 = arith.constant 0 : index
    %swap3A_516 = arith.constant 0 : index
    %swap3A_517 = arith.constant 0 : index
    %swap3A_518 = vector.load %arg2[%swap3A_513, %swap3A_514, %swap3A_515, %swap3A_516, %swap3A_517] : memref<200x4x1x8x128xf32, #tpu.memory_space<vmem>>, vector<4x4x1x8x128xf32>
    %swap3A_519 = vector.shape_cast %swap3A_518 : vector<4x4x1x8x128xf32> to vector<4x4x8x128xf32>
    %swap3A_520 = vector.shape_cast %reshape3A_512 : vector<4x4x8x128xf32> to vector<4x4x1x8x128xf32>
    tpu.vector_store %arg2[%swap3A_513, %swap3A_514, %swap3A_515, %swap3A_516, %swap3A_517], %swap3A_520 {strides = array<i32>} : memref<200x4x1x8x128xf32, #tpu.memory_space<vmem>>, vector<4x4x1x8x128xf32>,
    %get3A_521 = arith.constant 0 : index
    %get3A_522 = arith.constant 4480 : index
    %get3A_523 = arith.constant 0 : index
    %get3A_524 = vector.load %arg1[%get3A_521, %get3A_522, %get3A_523] : memref<1x6400x128xf32, #tpu.memory_space<vmem>>, vector<1x128x128xf32>
    %get3A_525 = vector.shape_cast %get3A_524 : vector<1x128x128xf32> to vector<128x128xf32>
    %transpose3A_526 = tpu.transpose %get3A_525, [1, 0] : vector<128x128xf32> -> vector<128x128xf32>
    %reshape3A_527 = vector.shape_cast %transpose3A_526 : vector<128x128xf32> to vector<4x4x8x128xf32>
    %swap3A_528 = arith.constant 140 : index
    %swap3A_529 = arith.constant 0 : index
    %swap3A_530 = arith.constant 0 : index
    %swap3A_531 = arith.constant 0 : index
    %swap3A_532 = arith.constant 0 : index
    %swap3A_533 = vector.load %arg2[%swap3A_528, %swap3A_529, %swap3A_530, %swap3A_531, %swap3A_532] : memref<200x4x1x8x128xf32, #tpu.memory_space<vmem>>, vector<4x4x1x8x128xf32>
    %swap3A_534 = vector.shape_cast %swap3A_533 : vector<4x4x1x8x128xf32> to vector<4x4x8x128xf32>
    %swap3A_535 = vector.shape_cast %reshape3A_527 : vector<4x4x8x128xf32> to vector<4x4x1x8x128xf32>
    tpu.vector_store %arg2[%swap3A_528, %swap3A_529, %swap3A_530, %swap3A_531, %swap3A_532], %swap3A_535 {strides = array<i32>} : memref<200x4x1x8x128xf32, #tpu.memory_space<vmem>>, vector<4x4x1x8x128xf32>,
    %get3A_536 = arith.constant 0 : index
    %get3A_537 = arith.constant 4608 : index
    %get3A_538 = arith.constant 0 : index
    %get3A_539 = vector.load %arg1[%get3A_536, %get3A_537, %get3A_538] : memref<1x6400x128xf32, #tpu.memory_space<vmem>>, vector<1x128x128xf32>
    %get3A_540 = vector.shape_cast %get3A_539 : vector<1x128x128xf32> to vector<128x128xf32>
    %transpose3A_541 = tpu.transpose %get3A_540, [1, 0] : vector<128x128xf32> -> vector<128x128xf32>
    %reshape3A_542 = vector.shape_cast %transpose3A_541 : vector<128x128xf32> to vector<4x4x8x128xf32>
    %swap3A_543 = arith.constant 144 : index
    %swap3A_544 = arith.constant 0 : index
    %swap3A_545 = arith.constant 0 : index
    %swap3A_546 = arith.constant 0 : index
    %swap3A_547 = arith.constant 0 : index
    %swap3A_548 = vector.load %arg2[%swap3A_543, %swap3A_544, %swap3A_545, %swap3A_546, %swap3A_547] : memref<200x4x1x8x128xf32, #tpu.memory_space<vmem>>, vector<4x4x1x8x128xf32>
    %swap3A_549 = vector.shape_cast %swap3A_548 : vector<4x4x1x8x128xf32> to vector<4x4x8x128xf32>
    %swap3A_550 = vector.shape_cast %reshape3A_542 : vector<4x4x8x128xf32> to vector<4x4x1x8x128xf32>
    tpu.vector_store %arg2[%swap3A_543, %swap3A_544, %swap3A_545, %swap3A_546, %swap3A_547], %swap3A_550 {strides = array<i32>} : memref<200x4x1x8x128xf32, #tpu.memory_space<vmem>>, vector<4x4x1x8x128xf32>,
    %get3A_551 = arith.constant 0 : index
    %get3A_552 = arith.constant 4736 : index
    %get3A_553 = arith.constant 0 : index
    %get3A_554 = vector.load %arg1[%get3A_551, %get3A_552, %get3A_553] : memref<1x6400x128xf32, #tpu.memory_space<vmem>>, vector<1x128x128xf32>
    %get3A_555 = vector.shape_cast %get3A_554 : vector<1x128x128xf32> to vector<128x128xf32>
    %transpose3A_556 = tpu.transpose %get3A_555, [1, 0] : vector<128x128xf32> -> vector<128x128xf32>
    %reshape3A_557 = vector.shape_cast %transpose3A_556 : vector<128x128xf32> to vector<4x4x8x128xf32>
    %swap3A_558 = arith.constant 148 : index
    %swap3A_559 = arith.constant 0 : index
    %swap3A_560 = arith.constant 0 : index
    %swap3A_561 = arith.constant 0 : index
    %swap3A_562 = arith.constant 0 : index
    %swap3A_563 = vector.load %arg2[%swap3A_558, %swap3A_559, %swap3A_560, %swap3A_561, %swap3A_562] : memref<200x4x1x8x128xf32, #tpu.memory_space<vmem>>, vector<4x4x1x8x128xf32>
    %swap3A_564 = vector.shape_cast %swap3A_563 : vector<4x4x1x8x128xf32> to vector<4x4x8x128xf32>
    %swap3A_565 = vector.shape_cast %reshape3A_557 : vector<4x4x8x128xf32> to vector<4x4x1x8x128xf32>
    tpu.vector_store %arg2[%swap3A_558, %swap3A_559, %swap3A_560, %swap3A_561, %swap3A_562], %swap3A_565 {strides = array<i32>} : memref<200x4x1x8x128xf32, #tpu.memory_space<vmem>>, vector<4x4x1x8x128xf32>,
    %get3A_566 = arith.constant 0 : index
    %get3A_567 = arith.constant 4864 : index
    %get3A_568 = arith.constant 0 : index
    %get3A_569 = vector.load %arg1[%get3A_566, %get3A_567, %get3A_568] : memref<1x6400x128xf32, #tpu.memory_space<vmem>>, vector<1x128x128xf32>
    %get3A_570 = vector.shape_cast %get3A_569 : vector<1x128x128xf32> to vector<128x128xf32>
    %transpose3A_571 = tpu.transpose %get3A_570, [1, 0] : vector<128x128xf32> -> vector<128x128xf32>
    %reshape3A_572 = vector.shape_cast %transpose3A_571 : vector<128x128xf32> to vector<4x4x8x128xf32>
    %swap3A_573 = arith.constant 152 : index
    %swap3A_574 = arith.constant 0 : index
    %swap3A_575 = arith.constant 0 : index
    %swap3A_576 = arith.constant 0 : index
    %swap3A_577 = arith.constant 0 : index
    %swap3A_578 = vector.load %arg2[%swap3A_573, %swap3A_574, %swap3A_575, %swap3A_576, %swap3A_577] : memref<200x4x1x8x128xf32, #tpu.memory_space<vmem>>, vector<4x4x1x8x128xf32>
    %swap3A_579 = vector.shape_cast %swap3A_578 : vector<4x4x1x8x128xf32> to vector<4x4x8x128xf32>
    %swap3A_580 = vector.shape_cast %reshape3A_572 : vector<4x4x8x128xf32> to vector<4x4x1x8x128xf32>
    tpu.vector_store %arg2[%swap3A_573, %swap3A_574, %swap3A_575, %swap3A_576, %swap3A_577], %swap3A_580 {strides = array<i32>} : memref<200x4x1x8x128xf32, #tpu.memory_space<vmem>>, vector<4x4x1x8x128xf32>,
    %get3A_581 = arith.constant 0 : index
    %get3A_582 = arith.constant 4992 : index
    %get3A_583 = arith.constant 0 : index
    %get3A_584 = vector.load %arg1[%get3A_581, %get3A_582, %get3A_583] : memref<1x6400x128xf32, #tpu.memory_space<vmem>>, vector<1x128x128xf32>
    %get3A_585 = vector.shape_cast %get3A_584 : vector<1x128x128xf32> to vector<128x128xf32>
    %transpose3A_586 = tpu.transpose %get3A_585, [1, 0] : vector<128x128xf32> -> vector<128x128xf32>
    %reshape3A_587 = vector.shape_cast %transpose3A_586 : vector<128x128xf32> to vector<4x4x8x128xf32>
    %swap3A_588 = arith.constant 156 : index
    %swap3A_589 = arith.constant 0 : index
    %swap3A_590 = arith.constant 0 : index
    %swap3A_591 = arith.constant 0 : index
    %swap3A_592 = arith.constant 0 : index
    %swap3A_593 = vector.load %arg2[%swap3A_588, %swap3A_589, %swap3A_590, %swap3A_591, %swap3A_592] : memref<200x4x1x8x128xf32, #tpu.memory_space<vmem>>, vector<4x4x1x8x128xf32>
    %swap3A_594 = vector.shape_cast %swap3A_593 : vector<4x4x1x8x128xf32> to vector<4x4x8x128xf32>
    %swap3A_595 = vector.shape_cast %reshape3A_587 : vector<4x4x8x128xf32> to vector<4x4x1x8x128xf32>
    tpu.vector_store %arg2[%swap3A_588, %swap3A_589, %swap3A_590, %swap3A_591, %swap3A_592], %swap3A_595 {strides = array<i32>} : memref<200x4x1x8x128xf32, #tpu.memory_space<vmem>>, vector<4x4x1x8x128xf32>,
    %get3A_596 = arith.constant 0 : index
    %get3A_597 = arith.constant 5120 : index
    %get3A_598 = arith.constant 0 : index
    %get3A_599 = vector.load %arg1[%get3A_596, %get3A_597, %get3A_598] : memref<1x6400x128xf32, #tpu.memory_space<vmem>>, vector<1x128x128xf32>
    %get3A_600 = vector.shape_cast %get3A_599 : vector<1x128x128xf32> to vector<128x128xf32>
    %transpose3A_601 = tpu.transpose %get3A_600, [1, 0] : vector<128x128xf32> -> vector<128x128xf32>
    %reshape3A_602 = vector.shape_cast %transpose3A_601 : vector<128x128xf32> to vector<4x4x8x128xf32>
    %swap3A_603 = arith.constant 160 : index
    %swap3A_604 = arith.constant 0 : index
    %swap3A_605 = arith.constant 0 : index
    %swap3A_606 = arith.constant 0 : index
    %swap3A_607 = arith.constant 0 : index
    %swap3A_608 = vector.load %arg2[%swap3A_603, %swap3A_604, %swap3A_605, %swap3A_606, %swap3A_607] : memref<200x4x1x8x128xf32, #tpu.memory_space<vmem>>, vector<4x4x1x8x128xf32>
    %swap3A_609 = vector.shape_cast %swap3A_608 : vector<4x4x1x8x128xf32> to vector<4x4x8x128xf32>
    %swap3A_610 = vector.shape_cast %reshape3A_602 : vector<4x4x8x128xf32> to vector<4x4x1x8x128xf32>
    tpu.vector_store %arg2[%swap3A_603, %swap3A_604, %swap3A_605, %swap3A_606, %swap3A_607], %swap3A_610 {strides = array<i32>} : memref<200x4x1x8x128xf32, #tpu.memory_space<vmem>>, vector<4x4x1x8x128xf32>,
    %get3A_611 = arith.constant 0 : index
    %get3A_612 = arith.constant 5248 : index
    %get3A_613 = arith.constant 0 : index
    %get3A_614 = vector.load %arg1[%get3A_611, %get3A_612, %get3A_613] : memref<1x6400x128xf32, #tpu.memory_space<vmem>>, vector<1x128x128xf32>
    %get3A_615 = vector.shape_cast %get3A_614 : vector<1x128x128xf32> to vector<128x128xf32>
    %transpose3A_616 = tpu.transpose %get3A_615, [1, 0] : vector<128x128xf32> -> vector<128x128xf32>
    %reshape3A_617 = vector.shape_cast %transpose3A_616 : vector<128x128xf32> to vector<4x4x8x128xf32>
    %swap3A_618 = arith.constant 164 : index
    %swap3A_619 = arith.constant 0 : index
    %swap3A_620 = arith.constant 0 : index
    %swap3A_621 = arith.constant 0 : index
    %swap3A_622 = arith.constant 0 : index
    %swap3A_623 = vector.load %arg2[%swap3A_618, %swap3A_619, %swap3A_620, %swap3A_621, %swap3A_622] : memref<200x4x1x8x128xf32, #tpu.memory_space<vmem>>, vector<4x4x1x8x128xf32>
    %swap3A_624 = vector.shape_cast %swap3A_623 : vector<4x4x1x8x128xf32> to vector<4x4x8x128xf32>
    %swap3A_625 = vector.shape_cast %reshape3A_617 : vector<4x4x8x128xf32> to vector<4x4x1x8x128xf32>
    tpu.vector_store %arg2[%swap3A_618, %swap3A_619, %swap3A_620, %swap3A_621, %swap3A_622], %swap3A_625 {strides = array<i32>} : memref<200x4x1x8x128xf32, #tpu.memory_space<vmem>>, vector<4x4x1x8x128xf32>,
    %get3A_626 = arith.constant 0 : index
    %get3A_627 = arith.constant 5376 : index
    %get3A_628 = arith.constant 0 : index
    %get3A_629 = vector.load %arg1[%get3A_626, %get3A_627, %get3A_628] : memref<1x6400x128xf32, #tpu.memory_space<vmem>>, vector<1x128x128xf32>
    %get3A_630 = vector.shape_cast %get3A_629 : vector<1x128x128xf32> to vector<128x128xf32>
    %transpose3A_631 = tpu.transpose %get3A_630, [1, 0] : vector<128x128xf32> -> vector<128x128xf32>
    %reshape3A_632 = vector.shape_cast %transpose3A_631 : vector<128x128xf32> to vector<4x4x8x128xf32>
    %swap3A_633 = arith.constant 168 : index
    %swap3A_634 = arith.constant 0 : index
    %swap3A_635 = arith.constant 0 : index
    %swap3A_636 = arith.constant 0 : index
    %swap3A_637 = arith.constant 0 : index
    %swap3A_638 = vector.load %arg2[%swap3A_633, %swap3A_634, %swap3A_635, %swap3A_636, %swap3A_637] : memref<200x4x1x8x128xf32, #tpu.memory_space<vmem>>, vector<4x4x1x8x128xf32>
    %swap3A_639 = vector.shape_cast %swap3A_638 : vector<4x4x1x8x128xf32> to vector<4x4x8x128xf32>
    %swap3A_640 = vector.shape_cast %reshape3A_632 : vector<4x4x8x128xf32> to vector<4x4x1x8x128xf32>
    tpu.vector_store %arg2[%swap3A_633, %swap3A_634, %swap3A_635, %swap3A_636, %swap3A_637], %swap3A_640 {strides = array<i32>} : memref<200x4x1x8x128xf32, #tpu.memory_space<vmem>>, vector<4x4x1x8x128xf32>,
    %get3A_641 = arith.constant 0 : index
    %get3A_642 = arith.constant 5504 : index
    %get3A_643 = arith.constant 0 : index
    %get3A_644 = vector.load %arg1[%get3A_641, %get3A_642, %get3A_643] : memref<1x6400x128xf32, #tpu.memory_space<vmem>>, vector<1x128x128xf32>
    %get3A_645 = vector.shape_cast %get3A_644 : vector<1x128x128xf32> to vector<128x128xf32>
    %transpose3A_646 = tpu.transpose %get3A_645, [1, 0] : vector<128x128xf32> -> vector<128x128xf32>
    %reshape3A_647 = vector.shape_cast %transpose3A_646 : vector<128x128xf32> to vector<4x4x8x128xf32>
    %swap3A_648 = arith.constant 172 : index
    %swap3A_649 = arith.constant 0 : index
    %swap3A_650 = arith.constant 0 : index
    %swap3A_651 = arith.constant 0 : index
    %swap3A_652 = arith.constant 0 : index
    %swap3A_653 = vector.load %arg2[%swap3A_648, %swap3A_649, %swap3A_650, %swap3A_651, %swap3A_652] : memref<200x4x1x8x128xf32, #tpu.memory_space<vmem>>, vector<4x4x1x8x128xf32>
    %swap3A_654 = vector.shape_cast %swap3A_653 : vector<4x4x1x8x128xf32> to vector<4x4x8x128xf32>
    %swap3A_655 = vector.shape_cast %reshape3A_647 : vector<4x4x8x128xf32> to vector<4x4x1x8x128xf32>
    tpu.vector_store %arg2[%swap3A_648, %swap3A_649, %swap3A_650, %swap3A_651, %swap3A_652], %swap3A_655 {strides = array<i32>} : memref<200x4x1x8x128xf32, #tpu.memory_space<vmem>>, vector<4x4x1x8x128xf32>,
    %get3A_656 = arith.constant 0 : index
    %get3A_657 = arith.constant 5632 : index
    %get3A_658 = arith.constant 0 : index
    %get3A_659 = vector.load %arg1[%get3A_656, %get3A_657, %get3A_658] : memref<1x6400x128xf32, #tpu.memory_space<vmem>>, vector<1x128x128xf32>
    %get3A_660 = vector.shape_cast %get3A_659 : vector<1x128x128xf32> to vector<128x128xf32>
    %transpose3A_661 = tpu.transpose %get3A_660, [1, 0] : vector<128x128xf32> -> vector<128x128xf32>
    %reshape3A_662 = vector.shape_cast %transpose3A_661 : vector<128x128xf32> to vector<4x4x8x128xf32>
    %swap3A_663 = arith.constant 176 : index
    %swap3A_664 = arith.constant 0 : index
    %swap3A_665 = arith.constant 0 : index
    %swap3A_666 = arith.constant 0 : index
    %swap3A_667 = arith.constant 0 : index
    %swap3A_668 = vector.load %arg2[%swap3A_663, %swap3A_664, %swap3A_665, %swap3A_666, %swap3A_667] : memref<200x4x1x8x128xf32, #tpu.memory_space<vmem>>, vector<4x4x1x8x128xf32>
    %swap3A_669 = vector.shape_cast %swap3A_668 : vector<4x4x1x8x128xf32> to vector<4x4x8x128xf32>
    %swap3A_670 = vector.shape_cast %reshape3A_662 : vector<4x4x8x128xf32> to vector<4x4x1x8x128xf32>
    tpu.vector_store %arg2[%swap3A_663, %swap3A_664, %swap3A_665, %swap3A_666, %swap3A_667], %swap3A_670 {strides = array<i32>} : memref<200x4x1x8x128xf32, #tpu.memory_space<vmem>>, vector<4x4x1x8x128xf32>,
    %get3A_671 = arith.constant 0 : index
    %get3A_672 = arith.constant 5760 : index
    %get3A_673 = arith.constant 0 : index
    %get3A_674 = vector.load %arg1[%get3A_671, %get3A_672, %get3A_673] : memref<1x6400x128xf32, #tpu.memory_space<vmem>>, vector<1x128x128xf32>
    %get3A_675 = vector.shape_cast %get3A_674 : vector<1x128x128xf32> to vector<128x128xf32>
    %transpose3A_676 = tpu.transpose %get3A_675, [1, 0] : vector<128x128xf32> -> vector<128x128xf32>
    %reshape3A_677 = vector.shape_cast %transpose3A_676 : vector<128x128xf32> to vector<4x4x8x128xf32>
    %swap3A_678 = arith.constant 180 : index
    %swap3A_679 = arith.constant 0 : index
    %swap3A_680 = arith.constant 0 : index
    %swap3A_681 = arith.constant 0 : index
    %swap3A_682 = arith.constant 0 : index
    %swap3A_683 = vector.load %arg2[%swap3A_678, %swap3A_679, %swap3A_680, %swap3A_681, %swap3A_682] : memref<200x4x1x8x128xf32, #tpu.memory_space<vmem>>, vector<4x4x1x8x128xf32>
    %swap3A_684 = vector.shape_cast %swap3A_683 : vector<4x4x1x8x128xf32> to vector<4x4x8x128xf32>
    %swap3A_685 = vector.shape_cast %reshape3A_677 : vector<4x4x8x128xf32> to vector<4x4x1x8x128xf32>
    tpu.vector_store %arg2[%swap3A_678, %swap3A_679, %swap3A_680, %swap3A_681, %swap3A_682], %swap3A_685 {strides = array<i32>} : memref<200x4x1x8x128xf32, #tpu.memory_space<vmem>>, vector<4x4x1x8x128xf32>,
    %get3A_686 = arith.constant 0 : index
    %get3A_687 = arith.constant 5888 : index
    %get3A_688 = arith.constant 0 : index
    %get3A_689 = vector.load %arg1[%get3A_686, %get3A_687, %get3A_688] : memref<1x6400x128xf32, #tpu.memory_space<vmem>>, vector<1x128x128xf32>
    %get3A_690 = vector.shape_cast %get3A_689 : vector<1x128x128xf32> to vector<128x128xf32>
    %transpose3A_691 = tpu.transpose %get3A_690, [1, 0] : vector<128x128xf32> -> vector<128x128xf32>
    %reshape3A_692 = vector.shape_cast %transpose3A_691 : vector<128x128xf32> to vector<4x4x8x128xf32>
    %swap3A_693 = arith.constant 184 : index
    %swap3A_694 = arith.constant 0 : index
    %swap3A_695 = arith.constant 0 : index
    %swap3A_696 = arith.constant 0 : index
    %swap3A_697 = arith.constant 0 : index
    %swap3A_698 = vector.load %arg2[%swap3A_693, %swap3A_694, %swap3A_695, %swap3A_696, %swap3A_697] : memref<200x4x1x8x128xf32, #tpu.memory_space<vmem>>, vector<4x4x1x8x128xf32>
    %swap3A_699 = vector.shape_cast %swap3A_698 : vector<4x4x1x8x128xf32> to vector<4x4x8x128xf32>
    %swap3A_700 = vector.shape_cast %reshape3A_692 : vector<4x4x8x128xf32> to vector<4x4x1x8x128xf32>
    tpu.vector_store %arg2[%swap3A_693, %swap3A_694, %swap3A_695, %swap3A_696, %swap3A_697], %swap3A_700 {strides = array<i32>} : memref<200x4x1x8x128xf32, #tpu.memory_space<vmem>>, vector<4x4x1x8x128xf32>,
    %get3A_701 = arith.constant 0 : index
    %get3A_702 = arith.constant 6016 : index
    %get3A_703 = arith.constant 0 : index
    %get3A_704 = vector.load %arg1[%get3A_701, %get3A_702, %get3A_703] : memref<1x6400x128xf32, #tpu.memory_space<vmem>>, vector<1x128x128xf32>
    %get3A_705 = vector.shape_cast %get3A_704 : vector<1x128x128xf32> to vector<128x128xf32>
    %transpose3A_706 = tpu.transpose %get3A_705, [1, 0] : vector<128x128xf32> -> vector<128x128xf32>
    %reshape3A_707 = vector.shape_cast %transpose3A_706 : vector<128x128xf32> to vector<4x4x8x128xf32>
    %swap3A_708 = arith.constant 188 : index
    %swap3A_709 = arith.constant 0 : index
    %swap3A_710 = arith.constant 0 : index
    %swap3A_711 = arith.constant 0 : index
    %swap3A_712 = arith.constant 0 : index
    %swap3A_713 = vector.load %arg2[%swap3A_708, %swap3A_709, %swap3A_710, %swap3A_711, %swap3A_712] : memref<200x4x1x8x128xf32, #tpu.memory_space<vmem>>, vector<4x4x1x8x128xf32>
    %swap3A_714 = vector.shape_cast %swap3A_713 : vector<4x4x1x8x128xf32> to vector<4x4x8x128xf32>
    %swap3A_715 = vector.shape_cast %reshape3A_707 : vector<4x4x8x128xf32> to vector<4x4x1x8x128xf32>
    tpu.vector_store %arg2[%swap3A_708, %swap3A_709, %swap3A_710, %swap3A_711, %swap3A_712], %swap3A_715 {strides = array<i32>} : memref<200x4x1x8x128xf32, #tpu.memory_space<vmem>>, vector<4x4x1x8x128xf32>,
    %get3A_716 = arith.constant 0 : index
    %get3A_717 = arith.constant 6144 : index
    %get3A_718 = arith.constant 0 : index
    %get3A_719 = vector.load %arg1[%get3A_716, %get3A_717, %get3A_718] : memref<1x6400x128xf32, #tpu.memory_space<vmem>>, vector<1x128x128xf32>
    %get3A_720 = vector.shape_cast %get3A_719 : vector<1x128x128xf32> to vector<128x128xf32>
    %transpose3A_721 = tpu.transpose %get3A_720, [1, 0] : vector<128x128xf32> -> vector<128x128xf32>
    %reshape3A_722 = vector.shape_cast %transpose3A_721 : vector<128x128xf32> to vector<4x4x8x128xf32>
    %swap3A_723 = arith.constant 192 : index
    %swap3A_724 = arith.constant 0 : index
    %swap3A_725 = arith.constant 0 : index
    %swap3A_726 = arith.constant 0 : index
    %swap3A_727 = arith.constant 0 : index
    %swap3A_728 = vector.load %arg2[%swap3A_723, %swap3A_724, %swap3A_725, %swap3A_726, %swap3A_727] : memref<200x4x1x8x128xf32, #tpu.memory_space<vmem>>, vector<4x4x1x8x128xf32>
    %swap3A_729 = vector.shape_cast %swap3A_728 : vector<4x4x1x8x128xf32> to vector<4x4x8x128xf32>
    %swap3A_730 = vector.shape_cast %reshape3A_722 : vector<4x4x8x128xf32> to vector<4x4x1x8x128xf32>
    tpu.vector_store %arg2[%swap3A_723, %swap3A_724, %swap3A_725, %swap3A_726, %swap3A_727], %swap3A_730 {strides = array<i32>} : memref<200x4x1x8x128xf32, #tpu.memory_space<vmem>>, vector<4x4x1x8x128xf32>,
    %get3A_731 = arith.constant 0 : index
    %get3A_732 = arith.constant 6272 : index
    %get3A_733 = arith.constant 0 : index
    %get3A_734 = vector.load %arg1[%get3A_731, %get3A_732, %get3A_733] : memref<1x6400x128xf32, #tpu.memory_space<vmem>>, vector<1x128x128xf32>
    %get3A_735 = vector.shape_cast %get3A_734 : vector<1x128x128xf32> to vector<128x128xf32>
    %transpose3A_736 = tpu.transpose %get3A_735, [1, 0] : vector<128x128xf32> -> vector<128x128xf32>
    %reshape3A_737 = vector.shape_cast %transpose3A_736 : vector<128x128xf32> to vector<4x4x8x128xf32>
    %swap3A_738 = arith.constant 196 : index
    %swap3A_739 = arith.constant 0 : index
    %swap3A_740 = arith.constant 0 : index
    %swap3A_741 = arith.constant 0 : index
    %swap3A_742 = arith.constant 0 : index
    %swap3A_743 = vector.load %arg2[%swap3A_738, %swap3A_739, %swap3A_740, %swap3A_741, %swap3A_742] : memref<200x4x1x8x128xf32, #tpu.memory_space<vmem>>, vector<4x4x1x8x128xf32>
    %swap3A_744 = vector.shape_cast %swap3A_743 : vector<4x4x1x8x128xf32> to vector<4x4x8x128xf32>
    %swap3A_745 = vector.shape_cast %reshape3A_737 : vector<4x4x8x128xf32> to vector<4x4x1x8x128xf32>
    tpu.vector_store %arg2[%swap3A_738, %swap3A_739, %swap3A_740, %swap3A_741, %swap3A_742], %swap3A_745 {strides = array<i32>} : memref<200x4x1x8x128xf32, #tpu.memory_space<vmem>>, vector<4x4x1x8x128xf32>,
    return
  }
  func.func @transform_0(%arg0: i32) -> (i32, i32, i32) {
    %c0_i32 = arith.constant 0 : i32
    %c0_i32_0 = arith.constant 0 : i32
    %c0_i32_1 = arith.constant 0 : i32
    return %arg0, %c0_i32, %c0_i32_0 : i32, i32, i32
  }
  func.func @transform_1(%arg0: i32) -> (i32, i32, i32, i32, i32) {
    %c0_i32 = arith.constant 0 : i32
    %c0_i32_0 = arith.constant 0 : i32
    %c0_i32_1 = arith.constant 0 : i32
    %c0_i32_2 = arith.constant 0 : i32
    %c0_i32_3 = arith.constant 0 : i32
    return %c0_i32, %c0_i32_0, %arg0, %c0_i32_1, %c0_i32_2 : i32, i32, i32, i32, i32
  }
}

</mosaic_0001>

<sc_bundles>
// kernel: kernel.4.cloned.1.call-start
scs
__scs_entry_jumppad:
0x0: {  	(pc) =	sbr.rel $0x88, $3  }
0x1: {  	(tag) =	ssettag $0x0;
	lr =	simm.s32 $0x1  }
0x2: {  	[smem:$0x3F9F] =	sst lr;
	_ =	strace $0xD0000000  }
0x3: {  	_ = 	snop  }
0x4: {  	_ = 	snop  }
0x5: {  	_ = 	snop  }
0x6: {  	_ = 	snop  }
0x7: {  	_ = 	snop  }
__scs_overlays_trampoline_lowered:
0x8: {  	[smem:$0x3FAE] =	sst s0  }
0x9: {  	[smem:$0x3FAF] =	sst s1  }
0xa: {  	[smem:$0x3FB0] =	sst s2  }
0xb: {  	[smem:$0x3FB1] =	sst s3  }
0xc: {  	[smem:$0x3FB2] =	sst s4  }
0xd: {  	[smem:$0x3FB3] =	sst s5  }
0xe: {  	[smem:$0x3FB4] =	sst s6  }
0xf: {  	[smem:$0x3FB5] =	sst s7  }
0x10: {  	[smem:$0x3FB6] =	sst s8  }
0x11: {  	[smem:$0x3FB7] =	sst s9;
	s0 =	simm.s32 @!p0 $0x0  }
0x12: {  	s1 =	sld [smem:$0x3F9D];
	s0 =	simm.s32 @p0 $0x1  }
0x13: {  	[smem:$0x3FB8] =	sst s0;
	s0 =	simm.s32 @!p1 $0x0  }
0x14: {  	s2 =	sld [smem:$0x3F9C];
	s0 =	simm.s32 @p1 $0x1  }
0x15: {  	[smem:$0x3FB9] =	sst s0;
	s0 =	simm.s32 @!p2 $0x0  }
0x16: {  	s3 =	sld [smem:$0x3FDB];
	s0 =	simm.s32 @p2 $0x1  }
0x17: {  	s4 =	simm.s32 $0x1BF5;
	[smem:$0x3FBB] =	sst s0  }
0x18: {  	s0 =	sld [smem:$0x3F9E];
	_ =	swait.ge [sflag:s4], $0x0  }
0x19: {  	s7 =	sld [smem:$0x3F9F]  }
0x1a: {  	s8 =	sadd.s32 $0xFFFFE003, lr  }
0x1b: {  	s9 =	sadd.s32 $0xFFFFFEF7, lr;
	s5 =	simm.s32 $0xFFFFFFFF;
	p2 =	slt.u32 s8, $0xFFFFF086  }
0x1c: {  	p1 =	slt.u32 s9, $0xF7A;
	s5 =	simm.s32 @!p2 $0x0  }
0x1d: {  	s5 =	simm.s32 @p1 $0x1;
	p0 =	seq.s32 s7, s2  }
0x1e: {  	s7 =	smul.u32 @!p0 $0xF7A, s2;
	p2 =	seq.s32 @!p0 s5, $0x0  }
0x1f: {  	s9 =	smul.u32 $0xF7A, s1;
	s8 =	simm.s32 @!p0 $0x1BF5;
	p2 =	por !p2, p0  }
0x20: {  	[sflag:s8] =	ssyncset.s32 @!p0 $0xFFFFF086;
	s6 =	sadd.s32 @!p0 s3, s7;
	s7 =	simm.s32 @!p0 $0x108  }
0x21: {  	s3 =	sadd.s32 s3, s9;
	s6 =	sadd.s32 @!p0 $0x88, s6;
	s7 =	simm.s32 @p2 $0x1082  }
0x22: {  	[simem:s7], [sflag:s8] =	dma.local @!p0 [hbm:s6], $0xF7A  }
0x23: {  	s9 =	sor.u32 $0xD0000000, s2;
	s6 =	simm.s32 $0x108;
	_ =	swait.ge @!p0 [sflag:s8], $0x0  }
0x24: {  	s3 =	sadd.s32 $0x88, s3;
	s6 =	simm.s32 @!p1 $0x1082;
	[sflag:s4] =	ssyncset.s32 $0xFFFFF086  }
0x25: {  	[simem:s6], [sflag:s4] =	dma.local [hbm:s3], $0xF7A  }
0x26: {  	[smem:$0x3F9F] =	sst s1;
	(tag) =	ssettag s2;
	_ =	strace s9  }
0x27: {  	s1 =	sld [smem:$0x3FAF]  }
0x28: {  	s2 =	sld [smem:$0x3FB0]  }
0x29: {  	s4 =	sld [smem:$0x3FB2]  }
0x2a: {  	p0 =	seq.s32 s5, $0x0;
	s5 =	sld [smem:$0x3FB3]  }
0x2b: {  	s6 =	sld [smem:$0x3FB4]  }
0x2c: {  	s7 =	sld [smem:$0x3FB5]  }
0x2d: {  	s3 =	simm.s32 $0x108;
	s8 =	sld [smem:$0x3FB6]  }
0x2e: {  	s3 =	simm.s32 @!p0 $0x1082;
	s9 =	sld [smem:$0x3FB7]  }
0x2f: {  	lr =	sadd.s32 s0, s3;
	s0 =	sld [smem:$0x3FAE]  }
0x30: {  	s3 =	sld [smem:$0x3FB1]  }
0x31: {  	[smem:$0x3FBA] =	sst s10  }
0x32: {  	s10 =	sld [smem:$0x3FB8];
	_ =	sdelay $0x3  }
0x33: {  	p0 =	seq.s32 s10, $0x1;
	s10 =	sld [smem:$0x3FBA];
	_ =	sdelay $0x3  }
0x34: {  	[smem:$0x3FBA] =	sst s10  }
0x35: {  	s10 =	sld [smem:$0x3FB9];
	_ =	sdelay $0x3  }
0x36: {  	p1 =	seq.s32 s10, $0x1;
	s10 =	sld [smem:$0x3FBA];
	_ =	sdelay $0x3  }
0x37: {  	[smem:$0x3FBA] =	sst s10  }
0x38: {  	s10 =	sld [smem:$0x3FBB]  }
0x39: {  	_ = 	snop;
	(pc) =	sbr.ind lr, $3  }
0x3a: {  	_ = 	snop  }
0x3b: {  	_ = 	snop  }
0x3c: {  	p2 =	seq.s32 s10, $0x1;
	s10 =	sld [smem:$0x3FBA]  }
0x3d: {  	_ =	shalt  }
0x3e: {  	_ =	shalt  }
0x3f: {  	_ =	shalt  }
0x40: {  	_ =	shalt  }
0x41: {  	_ =	shalt  }
0x42: {  	_ =	shalt  }
0x43: {  	_ =	shalt  }
0x44: {  	_ =	shalt  }
0x45: {  	_ =	shalt  }
0x46: {  	_ =	shalt  }
0x47: {  	_ =	shalt  }
0x48: {  	_ =	shalt  }
0x49: {  	_ =	shalt  }
0x4a: {  	_ =	shalt  }
0x4b: {  	_ =	shalt  }
0x4c: {  	_ =	shalt  }
0x4d: {  	_ =	shalt  }
0x4e: {  	_ =	shalt  }
0x4f: {  	_ =	shalt  }
0x50: {  	_ =	shalt  }
0x51: {  	_ =	shalt  }
0x52: {  	_ =	shalt  }
0x53: {  	_ =	shalt  }
0x54: {  	_ =	shalt  }
0x55: {  	_ =	shalt  }
0x56: {  	_ =	shalt  }
0x57: {  	_ =	shalt  }
0x58: {  	_ =	shalt  }
0x59: {  	_ =	shalt  }
0x5a: {  	_ =	shalt  }
0x5b: {  	_ =	shalt  }
0x5c: {  	_ =	shalt  }
0x5d: {  	_ =	shalt  }
0x5e: {  	_ =	shalt  }
0x5f: {  	_ =	shalt  }
0x60: {  	_ =	shalt  }
0x61: {  	_ =	shalt  }
0x62: {  	_ =	shalt  }
0x63: {  	_ =	shalt  }
0x64: {  	_ =	shalt  }
0x65: {  	_ =	shalt  }
0x66: {  	_ =	shalt  }
0x67: {  	_ =	shalt  }
0x68: {  	_ =	shalt  }
0x69: {  	_ =	shalt  }
0x6a: {  	_ =	shalt  }
0x6b: {  	_ =	shalt  }
0x6c: {  	_ =	shalt  }
0x6d: {  	_ =	shalt  }
0x6e: {  	_ =	shalt  }
0x6f: {  	_ =	shalt  }
0x70: {  	_ =	shalt  }
0x71: {  	_ =	shalt  }
0x72: {  	_ =	shalt  }
0x73: {  	_ =	shalt  }
0x74: {  	_ =	shalt  }
0x75: {  	_ =	shalt  }
0x76: {  	_ =	shalt  }
0x77: {  	_ =	shalt  }
0x78: {  	_ =	shalt  }
0x79: {  	_ =	shalt  }
0x7a: {  	_ =	shalt  }
0x7b: {  	_ =	shalt  }
0x7c: {  	_ =	shalt  }
0x7d: {  	_ =	shalt  }
0x7e: {  	_ =	shalt  }
0x7f: {  	_ =	shalt  }
0x80: {  	_ =	shalt  }
0x81: {  	_ =	shalt  }
0x82: {  	_ =	shalt  }
0x83: {  	_ =	shalt  }
0x84: {  	_ =	shalt  }
0x85: {  	_ =	shalt  }
0x86: {  	_ =	shalt  }
0x87: {  	_ =	shalt  }
.Lfunc_end0:
.L_simem_size_0:
called_computation_lowered:
.L_overlay_start_0:
0x88: {  	s2 =	sld [smem:$0x3FD9]  }
0x89: {  	s3 =	sld [smem:$0x3FFE];
	_ =	sdelay $0x1  }
0x8a: {  	s1 =	srdreg.scid  }
0x8b: {  	s0 =	sand.u32 $0x1, s1  }
0x8c: {  	s16 =	sshll.u32 s0, $0xA;
	s2 =	sadd.s32 s3, s2  }
0x8d: {  	s2 =	sadd.s32 s2, s16  }
0x8e: {  	[smem:$0x3FC6] =	sst s2  }
0x8f: {  	_ = 	snop  }
0x90: {  	(tm) =	ssettm $0x1  }
0x91: {  	s17 =	sld [smem:$0x3FFB];
	_ =	sdelay $0x3  }
0x92: {  	_ =	strace s17  }
0x93: {  	s2 =	sld [smem:$0x3FFC];
	_ =	sdelay $0x3  }
0x94: {  	_ =	strace s2  }
0x95: {  	s2 =	sld [smem:$0x3FFD];
	_ =	sdelay $0x3  }
0x96: {  	_ =	strace s2  }
0x97: {  	_ =	strace $0x8FFFFFFF  }
0x98: {  	s18 =	sld [smem:$0x3FDB];
	_ =	sdelay $0x1  }
0x99: {  	s19 =	simm.s32 $_scs_section_size  }
0x9a: {  	s4 =	simm.s32 $_size__tile_overlayer_lowered;
	s5 =	simm.s32 $_tile_overlayer_lowered  }
0x9b: {  	s22 =	simm.s32 $0x1BFF;
	s21 =	sshll.u32 s5, $0x1;
	s2 =	sadd.s32 s19, s18  }
0x9c: {  	s6 =	simm.s32 $0x0;
	s20 =	sshll.u32 s4, $0x1;
	s4 =	sadd.s32 s21, s2  }
0x9d: {  	[timem:s6], [sflag:s22] =	dma.local [hbm:s4], s20  }
0x9e: {  	_ =	swait.ge [sflag:s22], s20  }
0x9f: {  	s3 =	ssub.s32 $0x0, s20;
	[sflag:s22] =	ssyncset.done $0x0  }
0xa0: {  	[sflag:s22] =	ssyncadd.s32 s3;
	_ =	sdelay $0x1  }
0xa1: {  	s23 =	simm.s32 $0x1B8B  }
0xa2: {  	_ =	swait.ge [sflag:s23], $0x1  }
0xa3: {  	[sflag:s23] =	ssyncset.done $0x0  }
0xa4: {  	s25 =	simm.s32 $0x1B8E;
	s24 =	sld [smem:$0x3FFE];
	[sflag:s23] =	ssyncadd.s32 $0xFFFFFFFF  }
0xa5: {  	s26 =	simm.s32 $execute0_lowered;
	[smem:$0x3FD2] =	sst s25  }
0xa6: {  	s4 =	sshll.u32 s26, $0x1;
	_ =	strace $0x80000046;
	[dreg:$0x1] =	wrdreg $0xFFFFFFFF  }
0xa7: {  	s28 =	simm.s32 $_size_execute0_lowered;
	s2 =	sadd.s32 s2, s4;
	[dreg:$0x0] =	wrdreg $0x0  }
0xa8: {  	s4 =	sshll.u32 s28, $0x1;
	[dreg:$0x2] =	wrdreg s2  }
0xa9: {  	[dreg:$0x3] =	wrdreg s4  }
0xaa: {  	[dreg:$0x4] =	wrdreg $0xC0  }
0xab: {  	_ =	task [dreg:s6], $0x5FFFF  }
0xac: {  	[dreg:$0x1] =	wrdreg $0xFFFFFFFF  }
0xad: {  	[dreg:$0x0] =	wrdreg $0x60  }
0xae: {  	[dreg:$0x2] =	wrdreg s24  }
0xaf: {  	[dreg:$0x3] =	wrdreg $0x9  }
0xb0: {  	_ =	task.clear_ibuf [dreg:s6], $0x4FFFF;
	_ =	strace $0x90000046  }
0xb1: {  	s29 =	simm.s32 $0x9;
	_ =	strace $0x80000048  }
0xb2: {  	_ =	swait.ge [sflag:s29], $0x1  }
0xb3: {  	[sflag:s29] =	ssyncadd.s32 $0xFFFFFFFF  }
0xb4: {  	_ =	strace $0x90000048  }
0xb5: {  	_ =	sfence  }
0xb6: {  	s30 =	sld [smem:$0x0];
	_ =	sdelay $0x2  }
0xb7: {  	s31 =	sshll.u32 s1, $0xD;
	s1 =	sshrl.u32 s1, $0x2  }
0xb8: {  	s3 =	sand.u32 $0x4000, s31;
	s1 =	sadd.s32 s1, s30  }
0xb9: {  	s0 =	sor.u32 s3, s0;
	s1 =	sshll.u32 s1, $0x11  }
0xba: {  	s0 =	sor.u32 s1, s0  }
0xbb: {  	s0 =	sadd.s32 $0x8F2B, s0  }
0xbc: {  	[sflag:s0] =	ssyncadd.remote.s32 $0x1  }
0xbd: {  	_ =	sfence.sel $0xFFFF  }
0xbe: {  	[dreg:$0x0] =	wrdreg $0xFFFFFFFF;
	(pc) =	sbr.abs _section_cstart, $3  }
0xbf: {  	[dreg:$0x1] =	wrdreg $0xFFFFFFFF  }
0xc0: {  	_ =	task.clear_ibuf [dreg:s6], $0x2FFFF;
	_ =	strace $0x9FFFFFFF  }
0xc1: {  	(tm) =	ssettm $0x7FFFFFFF  }
tec
execute0_lowered:
.L_overlay_start_1:
0x0: {  	(tag) =	ssettag $0x1  }
0x1: {  	v0 =	vimm.s32 $0x3210;
	v1 =	vimm.s32 $0xCBCAC9C8;
	vm8 =	vcmask $0xF00  }
0x2: {  	vm7 =	vcmask $0x1F10;
	vm2 =	vcmask $0x2320;
	vm0 =	vcmask $0x2724  }
0x3: {  	v2 =	vimm.s32 $0xCFCECDCC;
	vm1 =	vcmask $0x2B28;
	vm6 =	vcmask $0x2F2C  }
0x4: {  	vm5 =	vcmask $0x3330;
	vm3 =	vcmask $0x3734;
	vm4 =	vcmask $0x3B38  }
0x5: {  	v3 =	vimm.s32 $0xB0A0908;
	v4 =	vimm.s32 $0xD3D2D1D0;
	v5 =	vimm.s32 $0xF0E0D0C  }
0x6: {  	v6 =	vimm.s32 $0x13121110;
	v7 =	vimm.s32 $0xDBDAD9D8;
	v0 =	vunpack.c.l.s4.s8 v0  }
0x7: {  	v1 =	vunpack.c.0.s8.s32 v1;
	v2 =	vunpack.c.0.s8.s32 v2;
	v3 =	vunpack.c.0.s8.s32 v3  }
0x8: {  	v4 =	vunpack.c.0.s8.s32 v4;
	v5 =	vunpack.c.0.s8.s32 v5;
	v6 =	vunpack.c.0.s8.s32 v6  }
0x9: {  	v7 =	vunpack.c.0.s8.s32 v7;
	v0 =	vunpack.c.0.s8.s32 v0;
	v1 =	vand.u32 $0xFF, v1  }
0xa: {  	v2 =	vand.u32 $0xFF, v2;
	v3 =	vand.u32 $0xFF, v3;
	v4 =	vand.u32 $0xFF, v4  }
0xb: {  	v5 =	vand.u32 $0xFF, v5;
	v7 =	vand.u32 $0xFF, v7;
	v3 =	vnsel vm8, $0x263, v3  }
0xc: {  	v0 =	vnsel vm8, $0x25B, v0;
	v4 =	vsel vm7, v4, v3;
	v3 =	vnsel vm8, $0x267, v5  }
0xd: {  	v5 =	vand.u32 $0xFF, v6;
	v6 =	vimm.s32 $0xD7D6D5D4;
	v0 =	vsel vm7, v1, v0  }
0xe: {  	v1 =	vimm.s32 $0x7654;
	v5 =	vnsel vm8, $0x26B, v5;
	v6 =	vunpack.c.0.s8.s32 v6  }
0xf: {  	s0 =	srdreg.scid;
	v4 =	vsel vm2, $0x198, v4;
	v0 =	vsel vm2, $0x190, v0;
	v1 =	vunpack.c.l.s4.s8 v1  }
0x10: {  	s1 =	stileid.u32;
	s4 =	rddreg [dreg:$0x0];
	s2 =	simm.s32 $0x0;
	v5 =	vsel vm7, v7, v5;
	v4 =	vsel vm0, $0x199, v4;
	v0 =	vsel vm0, $0x191, v0  }
0x11: {  	s21 =	simm.s32 $0x6400;
	s13 =	simm.s32 $0xC800;
	s20 =	simm.s32 $0x80;
	v6 =	vand.u32 $0xFF, v6;
	v5 =	vsel vm2, $0x1A0, v5;
	v4 =	vsel vm1, $0x19A, v4  }
0x12: {  	s23 =	simm.s32 $0x10800;
	s26 =	simm.s32 $0x1;
	s12 =	simm.s32 $0x3;
	v1 =	vunpack.c.0.s8.s32 v1;
	v0 =	vsel vm1, $0x192, v0;
	v6 =	vsel vm7, v6, v3  }
0x13: {  	s19 =	simm.s32 $0x7;
	s0 =	sand.u32 $0x1, s0;
	s1 =	sshll.u32 s1, $0x1;
	v5 =	vsel vm0, $0x1A1, v5;
	v4 =	vsel vm6, $0x19B, v4;
	v0 =	vsel vm6, $0x193, v0  }
0x14: {  	s11 =	simm.s32 $0x8;
	s17 =	simm.s32 $0x0;
	s1 =	sor.u32 s0, s1;
	v6 =	vsel vm2, $0x19C, v6;
	v5 =	vsel vm1, $0x1A2, v5;
	v4 =	vsel vm5, $0x260, v4  }
0x15: {  	[smem:$0x7FF] =	sst s2;
	s0 =	ssub.s32 $0x2, s0;
	s5 =	smul.u32 $0x6400, s1;
	v1 =	vnsel vm8, $0x25F, v1;
	v0 =	vsel vm5, $0x258, v0;
	v6 =	vsel vm0, $0x19D, v6  }
0x16: {  	_ =	strace $0x80000047;
	s7 =	smul.u32 $0x19000, s1;
	s8 =	sshrl.u32 s0, $0x1;
	v5 =	vsel vm6, $0x1A3, v5;
	v4 =	vsel vm3, $0x261, v4;
	v1 =	vsel vm7, v2, v1  }
0x17: {  	s10 =	smul.u32 $0xC8000, s1;
	s0 =	ssub.s32 s0, s8;
	s3 =	sshrl.u32 s5, $0x3;
	v0 =	vsel vm3, $0x259, v0;
	v2 =	vlaneseq.u32;
	v1 =	vsel vm2, $0x194, v1  }
0x18: {  	s8 =	sadd.s32 $0x400, s5;
	s9 =	sadd.s32 $0x600, s5;
	s0 =	smax.u32 s0, $0x1;
	v6 =	vsel vm1, $0x19E, v6;
	v5 =	vsel vm5, $0x268, v5;
	v1 =	vsel vm0, $0x195, v1  }
.Ltmp0:
0x19: {  	s6 =	sadd.s32 s3, s4;
	s3 =	sadd.s32 $0x19600, s4;
	v4 =	vsel vm4, $0x262, v4;
	v6 =	vsel vm6, $0x19F, v6;
	v1 =	vsel vm1, $0x196, v1;
	(pc) =	sbr.rel .LBB2_1-.Ltmp0, $4  }
0x1a: {  	s4 =	sadd.s32 $0x7B200, s4;
	[dreg:$0x5] =	wrdreg s0;
	s6 =	sadd.s32 $0x600, s6;
	v0 =	vsel vm4, $0x25A, v0;
	v6 =	vsel vm5, $0x264, v6;
	v1 =	vsel vm6, $0x197, v1  }
0x1b: {  	s5 =	simm.s32 $0x5;
	s31 =	sadd.s32 s4, s7;
	[dreg:$0x2] =	wrdreg s6;
	v7 =	vsel vm3, $0x269, v5;
	v6 =	vsel vm3, $0x265, v6;
	v8 =	vsel vm5, $0x25C, v1  }
0x1c: {  	s0 =	simm.s32 $0x2;
	[dreg:$0x3] =	wrdreg s31;
	s6 =	sadd.s32 $0x800, s31;
	v5 =	vsel vm4, $0x266, v6;
	v1 =	vand.u32 $0x3, v2;
	v2 =	vsel vm3, $0x25D, v8  }
0x1d: {  	s7 =	simm.s32 $0x6;
	[dreg:$0x4] =	wrdreg s6;
	s6 =	simm.s32 $0x4;
	v6 =	vsel vm4, $0x26A, v7;
	v3 =	vor.u32 $0x4, v1;
	v2 =	vsel vm4, $0x25E, v2  }
.LBB2_37:
0x1e: {  	_ =	swait.ge [sflag:s5], $0x4000  }
0x1f: {  	[sflag:s5] =	ssyncset.done $0x0  }
0x20: {  	[sflag:s5] =	ssyncadd.s32 $0xFFFFC000  }
0x21: {  	_ =	swait.ge [sflag:s7], $0x4000  }
0x22: {  	s17 =	rddreg [dreg:$0x6]  }
0x23: {  	s1 =	rddreg [dreg:$0x5];
	s17 =	sadd.s32 $0x1, s17  }
0x24: {  	p0 =	sne.s32 s17, s1  }
.Ltmp1:
0x25: {  	_ = 	snop;
	(pc) =	sbr.rel @!p0 .LBB2_38-.Ltmp1, $3  }
0x26: {  	_ =	sdelay $0x1  }
0x27: {  	[sflag:s7] =	ssyncset.done $0x0  }
0x28: {  	s21 =	simm.s32 $0x6400;
	[sflag:s7] =	ssyncadd.s32 $0xFFFFC000  }
.LBB2_1:
0x29: {  	v7 =	vadd.s32 s2, v0  }
0x2a: {  	v7 =	vand.u32 $0xFFF8, v7  }
0x2b: {  	s1 =	rddreg [dreg:$0x2];
	s14 =	simm.s32 $0x9;
	v7 =	vor.u32 v1, v7  }
0x2c: {  	[tilespmem:s2], [sflag:$0x9] =	stream.linear.gather [hbm4b:s1+s2], $0x6400, $0x38;
	[tilespmem:$0x1C800] =	vst v63  }
0x2d: {  	_ =	swait.ge [sflag:s14], $0x6400  }
0x2e: {  	s30 =	simm.s32 $0x320;
	[sflag:s14] =	ssyncset.done $0x0  }
0x2f: {  	v8 =	vadd.s32 s30, v0;
	[sflag:s14] =	ssyncadd.s32 $0xFFFF9C00  }
0x30: {  	v8 =	vand.u32 $0xFFF8, v8;
	v7 =	vld.idx.msk [tilespmem:v7+s2+$0x0], $0xffff  }
0x31: {  	v9 =	vor.u32 v1, v8;
	_ =	sdelay $0x3  }
0x32: {  	s31 =	simm.s32 $0x640;
	[tilespmem:s21+$0x0] =	vst v7  }
0x33: {  	s16 =	simm.s32 $0x960;
	s15 =	simm.s32 $0x6400;
	v8 =	vadd.s32 s31, v0;
	v7 =	vld.idx.msk [tilespmem:v9+s2+$0x0], $0xffff  }
.LBB2_2:
0x34: {  	p0 =	sne.s32 s16, $0x60E0;
	v8 =	vand.u32 $0xFFF8, v8  }
0x35: {  	v9 =	vor.u32 v1, v8  }
.Ltmp2:
0x36: {  	(pc) =	sbr.rel @p0 .LBB2_2-.Ltmp2, $4  }
0x37: {  	_ = 	snop  }
0x38: {  	s15 =	sadd.s32 $0x10, s15  }
0x39: {  	s14 =	simm.s32 $0x0;
	[tilespmem:s15+$0x0] =	vst v7  }
0x3a: {  	v8 =	vadd.s32 s16, v0;
	s16 =	sadd.s32 $0x320, s16;
	v7 =	vld.idx.msk [tilespmem:v9+s14+$0x0], $0xffff  }
0x3b: {  	v8 =	vand.u32 $0xFFF8, v8  }
0x3c: {  	v8 =	vor.u32 v1, v8;
	_ =	sdelay $0x2  }
0x3d: {  	s1 =	sadd.s32 $0x10, s15  }
0x3e: {  	[tilespmem:s1+$0x0] =	vst v7  }
0x3f: {  	p1 =	por $0x1, $0x1;
	v7 =	vld.idx.msk [tilespmem:v8+s14+$0x0], $0xffff  }
.Ltmp3:
0x40: {  	_ = 	snop;
	(pc) =	sbr.rel @!p1 .LBB2_4-.Ltmp3, $3  }
0x41: {  	_ =	sdelay $0x1  }
0x42: {  	s16 =	simm.s32 $0x6600;
	s15 =	simm.s32 $0x320;
	s1 =	sadd.s32 $0x10, s1  }
0x43: {  	p2 =	por $0x0, $0x0;
	p0 =	por $0x0, $0x0;
	[dreg:$0x6] =	wrdreg s17;
	v8 =	vadd.s32 s14, v2;
	[tilespmem:s1+$0x0] =	vst v7  }
0x44: {  	v7 =	vand.u32 $0xFFF8, v8  }
0x45: {  	p3 =	por $0x1, $0x1;
	v7 =	vor.u32 v3, v7  }
.Ltmp4:
0x46: {  	_ = 	snop;
	(pc) =	sbr.rel @!p3 .LBB2_6-.Ltmp4, $2  }
0x47: {  	_ =	sdelay $0x2  }
0x48: {  	v8 =	vadd.s32 s15, v2;
	s1 =	simm.s32 $0x640;
	p2 =	por $0x1, $0x1;
	v7 =	vld.idx.msk [tilespmem:v7+s14+$0x0], $0xffff  }
0x49: {  	v8 =	vand.u32 $0xFFF8, v8  }
0x4a: {  	p4 =	por $0x1, $0x1;
	v9 =	vor.u32 v3, v8  }
.Ltmp5:
0x4b: {  	_ = 	snop;
	(pc) =	sbr.rel @!p4 .LBB2_8-.Ltmp5, $3  }
0x4c: {  	_ =	sdelay $0x1  }
0x4d: {  	[tilespmem:s16+$0x0] =	vst v7  }
0x4e: {  	s18 =	simm.s32 $0x960;
	p3 =	por $0x1, $0x1;
	s17 =	simm.s32 $0x6600;
	v8 =	vadd.s32 s1, v2;
	v7 =	vld.idx.msk [tilespmem:v9+s14+$0x0], $0xffff  }
.LBB2_9:
0x4f: {  	p4 =	sne.s32 s18, $0x60E0;
	v8 =	vand.u32 $0xFFF8, v8  }
0x50: {  	v9 =	vor.u32 v3, v8  }
.Ltmp6:
0x51: {  	(pc) =	sbr.rel @p4 .LBB2_9-.Ltmp6, $4  }
0x52: {  	_ = 	snop  }
0x53: {  	s17 =	sadd.s32 $0x10, s17  }
0x54: {  	[tilespmem:s17+$0x0] =	vst v7  }
0x55: {  	v8 =	vadd.s32 s18, v2;
	s18 =	sadd.s32 $0x320, s18;
	v7 =	vld.idx.msk [tilespmem:v9+s14+$0x0], $0xffff  }
.LBB2_10:
0x56: {  	v8 =	vand.u32 $0xFFF8, v8  }
0x57: {  	v8 =	vor.u32 v3, v8;
	_ =	sdelay $0x1  }
0x58: {  	s1 =	sadd.s32 @p3 $0x10, s17;
	s17 =	simm.s32 $0x6600  }
0x59: {  	s17 =	smov.u32 @p3 s1  }
0x5a: {  	[tilespmem:s17+$0x0] =	vst @p2 v7  }
0x5b: {  	v7 =	vld.idx.msk [tilespmem:v8+s14+$0x0], $0xffff  }
.Ltmp7:
0x5c: {  	_ = 	snop;
	(pc) =	sbr.rel @!p1 .LBB2_11-.Ltmp7, $4  }
0x5d: {  	_ = 	snop  }
0x5e: {  	s1 =	sadd.s32 @p2 $0x10, s17  }
0x5f: {  	s16 =	smov.u32 @p2 s1  }
0x60: {  	v8 =	vadd.s32 s14, v4;
	[tilespmem:s16+$0x0] =	vst v7;
	s16 =	simm.s32 $0x6800  }
0x61: {  	v7 =	vand.u32 $0xFFF8, v8  }
0x62: {  	p2 =	por $0x1, $0x1;
	v7 =	vor.u32 v1, v7  }
.Ltmp8:
0x63: {  	_ = 	snop;
	(pc) =	sbr.rel @!p2 .LBB2_13-.Ltmp8, $2  }
0x64: {  	_ =	sdelay $0x2  }
0x65: {  	v8 =	vadd.s32 s15, v4;
	s1 =	simm.s32 $0x640;
	p1 =	por $0x1, $0x1;
	v7 =	vld.idx.msk [tilespmem:v7+s2+$0x0], $0xffff  }
0x66: {  	v8 =	vand.u32 $0xFFF8, v8  }
0x67: {  	p2 =	por $0x1, $0x1;
	v9 =	vor.u32 v1, v8  }
.Ltmp9:
0x68: {  	_ = 	snop;
	(pc) =	sbr.rel @!p2 .LBB2_15-.Ltmp9, $3  }
0x69: {  	_ =	sdelay $0x1  }
0x6a: {  	[tilespmem:s16+$0x0] =	vst v7  }
0x6b: {  	s15 =	simm.s32 $0x960;
	p0 =	por $0x1, $0x1;
	s14 =	simm.s32 $0x6800;
	v8 =	vadd.s32 s1, v4;
	v7 =	vld.idx.msk [tilespmem:v9+s2+$0x0], $0xffff  }
.LBB2_16:
0x6c: {  	p2 =	sne.s32 s15, $0x60E0;
	v8 =	vand.u32 $0xFFF8, v8  }
0x6d: {  	v9 =	vor.u32 v1, v8  }
.Ltmp10:
0x6e: {  	(pc) =	sbr.rel @p2 .LBB2_16-.Ltmp10, $4  }
0x6f: {  	_ = 	snop  }
0x70: {  	s14 =	sadd.s32 $0x10, s14  }
0x71: {  	[tilespmem:s14+$0x0] =	vst v7  }
0x72: {  	v8 =	vadd.s32 s15, v4;
	s15 =	sadd.s32 $0x320, s15;
	v7 =	vld.idx.msk [tilespmem:v9+s2+$0x0], $0xffff  }
.LBB2_17:
0x73: {  	v8 =	vand.u32 $0xFFF8, v8  }
0x74: {  	v8 =	vor.u32 v1, v8;
	_ =	sdelay $0x1  }
0x75: {  	s1 =	sadd.s32 @p0 $0x10, s14;
	s14 =	simm.s32 $0x6800  }
0x76: {  	s14 =	smov.u32 @p0 s1  }
0x77: {  	[tilespmem:s14+$0x0] =	vst @p1 v7  }
0x78: {  	v7 =	vld.idx.msk [tilespmem:v8+s2+$0x0], $0xffff;
	_ =	sdelay $0x2  }
0x79: {  	s1 =	sadd.s32 @p1 $0x10, s14  }
0x7a: {  	s16 =	smov.u32 @p1 s1  }
0x7b: {  	[tilespmem:s16+$0x0] =	vst v7  }
0x7c: {  	[tilespmem:s13], [sflag:$0x1] =	stream.indirect.gather [hbm4b:s3+s20], $0x20, s21, s20, $0xb8;
	[tilespmem:$0x1C800] =	vst v63  }
0x7d: {  	s17 =	simm.s32 $0xD800;
	s16 =	simm.s32 $0x6480  }
0x7e: {  	[tilespmem:s17], [sflag:$0x1] =	stream.indirect.gather [hbm4b:s3+s20], $0x20, s16, s20, $0xb8;
	[tilespmem:$0x1C800] =	vst v63  }
0x7f: {  	s18 =	simm.s32 $0x6500;
	s21 =	simm.s32 $0xE800  }
0x80: {  	[tilespmem:s21], [sflag:$0x1] =	stream.indirect.gather [hbm4b:s3+s20], $0x20, s18, s20, $0xb8;
	[tilespmem:$0x1C800] =	vst v63  }
0x81: {  	s22 =	simm.s32 $0x6580;
	s24 =	simm.s32 $0xF800  }
0x82: {  	[tilespmem:s24], [sflag:$0x1] =	stream.indirect.gather [hbm4b:s3+s20], $0x20, s22, s20, $0xb8;
	[tilespmem:$0x1C800] =	vst v63  }
0x83: {  	s25 =	simm.s32 $0x6600  }
0x84: {  	[tilespmem:s23], [sflag:$0x2] =	stream.indirect.gather [hbm4b:s3+s20], $0x20, s25, s20, $0xb8;
	[tilespmem:$0x1C800] =	vst v63  }
0x85: {  	s28 =	simm.s32 $0x6680;
	s29 =	simm.s32 $0x11800  }
0x86: {  	[tilespmem:s29], [sflag:$0x2] =	stream.indirect.gather [hbm4b:s3+s20], $0x20, s28, s20, $0xb8;
	[tilespmem:$0x1C800] =	vst v63  }
0x87: {  	s30 =	simm.s32 $0x6700;
	s31 =	simm.s32 $0x12800  }
0x88: {  	[tilespmem:s31], [sflag:$0x2] =	stream.indirect.gather [hbm4b:s3+s20], $0x20, s30, s20, $0xb8;
	[tilespmem:$0x1C800] =	vst v63  }
0x89: {  	s15 =	simm.s32 $0x6780;
	s16 =	simm.s32 $0x13800  }
0x8a: {  	[tilespmem:s16], [sflag:$0x2] =	stream.indirect.gather [hbm4b:s3+s20], $0x20, s15, s20, $0xb8;
	[tilespmem:$0x1C800] =	vst v63  }
0x8b: {  	s17 =	simm.s32 $0x0;
	s18 =	simm.s32 $0x6800;
	s15 =	simm.s32 $0x14800  }
0x8c: {  	v7 =	vadd.s32 s17, v5;
	[tilespmem:s15], [sflag:$0x3] =	stream.indirect.gather [hbm4b:s3+s20], $0x20, s18, s20, $0xb8;
	[tilespmem:$0x1C800] =	vst v63  }
0x8d: {  	v7 =	vand.u32 $0xFFF8, v7;
	s21 =	simm.s32 $0x6880;
	s22 =	simm.s32 $0x15800  }
0x8e: {  	v7 =	vor.u32 v3, v7;
	[tilespmem:s22], [sflag:$0x3] =	stream.indirect.gather [hbm4b:s3+s20], $0x20, s21, s20, $0xb8;
	[tilespmem:$0x1C800] =	vst v63  }
0x8f: {  	s24 =	simm.s32 $0x6900;
	s25 =	simm.s32 $0x16800  }
0x90: {  	[tilespmem:s25], [sflag:$0x3] =	stream.indirect.gather [hbm4b:s3+s20], $0x20, s24, s20, $0xb8;
	[tilespmem:$0x1C800] =	vst v63  }
0x91: {  	s28 =	simm.s32 $0x320;
	s29 =	simm.s32 $0x6980;
	s30 =	simm.s32 $0x17800  }
0x92: {  	v8 =	vadd.s32 s28, v5;
	[tilespmem:s30], [sflag:$0x3] =	stream.indirect.gather [hbm4b:s3+s20], $0x20, s29, s20, $0xb8;
	[tilespmem:$0x1C800] =	vst v63  }
0x93: {  	v8 =	vand.u32 $0xFFF8, v8;
	v7 =	vld.idx.msk [tilespmem:v7+s2+$0x0], $0xffff  }
0x94: {  	v9 =	vor.u32 v3, v8;
	_ =	sdelay $0x2  }
0x95: {  	s14 =	simm.s32 $0x6A00  }
0x96: {  	s31 =	simm.s32 $0x640;
	[tilespmem:s14+$0x0] =	vst v7  }
0x97: {  	v8 =	vadd.s32 s31, v5;
	s15 =	simm.s32 $0x960;
	v7 =	vld.idx.msk [tilespmem:v9+s2+$0x0], $0xffff  }
.LBB2_18:
0x98: {  	p0 =	sne.s32 s15, $0x60E0;
	v8 =	vand.u32 $0xFFF8, v8  }
0x99: {  	v9 =	vor.u32 v3, v8  }
.Ltmp11:
0x9a: {  	(pc) =	sbr.rel @p0 .LBB2_18-.Ltmp11, $4  }
0x9b: {  	_ = 	snop  }
0x9c: {  	s14 =	sadd.s32 $0x10, s14  }
0x9d: {  	[tilespmem:s14+$0x0] =	vst v7  }
0x9e: {  	v8 =	vadd.s32 s15, v5;
	s15 =	sadd.s32 $0x320, s15;
	v7 =	vld.idx.msk [tilespmem:v9+s2+$0x0], $0xffff  }
0x9f: {  	v8 =	vand.u32 $0xFFF8, v8  }
0xa0: {  	v8 =	vor.u32 v3, v8;
	_ =	sdelay $0x2  }
0xa1: {  	s1 =	sadd.s32 $0x10, s14  }
0xa2: {  	[tilespmem:s1+$0x0] =	vst v7  }
0xa3: {  	v7 =	vld.idx.msk [tilespmem:v8+s2+$0x0], $0xffff;
	_ =	sdelay $0x3  }
0xa4: {  	s1 =	sadd.s32 $0x10, s1  }
0xa5: {  	[tilespmem:s1+$0x0] =	vst v7  }
0xa6: {  	_ =	swait.ge [sflag:s26], $0x1000  }
0xa7: {  	[sflag:s26] =	ssyncset.done $0x0  }
0xa8: {  	[sflag:s26] =	ssyncadd.s32 $0xFFFFF000  }
0xa9: {  	_ =	swait.ge [sflag:s26], $0x1000  }
0xaa: {  	[sflag:s26] =	ssyncset.done $0x0  }
0xab: {  	[sflag:s26] =	ssyncadd.s32 $0xFFFFF000  }
0xac: {  	_ =	swait.ge [sflag:s26], $0x1000  }
0xad: {  	[sflag:s26] =	ssyncset.done $0x0  }
0xae: {  	[sflag:s26] =	ssyncadd.s32 $0xFFFFF000  }
0xaf: {  	_ =	swait.ge [sflag:s26], $0x1000  }
0xb0: {  	[sflag:s26] =	ssyncset.done $0x0  }
0xb1: {  	s16 =	simm.s32 $0x0;
	s17 =	rddreg [dreg:$0x3];
	[sflag:s26] =	ssyncadd.s32 $0xFFFFF000  }
0xb2: {  	[hbm4b:s17+s16] =	stream.linear.scatter [tilespmem:s13], [sflag:$0x5], $0x4000, $0x38;
	[tilespmem:$0x1C800] =	vst v63  }
0xb3: {  	s18 =	simm.s32 $0x6A00;
	s15 =	simm.s32 $0x18800  }
0xb4: {  	v7 =	vadd.s32 s16, v6;
	[tilespmem:s15], [sflag:$0x4] =	stream.indirect.gather [hbm4b:s3+s20], $0x20, s18, s20, $0xb8;
	[tilespmem:$0x1C800] =	vst v63  }
0xb5: {  	s21 =	simm.s32 $0x6A80;
	s22 =	simm.s32 $0x19800;
	v7 =	vand.u32 $0xFFF8, v7  }
0xb6: {  	v7 =	vor.u32 v1, v7;
	[tilespmem:s22], [sflag:$0x4] =	stream.indirect.gather [hbm4b:s3+s20], $0x20, s21, s20, $0xb8;
	[tilespmem:$0x1C800] =	vst v63  }
0xb7: {  	s24 =	simm.s32 $0x6B00;
	s25 =	simm.s32 $0x1A800  }
0xb8: {  	[tilespmem:s25], [sflag:$0x4] =	stream.indirect.gather [hbm4b:s3+s20], $0x20, s24, s20, $0xb8;
	[tilespmem:$0x1C800] =	vst v63  }
0xb9: {  	s28 =	simm.s32 $0x320;
	s29 =	simm.s32 $0x6B80;
	s30 =	simm.s32 $0x1B800  }
0xba: {  	v8 =	vadd.s32 s28, v6;
	[tilespmem:s30], [sflag:$0x4] =	stream.indirect.gather [hbm4b:s3+s20], $0x20, s29, s20, $0xb8;
	[tilespmem:$0x1C800] =	vst v63  }
0xbb: {  	v8 =	vand.u32 $0xFFF8, v8;
	v7 =	vld.idx.msk [tilespmem:v7+s2+$0x0], $0xffff  }
0xbc: {  	v9 =	vor.u32 v1, v8;
	_ =	sdelay $0x2  }
0xbd: {  	s14 =	simm.s32 $0x6C00  }
0xbe: {  	s31 =	simm.s32 $0x640;
	[tilespmem:s14+$0x0] =	vst v7  }
0xbf: {  	v8 =	vadd.s32 s31, v6;
	s15 =	simm.s32 $0x960;
	v7 =	vld.idx.msk [tilespmem:v9+s2+$0x0], $0xffff  }
.LBB2_20:
0xc0: {  	p0 =	sne.s32 s15, $0x60E0;
	v8 =	vand.u32 $0xFFF8, v8  }
0xc1: {  	v9 =	vor.u32 v1, v8  }
.Ltmp12:
0xc2: {  	(pc) =	sbr.rel @p0 .LBB2_20-.Ltmp12, $4  }
0xc3: {  	_ = 	snop  }
0xc4: {  	s14 =	sadd.s32 $0x10, s14  }
0xc5: {  	[tilespmem:s14+$0x0] =	vst v7  }
0xc6: {  	v8 =	vadd.s32 s15, v6;
	s15 =	sadd.s32 $0x320, s15;
	v7 =	vld.idx.msk [tilespmem:v9+s2+$0x0], $0xffff  }
0xc7: {  	v8 =	vand.u32 $0xFFF8, v8  }
0xc8: {  	v8 =	vor.u32 v1, v8;
	_ =	sdelay $0x2  }
0xc9: {  	s1 =	sadd.s32 $0x10, s14  }
0xca: {  	[tilespmem:s1+$0x0] =	vst v7  }
0xcb: {  	v7 =	vld.idx.msk [tilespmem:v8+s2+$0x0], $0xffff;
	_ =	sdelay $0x3  }
0xcc: {  	s1 =	sadd.s32 $0x10, s1  }
0xcd: {  	[tilespmem:s1+$0x0] =	vst v7  }
0xce: {  	_ =	swait.ge [sflag:s0], $0x1000  }
0xcf: {  	[sflag:s0] =	ssyncset.done $0x0  }
0xd0: {  	[sflag:s0] =	ssyncadd.s32 $0xFFFFF000  }
0xd1: {  	_ =	swait.ge [sflag:s0], $0x1000  }
0xd2: {  	[sflag:s0] =	ssyncset.done $0x0  }
0xd3: {  	[sflag:s0] =	ssyncadd.s32 $0xFFFFF000  }
0xd4: {  	_ =	swait.ge [sflag:s0], $0x1000  }
0xd5: {  	[sflag:s0] =	ssyncset.done $0x0  }
.Ltmp13:
0xd6: {  	[sflag:s0] =	ssyncadd.s32 $0xFFFFF000;
	(pc) =	sbr.rel .LBB2_22-.Ltmp13, $4  }
0xd7: {  	s14 =	simm.s32 $0x0;
	s30 =	simm.s32 $0x6E00;
	_ =	swait.ge [sflag:s0], $0x1000  }
0xd8: {  	s24 =	simm.s32 $0x7000;
	s16 =	simm.s32 $0x7200;
	[sflag:s0] =	ssyncset.done $0x0  }
0xd9: {  	s29 =	simm.s32 $0x7400;
	s31 =	rddreg [dreg:$0x4];
	[sflag:s0] =	ssyncadd.s32 $0xFFFFF000  }
0xda: {  	[hbm4b:s31+s14] =	stream.linear.scatter [tilespmem:s23], [sflag:$0x6], $0x4000, $0x38;
	[tilespmem:$0x1C800] =	vst v63  }
.LBB2_36:
0xdb: {  	_ =	swait.ge [sflag:s0], $0x1000  }
0xdc: {  	[sflag:s0] =	ssyncset.done $0x0  }
0xdd: {  	[sflag:s0] =	ssyncadd.s32 $0xFFFFF000  }
0xde: {  	_ =	swait.ge [sflag:s0], $0x1000  }
0xdf: {  	[sflag:s0] =	ssyncset.done $0x0  }
0xe0: {  	[sflag:s0] =	ssyncadd.s32 $0xFFFFF000  }
0xe1: {  	s14 =	sadd.s32 $0x1, s14;
	_ =	swait.ge [sflag:s0], $0x1000  }
0xe2: {  	s1 =	sshll.u32 s22, $0xE;
	p0 =	sne.s32 s14, $0xC;
	[sflag:s0] =	ssyncset.done $0x0  }
.Ltmp14:
0xe3: {  	s30 =	sadd.s32 $0x800, s30;
	[sflag:s0] =	ssyncadd.s32 $0xFFFFF000;
	(pc) =	sbr.rel @!p0 .LBB2_37-.Ltmp14, $4  }
0xe4: {  	s24 =	sadd.s32 $0x800, s24;
	s1 =	sadd.s32 s10, s1;
	_ =	swait.ge [sflag:s0], $0x1000  }
0xe5: {  	s16 =	sadd.s32 $0x800, s16;
	s1 =	sshrl.u32 s1, $0x3;
	[sflag:s0] =	ssyncset.done $0x0  }
0xe6: {  	s29 =	sadd.s32 $0x800, s29;
	s1 =	sadd.s32 s4, s1;
	[sflag:s0] =	ssyncadd.s32 $0xFFFFF000  }
0xe7: {  	[hbm4b:s1+s2] =	stream.linear.scatter [tilespmem:s23], [sflag:$0x6], $0x4000, $0x38;
	[tilespmem:$0x1C800] =	vst v63  }
.LBB2_22:
0xe8: {  	s15 =	sshll.u32 s14, $0x2  }
0xe9: {  	s17 =	sadd.s32 $0x4, s15  }
0xea: {  	_ =	swait.ge [sflag:s5], $0x4000;
	s1 =	sshll.u32 s17, $0x9  }
0xeb: {  	[sflag:s5] =	ssyncset.done $0x0;
	s22 =	sadd.s32 $0x5, s15;
	s1 =	sand.u32 $0x3FFFF800, s1  }
0xec: {  	[sflag:s5] =	ssyncadd.s32 $0xFFFFC000;
	s21 =	sshll.u32 s22, $0x2;
	s18 =	sadd.s32 $0x6400, s1  }
0xed: {  	[tilespmem:s13], [sflag:$0x1] =	stream.indirect.gather [hbm4b:s3+s20], $0x20, s18, s20, $0xb8;
	[tilespmem:$0x1C800] =	vst v63  }
0xee: {  	s28 =	simm.s32 $0xD800;
	s25 =	sadd.s32 $0x0, s21;
	s18 =	sadd.s32 $0x6480, s1  }
0xef: {  	v7 =	vadd.s32 s25, v0;
	[tilespmem:s28], [sflag:$0x1] =	stream.indirect.gather [hbm4b:s3+s20], $0x20, s18, s20, $0xb8;
	[tilespmem:$0x1C800] =	vst v63  }
0xf0: {  	s25 =	simm.s32 $0xE800;
	s18 =	sadd.s32 $0x6500, s1  }
0xf1: {  	[tilespmem:s25], [sflag:$0x1] =	stream.indirect.gather [hbm4b:s3+s20], $0x20, s18, s20, $0xb8;
	[tilespmem:$0x1C800] =	vst v63  }
0xf2: {  	s1 =	sadd.s32 $0x6580, s1;
	s25 =	simm.s32 $0xF800  }
0xf3: {  	[tilespmem:s25], [sflag:$0x1] =	stream.indirect.gather [hbm4b:s3+s20], $0x20, s1, s20, $0xb8;
	[tilespmem:$0x1C800] =	vst v63  }
0xf4: {  	s18 =	sadd.s32 $0x320, s21;
	v7 =	vld.idx.msk [tilespmem:v7+s2+$0x0], $0xffff  }
0xf5: {  	v8 =	vadd.s32 s18, v0;
	_ =	sdelay $0x2  }
0xf6: {  	s25 =	sshll.u32 s22, $0x9  }
0xf7: {  	s31 =	sadd.s32 $0x640, s21;
	s25 =	sand.u32 $0x3FFFFA00, s25;
	[tilespmem:s30+$0x0] =	vst v7  }
0xf8: {  	s18 =	smov.u32 s30;
	s1 =	simm.s32 $0x960;
	s28 =	sadd.s32 $0x6400, s25;
	v7 =	vld.idx.msk [tilespmem:v8+s2+$0x0], $0xffff  }
.LBB2_23:
0xf9: {  	p0 =	sne.s32 s1, $0x60E0;
	v8 =	vadd.s32 s31, v0;
	_ =	sdelay $0x1  }
.Ltmp15:
0xfa: {  	(pc) =	sbr.rel @p0 .LBB2_23-.Ltmp15, $4  }
0xfb: {  	s18 =	sadd.s32 $0x10, s18  }
0xfc: {  	[tilespmem:s18+$0x0] =	vst v7  }
0xfd: {  	v7 =	vld.idx.msk [tilespmem:v8+s2+$0x0], $0xffff  }
0xfe: {  	s31 =	sadd.s32 s21, s1;
	s1 =	sadd.s32 $0x320, s1  }
0xff: {  	v8 =	vadd.s32 s31, v0;
	_ =	sdelay $0x2  }
0x100: {  	s1 =	sadd.s32 $0x10, s18  }
0x101: {  	[tilespmem:s1+$0x0] =	vst v7  }
0x102: {  	v7 =	vld.idx.msk [tilespmem:v8+s2+$0x0], $0xffff;
	_ =	sdelay $0x3  }
0x103: {  	s1 =	sadd.s32 $0x10, s1  }
0x104: {  	[tilespmem:s1+$0x0] =	vst v7  }
0x105: {  	_ =	swait.ge [sflag:s12], $0x1000  }
0x106: {  	[sflag:s12] =	ssyncset.done $0x0  }
0x107: {  	[sflag:s12] =	ssyncadd.s32 $0xFFFFF000  }
0x108: {  	_ =	swait.ge [sflag:s12], $0x1000  }
0x109: {  	[sflag:s12] =	ssyncset.done $0x0  }
0x10a: {  	[sflag:s12] =	ssyncadd.s32 $0xFFFFF000  }
0x10b: {  	_ =	swait.ge [sflag:s12], $0x1000  }
0x10c: {  	s21 =	sshll.u32 s14, $0xB;
	[sflag:s12] =	ssyncset.done $0x0  }
0x10d: {  	s18 =	sadd.s32 s21, s8;
	[sflag:s12] =	ssyncadd.s32 $0xFFFFF000  }
0x10e: {  	s1 =	sshll.u32 s18, $0x2;
	_ =	swait.ge [sflag:s12], $0x1000  }
0x10f: {  	s1 =	sand.u32 $0x1FFFF000, s1;
	[sflag:s12] =	ssyncset.done $0x0  }
0x110: {  	s31 =	simm.s32 $0x14800;
	s1 =	sadd.s32 s4, s1;
	[sflag:s12] =	ssyncadd.s32 $0xFFFFF000  }
0x111: {  	[hbm4b:s1+s2] =	stream.linear.scatter [tilespmem:s31], [sflag:$0x7], $0x4000, $0x38;
	[tilespmem:$0x1C800] =	vst v63  }
0x112: {  	_ =	swait.ge [sflag:s7], $0x4000  }
0x113: {  	[sflag:s7] =	ssyncset.done $0x0  }
0x114: {  	[sflag:s7] =	ssyncadd.s32 $0xFFFFC000  }
0x115: {  	[tilespmem:s23], [sflag:$0x2] =	stream.indirect.gather [hbm4b:s3+s20], $0x20, s28, s20, $0xb8;
	[tilespmem:$0x1C800] =	vst v63  }
0x116: {  	p0 =	seq.s32 s14, $0xB;
	s31 =	simm.s32 $0x11800;
	s28 =	sadd.s32 $0x6480, s25  }
0x117: {  	[tilespmem:s31], [sflag:$0x2] =	stream.indirect.gather [hbm4b:s3+s20], $0x20, s28, s20, $0xb8;
	[tilespmem:$0x1C800] =	vst v63  }
.Ltmp16:
0x118: {  	_ = 	snop;
	(pc) =	sbr.rel @p0 .LBB2_28-.Ltmp16, $4  }
0x119: {  	s28 =	sadd.s32 $0x6500, s25;
	s31 =	simm.s32 $0x12800  }
0x11a: {  	[tilespmem:s31], [sflag:$0x2] =	stream.indirect.gather [hbm4b:s3+s20], $0x20, s28, s20, $0xb8;
	[tilespmem:$0x1C800] =	vst v63  }
0x11b: {  	s28 =	sadd.s32 $0x6580, s25;
	s31 =	simm.s32 $0x13800;
	s25 =	sadd.s32 $0x6, s15  }
0x11c: {  	[tilespmem:s31], [sflag:$0x2] =	stream.indirect.gather [hbm4b:s3+s20], $0x20, s28, s20, $0xb8;
	[tilespmem:$0x1C800] =	vst v63  }
0x11d: {  	s28 =	sshll.u32 s25, $0x2  }
0x11e: {  	s1 =	sadd.s32 $0x0, s28  }
0x11f: {  	v7 =	vadd.s32 s1, v0;
	_ =	sdelay $0x4  }
0x120: {  	s18 =	sadd.s32 $0x320, s28;
	v7 =	vld.idx.msk [tilespmem:v7+s2+$0x0], $0xffff  }
0x121: {  	v8 =	vadd.s32 s18, v0;
	_ =	sdelay $0x3  }
0x122: {  	[tilespmem:s24+$0x0] =	vst v7  }
0x123: {  	s31 =	sadd.s32 $0x640, s28;
	s1 =	simm.s32 $0x960;
	s18 =	smov.u32 s24;
	v7 =	vld.idx.msk [tilespmem:v8+s2+$0x0], $0xffff  }
.LBB2_26:
0x124: {  	p1 =	sne.s32 s1, $0x60E0;
	v8 =	vadd.s32 s31, v0;
	_ =	sdelay $0x1  }
.Ltmp17:
0x125: {  	(pc) =	sbr.rel @p1 .LBB2_26-.Ltmp17, $4  }
0x126: {  	s18 =	sadd.s32 $0x10, s18  }
0x127: {  	[tilespmem:s18+$0x0] =	vst v7  }
0x128: {  	v7 =	vld.idx.msk [tilespmem:v8+s2+$0x0], $0xffff  }
0x129: {  	s31 =	sadd.s32 s28, s1;
	s1 =	sadd.s32 $0x320, s1  }
0x12a: {  	v8 =	vadd.s32 s31, v0;
	_ =	sdelay $0x2  }
0x12b: {  	s1 =	sadd.s32 $0x10, s18  }
0x12c: {  	[tilespmem:s1+$0x0] =	vst v7  }
0x12d: {  	v7 =	vld.idx.msk [tilespmem:v8+s2+$0x0], $0xffff;
	_ =	sdelay $0x3  }
0x12e: {  	s1 =	sadd.s32 $0x10, s1  }
0x12f: {  	[tilespmem:s1+$0x0] =	vst v7  }
.LBB2_28:
0x130: {  	_ =	swait.ge [sflag:s6], $0x1000  }
0x131: {  	[sflag:s6] =	ssyncset.done $0x0  }
0x132: {  	[sflag:s6] =	ssyncadd.s32 $0xFFFFF000  }
0x133: {  	_ =	swait.ge [sflag:s6], $0x1000  }
0x134: {  	[sflag:s6] =	ssyncset.done $0x0  }
0x135: {  	[sflag:s6] =	ssyncadd.s32 $0xFFFFF000  }
0x136: {  	_ =	swait.ge [sflag:s6], $0x1000  }
0x137: {  	[sflag:s6] =	ssyncset.done $0x0  }
0x138: {  	s1 =	sadd.s32 s21, s9;
	[sflag:s6] =	ssyncadd.s32 $0xFFFFF000  }
0x139: {  	s1 =	sshll.u32 s1, $0x2;
	_ =	swait.ge [sflag:s6], $0x1000  }
0x13a: {  	s18 =	simm.s32 $0x18800;
	s1 =	sand.u32 $0x1FFFF800, s1;
	[sflag:s6] =	ssyncset.done $0x0  }
.Ltmp18:
0x13b: {  	s1 =	sadd.s32 s4, s1;
	[sflag:s6] =	ssyncadd.s32 $0xFFFFF000;
	(pc) =	sbr.rel @p0 .LBB2_32-.Ltmp18, $4  }
0x13c: {  	[hbm4b:s1+s2] =	stream.linear.scatter [tilespmem:s18], [sflag:$0x8], $0x4000, $0x38;
	[tilespmem:$0x1C800] =	vst v63  }
0x13d: {  	_ =	swait.ge [sflag:s19], $0x4000  }
0x13e: {  	[sflag:s19] =	ssyncset.done $0x0  }
0x13f: {  	s21 =	simm.s32 $0x19800;
	[sflag:s19] =	ssyncadd.s32 $0xFFFFC000  }
0x140: {  	s1 =	sshll.u32 s25, $0x9  }
0x141: {  	s1 =	sand.u32 $0x3FFFFE00, s1  }
0x142: {  	s21 =	simm.s32 $0x14800;
	s18 =	sadd.s32 $0x6400, s1  }
0x143: {  	[tilespmem:s21], [sflag:$0x3] =	stream.indirect.gather [hbm4b:s3+s20], $0x20, s18, s20, $0xb8;
	[tilespmem:$0x1C800] =	vst v63  }
0x144: {  	s18 =	sadd.s32 $0x7, s15  }
0x145: {  	s25 =	sshll.u32 s18, $0x2  }
0x146: {  	s31 =	simm.s32 $0x15800;
	s21 =	sadd.s32 $0x6480, s1;
	s28 =	sadd.s32 $0x0, s25  }
0x147: {  	[tilespmem:s31], [sflag:$0x3] =	stream.indirect.gather [hbm4b:s3+s20], $0x20, s21, s20, $0xb8;
	v7 =	vadd.s32 s28, v0;
	[tilespmem:$0x1C800] =	vst v63  }
0x148: {  	s31 =	sadd.s32 $0x6500, s1;
	s28 =	simm.s32 $0x16800  }
0x149: {  	[tilespmem:s28], [sflag:$0x3] =	stream.indirect.gather [hbm4b:s3+s20], $0x20, s31, s20, $0xb8;
	[tilespmem:$0x1C800] =	vst v63  }
0x14a: {  	s1 =	sadd.s32 $0x6580, s1;
	s31 =	simm.s32 $0x17800  }
0x14b: {  	[tilespmem:s31], [sflag:$0x3] =	stream.indirect.gather [hbm4b:s3+s20], $0x20, s1, s20, $0xb8;
	[tilespmem:$0x1C800] =	vst v63  }
0x14c: {  	s31 =	sadd.s32 $0x320, s25;
	v7 =	vld.idx.msk [tilespmem:v7+s2+$0x0], $0xffff  }
0x14d: {  	v8 =	vadd.s32 s31, v0;
	_ =	sdelay $0x3  }
0x14e: {  	s21 =	sshll.u32 s18, $0xB;
	[tilespmem:s16+$0x0] =	vst v7  }
0x14f: {  	s18 =	smov.u32 s16;
	s28 =	sadd.s32 $0x640, s25;
	s1 =	simm.s32 $0x960;
	v7 =	vld.idx.msk [tilespmem:v8+s2+$0x0], $0xffff  }
.LBB2_30:
0x150: {  	p1 =	sne.s32 s1, $0x60E0;
	v8 =	vadd.s32 s28, v0;
	_ =	sdelay $0x1  }
.Ltmp19:
0x151: {  	(pc) =	sbr.rel @p1 .LBB2_30-.Ltmp19, $4  }
0x152: {  	s18 =	sadd.s32 $0x10, s18  }
0x153: {  	[tilespmem:s18+$0x0] =	vst v7  }
0x154: {  	v7 =	vld.idx.msk [tilespmem:v8+s2+$0x0], $0xffff  }
0x155: {  	s28 =	sadd.s32 s25, s1;
	s1 =	sadd.s32 $0x320, s1  }
0x156: {  	v8 =	vadd.s32 s28, v0;
	_ =	sdelay $0x2  }
0x157: {  	s1 =	sadd.s32 $0x10, s18  }
0x158: {  	[tilespmem:s1+$0x0] =	vst v7  }
0x159: {  	v7 =	vld.idx.msk [tilespmem:v8+s2+$0x0], $0xffff;
	_ =	sdelay $0x3  }
0x15a: {  	s1 =	sadd.s32 $0x10, s1  }
0x15b: {  	[tilespmem:s1+$0x0] =	vst v7  }
.LBB2_32:
0x15c: {  	_ =	swait.ge [sflag:s26], $0x1000  }
0x15d: {  	[sflag:s26] =	ssyncset.done $0x0  }
0x15e: {  	[sflag:s26] =	ssyncadd.s32 $0xFFFFF000  }
0x15f: {  	_ =	swait.ge [sflag:s26], $0x1000  }
0x160: {  	[sflag:s26] =	ssyncset.done $0x0  }
0x161: {  	[sflag:s26] =	ssyncadd.s32 $0xFFFFF000  }
0x162: {  	_ =	swait.ge [sflag:s26], $0x1000  }
0x163: {  	[sflag:s26] =	ssyncset.done $0x0  }
0x164: {  	s1 =	sshll.u32 s17, $0xE;
	[sflag:s26] =	ssyncadd.s32 $0xFFFFF000  }
0x165: {  	s1 =	sadd.s32 s10, s1;
	_ =	swait.ge [sflag:s26], $0x1000  }
0x166: {  	s1 =	sshrl.u32 s1, $0x3;
	[sflag:s26] =	ssyncset.done $0x0  }
.Ltmp20:
0x167: {  	s1 =	sadd.s32 s4, s1;
	[sflag:s26] =	ssyncadd.s32 $0xFFFFF000;
	(pc) =	sbr.rel @p0 .LBB2_36-.Ltmp20, $4  }
0x168: {  	[hbm4b:s1+s2] =	stream.linear.scatter [tilespmem:s13], [sflag:$0x5], $0x4000, $0x38;
	[tilespmem:$0x1C800] =	vst v63  }
0x169: {  	_ =	swait.ge [sflag:s11], $0x4000  }
0x16a: {  	[sflag:s11] =	ssyncset.done $0x0  }
0x16b: {  	[sflag:s11] =	ssyncadd.s32 $0xFFFFC000  }
0x16c: {  	s1 =	sshra.s32 s21, $0x2;
	s15 =	sshll.u32 s15, $0x2  }
0x16d: {  	s18 =	simm.s32 $0x18800;
	s17 =	sadd.s32 $0x6400, s1;
	s15 =	sadd.s32 $0x20, s15  }
0x16e: {  	[tilespmem:s18], [sflag:$0x4] =	stream.indirect.gather [hbm4b:s3+s20], $0x20, s17, s20, $0xb8;
	[tilespmem:$0x1C800] =	vst v63  }
0x16f: {  	s31 =	simm.s32 $0x19800;
	s25 =	sadd.s32 $0x6480, s1;
	s28 =	sadd.s32 $0x0, s15  }
0x170: {  	v7 =	vadd.s32 s28, v0;
	[tilespmem:s31], [sflag:$0x4] =	stream.indirect.gather [hbm4b:s3+s20], $0x20, s25, s20, $0xb8;
	[tilespmem:$0x1C800] =	vst v63  }
0x171: {  	s21 =	sadd.s32 $0x6500, s1;
	s25 =	simm.s32 $0x1A800  }
0x172: {  	[tilespmem:s25], [sflag:$0x4] =	stream.indirect.gather [hbm4b:s3+s20], $0x20, s21, s20, $0xb8;
	[tilespmem:$0x1C800] =	vst v63  }
0x173: {  	s1 =	sadd.s32 $0x6580, s1;
	s28 =	simm.s32 $0x1B800  }
0x174: {  	[tilespmem:s28], [sflag:$0x4] =	stream.indirect.gather [hbm4b:s3+s20], $0x20, s1, s20, $0xb8;
	[tilespmem:$0x1C800] =	vst v63  }
0x175: {  	s31 =	sadd.s32 $0x320, s15;
	v7 =	vld.idx.msk [tilespmem:v7+s2+$0x0], $0xffff  }
0x176: {  	v8 =	vadd.s32 s31, v0;
	_ =	sdelay $0x3  }
0x177: {  	[tilespmem:s29+$0x0] =	vst v7  }
0x178: {  	s18 =	sadd.s32 $0x640, s15;
	s17 =	smov.u32 s29;
	s1 =	simm.s32 $0x960;
	v7 =	vld.idx.msk [tilespmem:v8+s2+$0x0], $0xffff  }
.LBB2_34:
0x179: {  	p0 =	sne.s32 s1, $0x60E0;
	v8 =	vadd.s32 s18, v0;
	_ =	sdelay $0x1  }
.Ltmp21:
0x17a: {  	(pc) =	sbr.rel @p0 .LBB2_34-.Ltmp21, $4  }
0x17b: {  	s17 =	sadd.s32 $0x10, s17  }
0x17c: {  	[tilespmem:s17+$0x0] =	vst v7  }
0x17d: {  	v7 =	vld.idx.msk [tilespmem:v8+s2+$0x0], $0xffff  }
0x17e: {  	s18 =	sadd.s32 s15, s1;
	s1 =	sadd.s32 $0x320, s1  }
0x17f: {  	v8 =	vadd.s32 s18, v0;
	_ =	sdelay $0x2  }
0x180: {  	s1 =	sadd.s32 $0x10, s17  }
0x181: {  	[tilespmem:s1+$0x0] =	vst v7  }
0x182: {  	v7 =	vld.idx.msk [tilespmem:v8+s2+$0x0], $0xffff  }
.Ltmp22:
0x183: {  	_ = 	snop;
	(pc) =	sbr.rel .LBB2_36-.Ltmp22, $3  }
0x184: {  	_ =	sdelay $0x1  }
0x185: {  	s1 =	sadd.s32 $0x10, s1  }
0x186: {  	[tilespmem:s1+$0x0] =	vst v7  }
.LBB2_4:
.Ltmp23:
0x187: {  	(pc) =	sbr.rel .LBB2_10-.Ltmp23, $2  }
0x188: {  	_ =	sdelay $0x2  }
0x189: {  	s17 =	simm.s32 $0x6600;
	p3 =	por $0x0, $0x0  }
.LBB2_11:
.Ltmp24:
0x18a: {  	(pc) =	sbr.rel .LBB2_17-.Ltmp24, $2  }
0x18b: {  	_ =	sdelay $0x2  }
0x18c: {  	s14 =	simm.s32 $0x6800;
	p1 =	por $0x0, $0x0  }
.LBB2_6:
.Ltmp25:
0x18d: {  	(pc) =	sbr.rel .LBB2_10-.Ltmp25, $2  }
0x18e: {  	_ =	sdelay $0x2  }
0x18f: {  	s17 =	simm.s32 $0x6600;
	p3 =	por $0x0, $0x0  }
.LBB2_13:
.Ltmp26:
0x190: {  	(pc) =	sbr.rel .LBB2_17-.Ltmp26, $2  }
0x191: {  	_ =	sdelay $0x2  }
0x192: {  	s14 =	simm.s32 $0x6800  }
.LBB2_8:
.Ltmp27:
0x193: {  	(pc) =	sbr.rel .LBB2_10-.Ltmp27, $2  }
0x194: {  	_ =	sdelay $0x2  }
0x195: {  	s17 =	simm.s32 $0x6600  }
.LBB2_15:
.Ltmp28:
0x196: {  	(pc) =	sbr.rel .LBB2_17-.Ltmp28, $2  }
0x197: {  	_ =	sdelay $0x2  }
0x198: {  	s14 =	simm.s32 $0x6800  }
.LBB2_38:
0x199: {  	_ =	sfence.sel $0x180000  }
0x19a: {  	[bflag:$0x0] =	sbarrier.arrive $0xFFFF  }
0x19b: {  	_ =	strace $0x90000047  }
0x19c: {  	s0 =	stileid.u32;
	[bflag:$0x2] =	sbarrier.arrive $0xFFFF  }
0x19d: {  	p0 =	sne.s32 s0, $0x0;
	s0 =	rddreg [dreg:$0x1]  }
0x19e: {  	s0 =	sadd.s32 @!p0 $0x100000, s0  }
0x19f: {  	[sflag:s0] =	ssyncadd.tile.s32 @!p0 $0x1;
	_ =	shalt  }
.Lfunc_end2:
_tile_overlayer_lowered:
.L_overlay_start_2:
0x1a0: {  	(tag) =	ssettag $0x2  }
0x1a1: {  	s0 =	rddreg [dreg:$0x0];
	s2 =	stileid.u32  }
0x1a2: {  	s1 =	rddreg [dreg:$0x1];
	p0 =	sne.s32 s2, $0x0  }
0x1a3: {  	s3 =	rddreg [dreg:$0x2];
	[bflag:$0x3] =	sbarrier.arrive $0xFFFF;
	s2 =	simm.s32 @!p0 $0x1C09  }
0x1a4: {  	[timem:s3], [sflag:s2] =	dma.local @!p0 [hbm:s0], s1  }
0x1a5: {  	s0 =	simm.s32 @!p0 $0x9  }
0x1a6: {  	_ =	swait.ge @!p0 [sflag:s0], s1  }
0x1a7: {  	s1 =	ssub.s32 @!p0 $0x0, s1;
	[sflag:s0] =	ssyncset.done @!p0 $0x0  }
0x1a8: {  	[sflag:s0] =	ssyncadd.s32 @!p0 s1  }
0x1a9: {  	[bflag:$0x3] =	sbarrier.arrive $0xFFFF  }
0x1aa: {  	_ =	shalt  }

</sc_bundles>
